<compile_context>
chip_gen: v7x
topology: tpu7x:2x2x1
jax: 0.10.2.dev20260603
libtpu: 0.0.44.dev20260713+nightly
codegen_flags: <defaults>
</compile_context>

<pallas_src>
import functools

import jax
import jax.numpy as jnp
from jax import lax
from jax.experimental import pallas as pl
from jax.experimental.pallas import tpu as pltpu
from jax.experimental.pallas import tpu_sc as plsc

VOCAB = 100000
VOCAB_PAD = 102400
DIM = 128
SCALING = 1.0
NPAD = 1024
NC, NS, L = 2, 16, 16
NW = NC * NS
CHUNK = 128

_RID_SLICE = VOCAB_PAD // NS


def _wid():
    return lax.axis_index("s") * NC + lax.axis_index("c")


def _mesh():
    return plsc.VectorSubcoreMesh(core_axis_name="c", subcore_axis_name="s")


_CP = pltpu.CompilerParams(needs_layout_passes=False, use_tc_tiling_on_sc=False)


def _make_fused(n_tok):
    b_per_w = n_tok // NW
    n_chunks = b_per_w // CHUNK

    @functools.partial(
        pl.kernel,
        out_type=jax.ShapeDtypeStruct((n_tok, DIM), jnp.float32),
        mesh=_mesh(),
        compiler_params=_CP,
        scratch_types=[
            pltpu.VMEM((n_chunks, CHUNK), jnp.int32),
            pltpu.VMEM((CHUNK,), jnp.int32),
            pltpu.VMEM((CHUNK,), jnp.int32),
            pltpu.VMEM((CHUNK, DIM), jnp.float32),
            pltpu.VMEM((CHUNK, DIM), jnp.float32),
            pltpu.VMEM((NPAD,), jnp.int32),
            pltpu.VMEM((NPAD,), jnp.float32),
            pltpu.VMEM((_RID_SLICE,), jnp.int32),
            pltpu.VMEM((NPAD,), jnp.int32),
            pltpu.VMEM((NPAD,), jnp.int32),
            pltpu.VMEM((CHUNK,), jnp.int32),
            pltpu.VMEM((CHUNK,), jnp.int32),
            pltpu.VMEM((CHUNK,), jnp.float32),
            pltpu.SemaphoreType.DMA,
            pltpu.SemaphoreType.DMA,
            pltpu.SemaphoreType.DMA,
            pltpu.SemaphoreType.DMA,
            pltpu.SemaphoreType.DMA,
            pltpu.SemaphoreType.DMA,
            pltpu.SemaphoreType.DMA,
            pltpu.SemaphoreType.DMA,
            pltpu.VMEM_SHARED((VOCAB_PAD,), jnp.int32),
            pltpu.VMEM_SHARED((NPAD,), jnp.int32),
            pltpu.VMEM_SHARED((NPAD,), jnp.float32),
        ],
    )
    def fused(xf2_hbm, w_hbm, srow_hbm, pval_hbm, order_hbm, col_hbm, val_hbm,
              out_hbm,
              idx2_v, ridv0, ridv1, rows0, rows1, scol_v, sval_v,
              rid_loc, srow_v, pval_v, ord_v, colg_v, valg_v,
              sw0, sw1, sr0, sr1, so0, so1, sg0, sg1,
              rid_sh, scol_sh, sval_sh):
        wid = _wid()
        s = lax.axis_index("s")
        rows = (rows0, rows1)
        ridv = (ridv0, ridv1)
        sw = (sw0, sw1)
        sr = (sr0, sr1)
        so = (so0, so1)
        out_base = wid * b_per_w

        pltpu.sync_copy(xf2_hbm.at[pl.ds(wid * n_chunks, n_chunks)], idx2_v)
        for b in range(2):
            pltpu.async_copy(w_hbm.at[idx2_v.at[b]], rows[b], sw[b])

        lo = s * _RID_SLICE

        def zero_body(i, c):
            rid_loc[pl.ds(i * L, L)] = jnp.zeros((L,), jnp.int32)
            return c

        lax.fori_loop(0, _RID_SLICE // L, zero_body, 0)
        pltpu.sync_copy(srow_hbm, srow_v)
        pltpu.sync_copy(pval_hbm, pval_v)

        def scat_body(i, c):
            off = i * L
            r = srow_v[pl.ds(off, L)] - lo
            v = pval_v[pl.ds(off, L)]
            msk = (r >= 0) & (r < _RID_SLICE)
            plsc.store_scatter(rid_loc, [r], v, mask=msk)
            return c

        lax.fori_loop(0, NPAD // L, scat_body, 0)
        pltpu.sync_copy(rid_loc, rid_sh.at[pl.ds(lo, _RID_SLICE)])

        @pl.when(s < NPAD // CHUNK)
        def _():
            pltpu.sync_copy(order_hbm.at[pl.ds(s * CHUNK, CHUNK)], ord_v)
            pltpu.async_copy(col_hbm.at[ord_v], colg_v, sg0)
            pltpu.async_copy(val_hbm.at[ord_v], valg_v, sg1)
            pltpu.make_async_copy(col_hbm.at[ord_v], colg_v, sg0).wait()
            pltpu.make_async_copy(val_hbm.at[ord_v], valg_v, sg1).wait()
            pltpu.sync_copy(colg_v, scol_sh.at[pl.ds(s * CHUNK, CHUNK)])
            pltpu.sync_copy(valg_v, sval_sh.at[pl.ds(s * CHUNK, CHUNK)])

        plsc.subcore_barrier()
        pltpu.sync_copy(scol_sh, scol_v)
        pltpu.sync_copy(sval_sh, sval_v)

        def start_gather(t, b):
            @pl.when(t < n_chunks)
            def _():
                @pl.when(t >= 2)
                def _():
                    pltpu.make_async_copy(
                        rows[b], out_hbm.at[pl.ds(out_base, CHUNK)], so[b]
                    ).wait()
                pltpu.async_copy(w_hbm.at[idx2_v.at[t]], rows[b], sw[b])
                pltpu.async_copy(rid_sh.at[idx2_v.at[t]], ridv[b], sr[b])

        def finish_chunk(t, b):
            @pl.when(jnp.logical_and(t >= 0, t < n_chunks))
            def _():
                pltpu.make_async_copy(
                    w_hbm.at[idx2_v.at[0]], rows[b], sw[b]
                ).wait()
                pltpu.make_async_copy(
                    rid_sh.at[idx2_v.at[0]], ridv[b], sr[b]
                ).wait()
                for v in range(CHUNK // L):
                    rv = ridv[b][pl.ds(v * L, L)]
                    cnt = lax.bitwise_and(rv, 2047)
                    start = lax.shift_right_logical(rv, 11)
                    m = jnp.max(cnt)
                    lanes = lax.iota(jnp.int32, L) + (v * L)

                    def delta_body(k, cc, start=start, cnt=cnt, lanes=lanes, b=b):
                        msk = k < cnt
                        j = jnp.minimum(start + k, NPAD - 1)
                        col = plsc.load_gather(scol_v, [j], mask=msk)
                        val = plsc.load_gather(sval_v, [j], mask=msk)
                        plsc.addupdate_scatter(rows[b], [lanes, col], val, mask=msk)
                        return cc

                    lax.fori_loop(0, m, delta_body, 0)
                pltpu.async_copy(
                    rows[b], out_hbm.at[pl.ds(out_base + t * CHUNK, CHUNK)], so[b]
                )

        pltpu.async_copy(rid_sh.at[idx2_v.at[0]], ridv0, sr0)
        pltpu.async_copy(rid_sh.at[idx2_v.at[1]], ridv1, sr1)
        finish_chunk(0, 0)

        def turn(i, c):
            for b in range(2):
                t = 2 * i + b
                start_gather(t, b)
                finish_chunk(t - 1, 1 - b)
            return c

        lax.fori_loop(1, (n_chunks + 2) // 2, turn, 0)
        pltpu.make_async_copy(rows0, out_hbm.at[pl.ds(out_base, CHUNK)], so0).wait()
        pltpu.make_async_copy(rows1, out_hbm.at[pl.ds(out_base, CHUNK)], so1).wait()

    return fused


def kernel(x, W, spectrum, row_idx, col_idx):
    bsz, hist = x.shape
    n_tok = bsz * hist
    xf = jnp.transpose(x).reshape(n_tok).astype(jnp.int32)
    n_freq = row_idx.shape[0]

    pad = NPAD - n_freq
    iota = jnp.arange(NPAD, dtype=jnp.int32)
    row_p = jnp.pad(row_idx.astype(jnp.int32), (0, pad), constant_values=VOCAB_PAD)
    srow_p, order_p = lax.sort_key_val(row_p, iota)
    is_start = jnp.concatenate([jnp.ones((1,), bool), srow_p[1:] != srow_p[:-1]])
    first = lax.cummax(jnp.where(is_start, iota, 0))
    is_end = jnp.concatenate([srow_p[:-1] != srow_p[1:], jnp.ones((1,), bool)])
    last = jnp.flip(lax.cummin(jnp.flip(jnp.where(is_end, iota, NPAD - 1))))
    packed_p = first * 2048 + (last - first + 1)
    col_p = jnp.pad(col_idx.astype(jnp.int32), (0, pad))
    val_p = jnp.pad(spectrum.astype(jnp.float32) * SCALING, (0, pad))

    xf2 = xf.reshape(n_tok // CHUNK, CHUNK)
    out = _make_fused(n_tok)(xf2, W, srow_p, packed_p, order_p, col_p, val_p)
    return jnp.transpose(out.reshape(hist, bsz, DIM), (1, 0, 2))

# --- scband reference (transcript-rebuilt; emitter-appended) ---
"""Pipeline reference for scband-embedding-85959475462526 (READ-ONLY COPY).

The authoritative reference and input builder live on the scoring server;
editing this copy changes nothing except your own understanding.
"""

import jax, jax.numpy as jnp
import numpy as np

VOCAB = 100000
DIM = 128
N_FREQ = 1000
SCALING = 1.0
BATCH = 4096
HIST = 50


def setup_inputs(seed: int = 0) -> dict:
    key = jax.random.key(seed)
    k1, k2, k3, k4 = jax.random.split(key, 4)
    # token indices into the embedding table
    x = jax.random.randint(k1, (BATCH, HIST), 0, VOCAB, dtype=jnp.int32)
    # base embedding table (base_layer.weight)
    W = jax.random.normal(k2, (VOCAB, DIM), dtype=jnp.float32)
    # FourierFT spectrum parameter, init std=0.02 (reset_fourierft_parameters)
    spectrum = jax.random.normal(k3, (N_FREQ,), dtype=jnp.float32) * 0.02
    # frequency locations: randperm(total)[:n_frequency] analogue; collisions are
    # vanishingly rare for 1000 draws from 12.8M and only overwrite in scatter
    flat_idx = jax.random.randint(k4, (N_FREQ,), 0, VOCAB * DIM, dtype=jnp.int32)
    row_idx = flat_idx // DIM
    col_idx = flat_idx % DIM
    return {"x": x, "W": W, "spectrum": spectrum, "row_idx": row_idx, "col_idx": col_idx}


def reference(x, W, spectrum, row_idx, col_idx):
    # base_layer(x): embedding gather
    result = jnp.take(W, x, axis=0)
    torch_result_dtype = result.dtype
    # get_delta_weight: scatter spectrum * scaling into a dense zero matrix
    delta_w = jnp.zeros((VOCAB, DIM), dtype=spectrum.dtype).at[row_idx, col_idx].set(spectrum * SCALING)
    # after_A = F.embedding(x, delta_w)
    after_A = jnp.take(delta_w, x, axis=0)
    result = result + after_A
    return result.astype(torch_result_dtype)

if __name__ == "__main__":
    import jax
    _d = setup_inputs()
    print(jax.jit(kernel)(*tuple(_d.values())))

</pallas_src>

<mosaic_0001>
#map = affine_map<(d0, d1) -> (0, 0)>
#map1 = affine_map<(d0, d1) -> (0)>
module attributes {stable_mosaic.version = 14 : i64} {
  func.func @fused(%arg0: i32, %arg1: i32, %arg2: memref<1600x128xi32, #tpu.memory_space<hbm>>, %arg3: memref<100000x128xf32, #tpu.memory_space<hbm>>, %arg4: memref<1024xi32, #tpu.memory_space<hbm>>, %arg5: memref<1024xi32, #tpu.memory_space<hbm>>, %arg6: memref<1024xi32, #tpu.memory_space<hbm>>, %arg7: memref<1024xi32, #tpu.memory_space<hbm>>, %arg8: memref<1024xf32, #tpu.memory_space<hbm>>, %arg9: memref<204800x128xf32, #tpu.memory_space<hbm>>, %arg10: memref<50x128xi32, #tpu.memory_space<vmem>>, %arg11: memref<128xi32, #tpu.memory_space<vmem>>, %arg12: memref<128xi32, #tpu.memory_space<vmem>>, %arg13: memref<128x128xf32, #tpu.memory_space<vmem>>, %arg14: memref<128x128xf32, #tpu.memory_space<vmem>>, %arg15: memref<1024xi32, #tpu.memory_space<vmem>>, %arg16: memref<1024xf32, #tpu.memory_space<vmem>>, %arg17: memref<6400xi32, #tpu.memory_space<vmem>>, %arg18: memref<1024xi32, #tpu.memory_space<vmem>>, %arg19: memref<1024xi32, #tpu.memory_space<vmem>>, %arg20: memref<128xi32, #tpu.memory_space<vmem>>, %arg21: memref<128xi32, #tpu.memory_space<vmem>>, %arg22: memref<128xf32, #tpu.memory_space<vmem>>, %arg23: memref<!tpu.dma_semaphore, #tpu.memory_space<semaphore_mem>>, %arg24: memref<!tpu.dma_semaphore, #tpu.memory_space<semaphore_mem>>, %arg25: memref<!tpu.dma_semaphore, #tpu.memory_space<semaphore_mem>>, %arg26: memref<!tpu.dma_semaphore, #tpu.memory_space<semaphore_mem>>, %arg27: memref<!tpu.dma_semaphore, #tpu.memory_space<semaphore_mem>>, %arg28: memref<!tpu.dma_semaphore, #tpu.memory_space<semaphore_mem>>, %arg29: memref<!tpu.dma_semaphore, #tpu.memory_space<semaphore_mem>>, %arg30: memref<!tpu.dma_semaphore, #tpu.memory_space<semaphore_mem>>, %arg31: memref<102400xi32, #tpu.memory_space<vmem_shared>>, %arg32: memref<1024xi32, #tpu.memory_space<vmem_shared>>, %arg33: memref<1024xf32, #tpu.memory_space<vmem_shared>>) attributes {dimension_semantics = [#tpu.dimension_semantics<core_parallel>, #tpu.dimension_semantics<subcore_parallel>], iteration_bounds = array<i64: 2, 16>, scalar_prefetch = 0 : i64, scratch_operands = 24 : i64, tpu.core_type = #tpu.core_type<sc_vector_subcore>, window_params = [{transform_indices = #map}, {transform_indices = #map}, {transform_indices = #map1}, {transform_indices = #map1}, {transform_indices = #map1}, {transform_indices = #map1}, {transform_indices = #map1}, {transform_indices = #map}]} {
    %mul3A = arith.constant 2 : i32
    %mul3A_0 = arith.muli %arg1, %mul3A : i32
    %add3A = arith.addi %mul3A_0, %arg0 : i32
    %mul3A_1 = arith.constant 6400 : i32
    %mul3A_2 = arith.muli %add3A, %mul3A_1 : i32
    %mul3A_3 = arith.constant 50 : i32
    %mul3A_4 = arith.muli %add3A, %mul3A_3 : i32
    "tpu.region"() ({
      %run_scoped3A = tpu.sem_alloc : memref<!tpu.dma_semaphore, #tpu.memory_space<semaphore_mem>>
      %dma_start3A_63 = arith.constant 0 : i32
      %dma_start3A_64 = tpu.memref_slice %arg2[%mul3A_4, %dma_start3A_63] : memref<1600x128xi32, #tpu.memory_space<hbm>> -> memref<50x128xi32, #tpu.memory_space<hbm>>
      %dma_start3A_65 = arith.constant 0 : i32
      %dma_start3A_66 = tpu.memref_slice %arg2[%mul3A_4, %dma_start3A_65] : memref<1600x128xi32, #tpu.memory_space<hbm>> -> memref<50x128xi32, #tpu.memory_space<hbm>>
      tpu.enqueue_dma source(%dma_start3A_66 : memref<50x128xi32, #tpu.memory_space<hbm>>) target(%arg10 : memref<50x128xi32, #tpu.memory_space<vmem>>) target_semaphore(%run_scoped3A : memref<!tpu.dma_semaphore, #tpu.memory_space<semaphore_mem>>)
      %dma_wait3A_67 = arith.constant 0 : i32
      %dma_wait3A_68 = tpu.memref_slice %arg2[%mul3A_4, %dma_wait3A_67] : memref<1600x128xi32, #tpu.memory_space<hbm>> -> memref<50x128xi32, #tpu.memory_space<hbm>>
      %dma_wait3A_69 = arith.constant 0 : i32
      %dma_wait3A_70 = tpu.memref_slice %arg2[%mul3A_4, %dma_wait3A_69] : memref<1600x128xi32, #tpu.memory_space<hbm>> -> memref<50x128xi32, #tpu.memory_space<hbm>>
      tpu.wait_dma2 semaphore(%run_scoped3A : memref<!tpu.dma_semaphore, #tpu.memory_space<semaphore_mem>>) src(%dma_wait3A_70 : memref<50x128xi32, #tpu.memory_space<hbm>>) dst(%arg10 : memref<50x128xi32, #tpu.memory_space<vmem>>)
      tpu.yield
    }) : () -> ()
    %dma_start3A = arith.constant 0 : i32
    %dma_start3A_5 = arith.constant 0 : i32
    %dma_start3A_6 = tpu.memref_slice %arg10[%dma_start3A, %dma_start3A_5] : memref<50x128xi32, #tpu.memory_space<vmem>> -> memref<1x128xi32, #tpu.memory_space<vmem>>
    %dma_start3A_7 = tpu.memref_squeeze %dma_start3A_6 : memref<1x128xi32, #tpu.memory_space<vmem>> -> memref<128xi32, #tpu.memory_space<vmem>>
    %dma_start3A_8 = arith.constant 0 : i32
    %dma_start3A_9 = arith.constant 0 : i32
    %dma_start3A_10 = tpu.memref_slice %arg3[%dma_start3A_8, %dma_start3A_9] : memref<100000x128xf32, #tpu.memory_space<hbm>> -> memref<100000x128xf32, #tpu.memory_space<hbm>>
    tpu.enqueue_indirect_dma source(%dma_start3A_10 : memref<100000x128xf32, #tpu.memory_space<hbm>>) target(%arg13 : memref<128x128xf32, #tpu.memory_space<vmem>>) offsets(%dma_start3A_7 : memref<128xi32, #tpu.memory_space<vmem>>) semaphore(%arg23 : memref<!tpu.dma_semaphore, #tpu.memory_space<semaphore_mem>>)
    %dma_start3A_11 = arith.constant 1 : i32
    %dma_start3A_12 = arith.constant 0 : i32
    %dma_start3A_13 = tpu.memref_slice %arg10[%dma_start3A_11, %dma_start3A_12] : memref<50x128xi32, #tpu.memory_space<vmem>> -> memref<1x128xi32, #tpu.memory_space<vmem>>
    %dma_start3A_14 = tpu.memref_squeeze %dma_start3A_13 : memref<1x128xi32, #tpu.memory_space<vmem>> -> memref<128xi32, #tpu.memory_space<vmem>>
    %dma_start3A_15 = arith.constant 0 : i32
    %dma_start3A_16 = arith.constant 0 : i32
    %dma_start3A_17 = tpu.memref_slice %arg3[%dma_start3A_15, %dma_start3A_16] : memref<100000x128xf32, #tpu.memory_space<hbm>> -> memref<100000x128xf32, #tpu.memory_space<hbm>>
    tpu.enqueue_indirect_dma source(%dma_start3A_17 : memref<100000x128xf32, #tpu.memory_space<hbm>>) target(%arg14 : memref<128x128xf32, #tpu.memory_space<vmem>>) offsets(%dma_start3A_14 : memref<128xi32, #tpu.memory_space<vmem>>) semaphore(%arg24 : memref<!tpu.dma_semaphore, #tpu.memory_space<semaphore_mem>>)
    %mul3A_18 = arith.constant 6400 : i32
    %mul3A_19 = arith.muli %arg1, %mul3A_18 : i32
    %scan3A = arith.constant 0 : i32
    %scan3A_20 = arith.constant 0 : i32
    %scan3A_21 = arith.constant 400 : i32
    %scan3A_22 = arith.addi %scan3A_20, %scan3A_21 : i32
    %scan3A_23 = arith.constant 1 : i32
    scf.for %scan3A_63 = %scan3A_20 to %scan3A_22 step %scan3A_23  : i32 {
      %broadcast_in_dim3A = arith.constant 0 : i32
      %broadcast_in_dim3A_64 = vector.broadcast %broadcast_in_dim3A : i32 to vector<16xi32>
      %mul3A_65 = arith.constant 16 : i32
      %mul3A_66 = arith.muli %scan3A_63, %mul3A_65 : i32
      %swap3A = arith.index_cast %mul3A_66 : i32 to index
      %swap3A_67 = tpu.vector_load %arg17[%swap3A] {strides = array<i32>} : memref<6400xi32, #tpu.memory_space<vmem>>, vector<16xi32>,
      tpu.vector_store %arg17[%swap3A], %broadcast_in_dim3A_64 {strides = array<i32>} : memref<6400xi32, #tpu.memory_space<vmem>>, vector<16xi32>,
    }
    %scan3A_24 = arith.constant 400 : i32
    "tpu.region"() ({
      %run_scoped3A = tpu.sem_alloc : memref<!tpu.dma_semaphore, #tpu.memory_space<semaphore_mem>>
      tpu.enqueue_dma source(%arg4 : memref<1024xi32, #tpu.memory_space<hbm>>) target(%arg18 : memref<1024xi32, #tpu.memory_space<vmem>>) target_semaphore(%run_scoped3A : memref<!tpu.dma_semaphore, #tpu.memory_space<semaphore_mem>>)
      tpu.wait_dma2 semaphore(%run_scoped3A : memref<!tpu.dma_semaphore, #tpu.memory_space<semaphore_mem>>) src(%arg4 : memref<1024xi32, #tpu.memory_space<hbm>>) dst(%arg18 : memref<1024xi32, #tpu.memory_space<vmem>>)
      tpu.yield
    }) : () -> ()
    "tpu.region"() ({
      %run_scoped3A = tpu.sem_alloc : memref<!tpu.dma_semaphore, #tpu.memory_space<semaphore_mem>>
      tpu.enqueue_dma source(%arg5 : memref<1024xi32, #tpu.memory_space<hbm>>) target(%arg19 : memref<1024xi32, #tpu.memory_space<vmem>>) target_semaphore(%run_scoped3A : memref<!tpu.dma_semaphore, #tpu.memory_space<semaphore_mem>>)
      tpu.wait_dma2 semaphore(%run_scoped3A : memref<!tpu.dma_semaphore, #tpu.memory_space<semaphore_mem>>) src(%arg5 : memref<1024xi32, #tpu.memory_space<hbm>>) dst(%arg19 : memref<1024xi32, #tpu.memory_space<vmem>>)
      tpu.yield
    }) : () -> ()
    %scan3A_25 = arith.constant 0 : i32
    %scan3A_26 = arith.constant 0 : i32
    %scan3A_27 = arith.constant 64 : i32
    %scan3A_28 = arith.addi %scan3A_26, %scan3A_27 : i32
    %scan3A_29 = arith.constant 1 : i32
    scf.for %scan3A_63 = %scan3A_26 to %scan3A_28 step %scan3A_29  : i32 {
      %mul3A_64 = arith.constant 16 : i32
      %mul3A_65 = arith.muli %scan3A_63, %mul3A_64 : i32
      %get3A = arith.index_cast %mul3A_65 : i32 to index
      %get3A_66 = tpu.vector_load %arg18[%get3A] {strides = array<i32>} : memref<1024xi32, #tpu.memory_space<vmem>>, vector<16xi32>,
      %sub3A = vector.broadcast %mul3A_19 : i32 to vector<16xi32>
      %sub3A_67 = arith.subi %get3A_66, %sub3A : vector<16xi32>
      %get3A_68 = arith.index_cast %mul3A_65 : i32 to index
      %get3A_69 = tpu.vector_load %arg19[%get3A_68] {strides = array<i32>} : memref<1024xi32, #tpu.memory_space<vmem>>, vector<16xi32>,
      %ge3A = arith.constant 0 : i32
      %ge3A_70 = vector.broadcast %ge3A : i32 to vector<16xi32>
      %ge3A_71 = arith.cmpi sge, %sub3A_67, %ge3A_70 : vector<16xi32>
      %lt3A_72 = arith.constant 6400 : i32
      %lt3A_73 = vector.broadcast %lt3A_72 : i32 to vector<16xi32>
      %lt3A_74 = arith.cmpi slt, %sub3A_67, %lt3A_73 : vector<16xi32>
      %and3A_75 = arith.andi %ge3A_71, %lt3A_74 : vector<16xi1>
      tpu.vector_store_idx %arg17[%sub3A_67], %get3A_69 masked %and3A_75 : memref<6400xi32, #tpu.memory_space<vmem>>[vector<16xi32>], vector<16xi32>, vector<16xi1>
    }
    %scan3A_30 = arith.constant 64 : i32
    "tpu.region"() ({
      %run_scoped3A = tpu.sem_alloc : memref<!tpu.dma_semaphore, #tpu.memory_space<semaphore_mem>>
      %dma_start3A_63 = tpu.memref_slice %arg31[%mul3A_19] : memref<102400xi32, #tpu.memory_space<vmem_shared>> -> memref<6400xi32, #tpu.memory_space<vmem_shared>>
      %dma_start3A_64 = tpu.memref_slice %arg31[%mul3A_19] : memref<102400xi32, #tpu.memory_space<vmem_shared>> -> memref<6400xi32, #tpu.memory_space<vmem_shared>>
      tpu.enqueue_dma source(%arg17 : memref<6400xi32, #tpu.memory_space<vmem>>) target(%dma_start3A_64 : memref<6400xi32, #tpu.memory_space<vmem_shared>>) target_semaphore(%run_scoped3A : memref<!tpu.dma_semaphore, #tpu.memory_space<semaphore_mem>>)
      %dma_wait3A_65 = tpu.memref_slice %arg31[%mul3A_19] : memref<102400xi32, #tpu.memory_space<vmem_shared>> -> memref<6400xi32, #tpu.memory_space<vmem_shared>>
      %dma_wait3A_66 = tpu.memref_slice %arg31[%mul3A_19] : memref<102400xi32, #tpu.memory_space<vmem_shared>> -> memref<6400xi32, #tpu.memory_space<vmem_shared>>
      tpu.wait_dma2 semaphore(%run_scoped3A : memref<!tpu.dma_semaphore, #tpu.memory_space<semaphore_mem>>) src(%arg17 : memref<6400xi32, #tpu.memory_space<vmem>>) dst(%dma_wait3A_66 : memref<6400xi32, #tpu.memory_space<vmem_shared>>)
      tpu.yield
    }) : () -> ()
    %lt3A = arith.constant 8 : i32
    %lt3A_31 = arith.cmpi slt, %arg1, %lt3A : i32
    %convert_element_type3A = arith.extui %lt3A_31 : i1 to i32
    %cond3A = arith.constant 0 : i32
    %cond3A_32 = arith.cmpi ne, %convert_element_type3A, %cond3A : i32
    scf.if %cond3A_32 {
      %mul3A_63 = arith.constant 128 : i32
      %mul3A_64 = arith.muli %arg1, %mul3A_63 : i32
      "tpu.region"() ({
        %run_scoped3A = tpu.sem_alloc : memref<!tpu.dma_semaphore, #tpu.memory_space<semaphore_mem>>
        %dma_start3A_77 = tpu.memref_slice %arg6[%mul3A_64] : memref<1024xi32, #tpu.memory_space<hbm>> -> memref<128xi32, #tpu.memory_space<hbm>>
        %dma_start3A_78 = tpu.memref_slice %arg6[%mul3A_64] : memref<1024xi32, #tpu.memory_space<hbm>> -> memref<128xi32, #tpu.memory_space<hbm>>
        tpu.enqueue_dma source(%dma_start3A_78 : memref<128xi32, #tpu.memory_space<hbm>>) target(%arg20 : memref<128xi32, #tpu.memory_space<vmem>>) target_semaphore(%run_scoped3A : memref<!tpu.dma_semaphore, #tpu.memory_space<semaphore_mem>>)
        %dma_wait3A_79 = tpu.memref_slice %arg6[%mul3A_64] : memref<1024xi32, #tpu.memory_space<hbm>> -> memref<128xi32, #tpu.memory_space<hbm>>
        %dma_wait3A_80 = tpu.memref_slice %arg6[%mul3A_64] : memref<1024xi32, #tpu.memory_space<hbm>> -> memref<128xi32, #tpu.memory_space<hbm>>
        tpu.wait_dma2 semaphore(%run_scoped3A : memref<!tpu.dma_semaphore, #tpu.memory_space<semaphore_mem>>) src(%dma_wait3A_80 : memref<128xi32, #tpu.memory_space<hbm>>) dst(%arg20 : memref<128xi32, #tpu.memory_space<vmem>>)
        tpu.yield
      }) : () -> ()
      %dma_start3A_65 = arith.constant 0 : i32
      %dma_start3A_66 = tpu.memref_slice %arg7[%dma_start3A_65] : memref<1024xi32, #tpu.memory_space<hbm>> -> memref<1024xi32, #tpu.memory_space<hbm>>
      tpu.enqueue_indirect_dma source(%dma_start3A_66 : memref<1024xi32, #tpu.memory_space<hbm>>) target(%arg21 : memref<128xi32, #tpu.memory_space<vmem>>) offsets(%arg20 : memref<128xi32, #tpu.memory_space<vmem>>) semaphore(%arg29 : memref<!tpu.dma_semaphore, #tpu.memory_space<semaphore_mem>>)
      %dma_start3A_67 = arith.constant 0 : i32
      %dma_start3A_68 = tpu.memref_slice %arg8[%dma_start3A_67] : memref<1024xf32, #tpu.memory_space<hbm>> -> memref<1024xf32, #tpu.memory_space<hbm>>
      tpu.enqueue_indirect_dma source(%dma_start3A_68 : memref<1024xf32, #tpu.memory_space<hbm>>) target(%arg22 : memref<128xf32, #tpu.memory_space<vmem>>) offsets(%arg20 : memref<128xi32, #tpu.memory_space<vmem>>) semaphore(%arg30 : memref<!tpu.dma_semaphore, #tpu.memory_space<semaphore_mem>>)
      %dma_wait3A_69 = arith.constant 0 : i32
      %dma_wait3A_70 = tpu.memref_slice %arg7[%dma_wait3A_69] : memref<1024xi32, #tpu.memory_space<hbm>> -> memref<1024xi32, #tpu.memory_space<hbm>>
      tpu.wait_indirect_dma semaphore(%arg29 : memref<!tpu.dma_semaphore, #tpu.memory_space<semaphore_mem>>) src(%dma_wait3A_70 : memref<1024xi32, #tpu.memory_space<hbm>>) dst(%arg21 : memref<128xi32, #tpu.memory_space<vmem>>)
      %dma_wait3A_71 = arith.constant 0 : i32
      %dma_wait3A_72 = tpu.memref_slice %arg8[%dma_wait3A_71] : memref<1024xf32, #tpu.memory_space<hbm>> -> memref<1024xf32, #tpu.memory_space<hbm>>
      tpu.wait_indirect_dma semaphore(%arg30 : memref<!tpu.dma_semaphore, #tpu.memory_space<semaphore_mem>>) src(%dma_wait3A_72 : memref<1024xf32, #tpu.memory_space<hbm>>) dst(%arg22 : memref<128xf32, #tpu.memory_space<vmem>>)
      %mul3A_73 = arith.constant 128 : i32
      %mul3A_74 = arith.muli %arg1, %mul3A_73 : i32
      "tpu.region"() ({
        %run_scoped3A = tpu.sem_alloc : memref<!tpu.dma_semaphore, #tpu.memory_space<semaphore_mem>>
        %dma_start3A_77 = tpu.memref_slice %arg32[%mul3A_74] : memref<1024xi32, #tpu.memory_space<vmem_shared>> -> memref<128xi32, #tpu.memory_space<vmem_shared>>
        %dma_start3A_78 = tpu.memref_slice %arg32[%mul3A_74] : memref<1024xi32, #tpu.memory_space<vmem_shared>> -> memref<128xi32, #tpu.memory_space<vmem_shared>>
        tpu.enqueue_dma source(%arg21 : memref<128xi32, #tpu.memory_space<vmem>>) target(%dma_start3A_78 : memref<128xi32, #tpu.memory_space<vmem_shared>>) target_semaphore(%run_scoped3A : memref<!tpu.dma_semaphore, #tpu.memory_space<semaphore_mem>>)
        %dma_wait3A_79 = tpu.memref_slice %arg32[%mul3A_74] : memref<1024xi32, #tpu.memory_space<vmem_shared>> -> memref<128xi32, #tpu.memory_space<vmem_shared>>
        %dma_wait3A_80 = tpu.memref_slice %arg32[%mul3A_74] : memref<1024xi32, #tpu.memory_space<vmem_shared>> -> memref<128xi32, #tpu.memory_space<vmem_shared>>
        tpu.wait_dma2 semaphore(%run_scoped3A : memref<!tpu.dma_semaphore, #tpu.memory_space<semaphore_mem>>) src(%arg21 : memref<128xi32, #tpu.memory_space<vmem>>) dst(%dma_wait3A_80 : memref<128xi32, #tpu.memory_space<vmem_shared>>)
        tpu.yield
      }) : () -> ()
      %mul3A_75 = arith.constant 128 : i32
      %mul3A_76 = arith.muli %arg1, %mul3A_75 : i32
      "tpu.region"() ({
        %run_scoped3A = tpu.sem_alloc : memref<!tpu.dma_semaphore, #tpu.memory_space<semaphore_mem>>
        %dma_start3A_77 = tpu.memref_slice %arg33[%mul3A_76] : memref<1024xf32, #tpu.memory_space<vmem_shared>> -> memref<128xf32, #tpu.memory_space<vmem_shared>>
        %dma_start3A_78 = tpu.memref_slice %arg33[%mul3A_76] : memref<1024xf32, #tpu.memory_space<vmem_shared>> -> memref<128xf32, #tpu.memory_space<vmem_shared>>
        tpu.enqueue_dma source(%arg22 : memref<128xf32, #tpu.memory_space<vmem>>) target(%dma_start3A_78 : memref<128xf32, #tpu.memory_space<vmem_shared>>) target_semaphore(%run_scoped3A : memref<!tpu.dma_semaphore, #tpu.memory_space<semaphore_mem>>)
        %dma_wait3A_79 = tpu.memref_slice %arg33[%mul3A_76] : memref<1024xf32, #tpu.memory_space<vmem_shared>> -> memref<128xf32, #tpu.memory_space<vmem_shared>>
        %dma_wait3A_80 = tpu.memref_slice %arg33[%mul3A_76] : memref<1024xf32, #tpu.memory_space<vmem_shared>> -> memref<128xf32, #tpu.memory_space<vmem_shared>>
        tpu.wait_dma2 semaphore(%run_scoped3A : memref<!tpu.dma_semaphore, #tpu.memory_space<semaphore_mem>>) src(%arg22 : memref<128xf32, #tpu.memory_space<vmem>>) dst(%dma_wait3A_80 : memref<128xf32, #tpu.memory_space<vmem_shared>>)
        tpu.yield
      }) : () -> ()
    } else {
    }
    %barrier3A = arith.constant 0 : index
    tpu.barrier barrier_id(%barrier3A)
    "tpu.region"() ({
      %run_scoped3A = tpu.sem_alloc : memref<!tpu.dma_semaphore, #tpu.memory_space<semaphore_mem>>
      tpu.enqueue_dma source(%arg32 : memref<1024xi32, #tpu.memory_space<vmem_shared>>) target(%arg15 : memref<1024xi32, #tpu.memory_space<vmem>>) target_semaphore(%run_scoped3A : memref<!tpu.dma_semaphore, #tpu.memory_space<semaphore_mem>>)
      tpu.wait_dma2 semaphore(%run_scoped3A : memref<!tpu.dma_semaphore, #tpu.memory_space<semaphore_mem>>) src(%arg32 : memref<1024xi32, #tpu.memory_space<vmem_shared>>) dst(%arg15 : memref<1024xi32, #tpu.memory_space<vmem>>)
      tpu.yield
    }) : () -> ()
    "tpu.region"() ({
      %run_scoped3A = tpu.sem_alloc : memref<!tpu.dma_semaphore, #tpu.memory_space<semaphore_mem>>
      tpu.enqueue_dma source(%arg33 : memref<1024xf32, #tpu.memory_space<vmem_shared>>) target(%arg16 : memref<1024xf32, #tpu.memory_space<vmem>>) target_semaphore(%run_scoped3A : memref<!tpu.dma_semaphore, #tpu.memory_space<semaphore_mem>>)
      tpu.wait_dma2 semaphore(%run_scoped3A : memref<!tpu.dma_semaphore, #tpu.memory_space<semaphore_mem>>) src(%arg33 : memref<1024xf32, #tpu.memory_space<vmem_shared>>) dst(%arg16 : memref<1024xf32, #tpu.memory_space<vmem>>)
      tpu.yield
    }) : () -> ()
    %dma_start3A_33 = arith.constant 0 : i32
    %dma_start3A_34 = arith.constant 0 : i32
    %dma_start3A_35 = tpu.memref_slice %arg10[%dma_start3A_33, %dma_start3A_34] : memref<50x128xi32, #tpu.memory_space<vmem>> -> memref<1x128xi32, #tpu.memory_space<vmem>>
    %dma_start3A_36 = tpu.memref_squeeze %dma_start3A_35 : memref<1x128xi32, #tpu.memory_space<vmem>> -> memref<128xi32, #tpu.memory_space<vmem>>
    %dma_start3A_37 = arith.constant 0 : i32
    %dma_start3A_38 = tpu.memref_slice %arg31[%dma_start3A_37] : memref<102400xi32, #tpu.memory_space<vmem_shared>> -> memref<102400xi32, #tpu.memory_space<vmem_shared>>
    tpu.enqueue_indirect_dma source(%dma_start3A_38 : memref<102400xi32, #tpu.memory_space<vmem_shared>>) target(%arg11 : memref<128xi32, #tpu.memory_space<vmem>>) offsets(%dma_start3A_36 : memref<128xi32, #tpu.memory_space<vmem>>) semaphore(%arg25 : memref<!tpu.dma_semaphore, #tpu.memory_space<semaphore_mem>>)
    %dma_start3A_39 = arith.constant 1 : i32
    %dma_start3A_40 = arith.constant 0 : i32
    %dma_start3A_41 = tpu.memref_slice %arg10[%dma_start3A_39, %dma_start3A_40] : memref<50x128xi32, #tpu.memory_space<vmem>> -> memref<1x128xi32, #tpu.memory_space<vmem>>
    %dma_start3A_42 = tpu.memref_squeeze %dma_start3A_41 : memref<1x128xi32, #tpu.memory_space<vmem>> -> memref<128xi32, #tpu.memory_space<vmem>>
    %dma_start3A_43 = arith.constant 0 : i32
    %dma_start3A_44 = tpu.memref_slice %arg31[%dma_start3A_43] : memref<102400xi32, #tpu.memory_space<vmem_shared>> -> memref<102400xi32, #tpu.memory_space<vmem_shared>>
    tpu.enqueue_indirect_dma source(%dma_start3A_44 : memref<102400xi32, #tpu.memory_space<vmem_shared>>) target(%arg12 : memref<128xi32, #tpu.memory_space<vmem>>) offsets(%dma_start3A_42 : memref<128xi32, #tpu.memory_space<vmem>>) semaphore(%arg26 : memref<!tpu.dma_semaphore, #tpu.memory_space<semaphore_mem>>)
    %and3A = arith.constant true
    %and3A_45 = arith.constant true
    %and3A_46 = arith.andi %and3A, %and3A_45 : i1
    %convert_element_type3A_47 = arith.extui %and3A_46 : i1 to i32
    %cond3A_48 = arith.constant 0 : i32
    %cond3A_49 = arith.cmpi ne, %convert_element_type3A_47, %cond3A_48 : i32
    scf.if %cond3A_49 {
      %dma_wait3A_63 = arith.constant 0 : i32
      %dma_wait3A_64 = arith.constant 0 : i32
      %dma_wait3A_65 = tpu.memref_slice %arg10[%dma_wait3A_63, %dma_wait3A_64] : memref<50x128xi32, #tpu.memory_space<vmem>> -> memref<1x128xi32, #tpu.memory_space<vmem>>
      %dma_wait3A_66 = tpu.memref_squeeze %dma_wait3A_65 : memref<1x128xi32, #tpu.memory_space<vmem>> -> memref<128xi32, #tpu.memory_space<vmem>>
      %dma_wait3A_67 = arith.constant 0 : i32
      %dma_wait3A_68 = arith.constant 0 : i32
      %dma_wait3A_69 = tpu.memref_slice %arg3[%dma_wait3A_67, %dma_wait3A_68] : memref<100000x128xf32, #tpu.memory_space<hbm>> -> memref<100000x128xf32, #tpu.memory_space<hbm>>
      tpu.wait_indirect_dma semaphore(%arg23 : memref<!tpu.dma_semaphore, #tpu.memory_space<semaphore_mem>>) src(%dma_wait3A_69 : memref<100000x128xf32, #tpu.memory_space<hbm>>) dst(%arg13 : memref<128x128xf32, #tpu.memory_space<vmem>>)
      %dma_wait3A_70 = arith.constant 0 : i32
      %dma_wait3A_71 = arith.constant 0 : i32
      %dma_wait3A_72 = tpu.memref_slice %arg10[%dma_wait3A_70, %dma_wait3A_71] : memref<50x128xi32, #tpu.memory_space<vmem>> -> memref<1x128xi32, #tpu.memory_space<vmem>>
      %dma_wait3A_73 = tpu.memref_squeeze %dma_wait3A_72 : memref<1x128xi32, #tpu.memory_space<vmem>> -> memref<128xi32, #tpu.memory_space<vmem>>
      %dma_wait3A_74 = arith.constant 0 : i32
      %dma_wait3A_75 = tpu.memref_slice %arg31[%dma_wait3A_74] : memref<102400xi32, #tpu.memory_space<vmem_shared>> -> memref<102400xi32, #tpu.memory_space<vmem_shared>>
      tpu.wait_indirect_dma semaphore(%arg25 : memref<!tpu.dma_semaphore, #tpu.memory_space<semaphore_mem>>) src(%dma_wait3A_75 : memref<102400xi32, #tpu.memory_space<vmem_shared>>) dst(%arg11 : memref<128xi32, #tpu.memory_space<vmem>>)
      %get3A = arith.constant 0 : index
      %get3A_76 = tpu.vector_load %arg11[%get3A] {strides = array<i32>} : memref<128xi32, #tpu.memory_space<vmem>>, vector<16xi32>,
      %and3A_77 = arith.constant 2047 : i32
      %and3A_78 = vector.broadcast %and3A_77 : i32 to vector<16xi32>
      %and3A_79 = arith.andi %get3A_76, %and3A_78 : vector<16xi32>
      %shift_right_logical3A = arith.constant 11 : i32
      %shift_right_logical3A_80 = vector.broadcast %shift_right_logical3A : i32 to vector<16xi32>
      %shift_right_logical3A_81 = arith.shrui %get3A_76, %shift_right_logical3A_80 : vector<16xi32>
      %reduce_max3A = arith.constant true
      %reduce_max3A_82 = vector.broadcast %reduce_max3A : i1 to vector<16xi1>
      %reduce_max3A_83 = arith.constant -2147483648 : i32
      %reduce_max3A_84 = vector.broadcast %reduce_max3A_83 : i32 to vector<16xi32>
      %reduce_max3A_85 = arith.xori %and3A_79, %reduce_max3A_84 : vector<16xi32>
      %reduce_max3A_86 = tpu.scan <max>, %reduce_max3A_85 masked %reduce_max3A_82 : vector<16xi32>, vector<16xi1> -> vector<16xi32>
      %reduce_max3A_87 = arith.xori %reduce_max3A_86, %reduce_max3A_84 : vector<16xi32>
      %reduce_max3A_88 = vector.extract %reduce_max3A_87[15] : i32 from vector<16xi32>
      %iota3A = tpu.iota {dimensions = array<i32: 0>} : vector<16xi32>
      %add3A_89 = arith.constant 0 : i32
      %add3A_90 = vector.broadcast %add3A_89 : i32 to vector<16xi32>
      %add3A_91 = arith.addi %iota3A, %add3A_90 : vector<16xi32>
      %while3A = arith.constant 0 : i32
      %while3A_92 = arith.constant 0 : i32
      %while3A_93 = arith.subi %reduce_max3A_88, %while3A_92 : i32
      %while3A_94 = arith.addi %while3A_92, %while3A_93 : i32
      %while3A_95 = arith.constant 1 : i32
      %while3A_96 = arith.divsi %while3A_93, %while3A_95 : i32
      %while3A_97 = arith.muli %while3A_96, %while3A_95 : i32
      %while3A_98 = arith.addi %while3A_92, %while3A_97 : i32
      %while3A_99 = arith.constant 1 : i32
      scf.for %while3A_317 = %while3A_92 to %while3A_98 step %while3A_99  : i32 {
        %lt3A_318 = vector.broadcast %while3A_317 : i32 to vector<16xi32>
        %lt3A_319 = arith.cmpi slt, %lt3A_318, %and3A_79 : vector<16xi32>
        %add3A_320 = vector.broadcast %while3A_317 : i32 to vector<16xi32>
        %add3A_321 = arith.addi %shift_right_logical3A_81, %add3A_320 : vector<16xi32>
        %min3A = arith.constant 1023 : i32
        %min3A_322 = vector.broadcast %min3A : i32 to vector<16xi32>
        %min3A_323 = arith.minsi %add3A_321, %min3A_322 : vector<16xi32>
        %gather3A = tpu.vector_load_idx %arg15[%min3A_323] masked %lt3A_319 : memref<1024xi32, #tpu.memory_space<vmem>>[vector<16xi32>], vector<16xi32>, vector<16xi1>
        %gather3A_324 = tpu.vector_load_idx %arg16[%min3A_323] masked %lt3A_319 : memref<1024xf32, #tpu.memory_space<vmem>>[vector<16xi32>], vector<16xf32>, vector<16xi1>
        tpu.vector_store_idx %arg13[%add3A_91, %gather3A], %gather3A_324 masked %lt3A_319 {add = true} : memref<128x128xf32, #tpu.memory_space<vmem>>[vector<16xi32>, vector<16xi32>], vector<16xf32>, vector<16xi1>
      }
      %while3A_100 = arith.constant 1 : i32
      scf.for %while3A_317 = %while3A_98 to %while3A_94 step %while3A_100  : i32 {
        %lt3A_318 = vector.broadcast %while3A_317 : i32 to vector<16xi32>
        %lt3A_319 = arith.cmpi slt, %lt3A_318, %and3A_79 : vector<16xi32>
        %add3A_320 = vector.broadcast %while3A_317 : i32 to vector<16xi32>
        %add3A_321 = arith.addi %shift_right_logical3A_81, %add3A_320 : vector<16xi32>
        %min3A = arith.constant 1023 : i32
        %min3A_322 = vector.broadcast %min3A : i32 to vector<16xi32>
        %min3A_323 = arith.minsi %add3A_321, %min3A_322 : vector<16xi32>
        %gather3A = tpu.vector_load_idx %arg15[%min3A_323] masked %lt3A_319 : memref<1024xi32, #tpu.memory_space<vmem>>[vector<16xi32>], vector<16xi32>, vector<16xi1>
        %gather3A_324 = tpu.vector_load_idx %arg16[%min3A_323] masked %lt3A_319 : memref<1024xf32, #tpu.memory_space<vmem>>[vector<16xi32>], vector<16xf32>, vector<16xi1>
        tpu.vector_store_idx %arg13[%add3A_91, %gather3A], %gather3A_324 masked %lt3A_319 {add = true} : memref<128x128xf32, #tpu.memory_space<vmem>>[vector<16xi32>, vector<16xi32>], vector<16xf32>, vector<16xi1>
      }
      %get3A_101 = arith.constant 16 : index
      %get3A_102 = tpu.vector_load %arg11[%get3A_101] {strides = array<i32>} : memref<128xi32, #tpu.memory_space<vmem>>, vector<16xi32>,
      %and3A_103 = arith.constant 2047 : i32
      %and3A_104 = vector.broadcast %and3A_103 : i32 to vector<16xi32>
      %and3A_105 = arith.andi %get3A_102, %and3A_104 : vector<16xi32>
      %shift_right_logical3A_106 = arith.constant 11 : i32
      %shift_right_logical3A_107 = vector.broadcast %shift_right_logical3A_106 : i32 to vector<16xi32>
      %shift_right_logical3A_108 = arith.shrui %get3A_102, %shift_right_logical3A_107 : vector<16xi32>
      %reduce_max3A_109 = arith.constant true
      %reduce_max3A_110 = vector.broadcast %reduce_max3A_109 : i1 to vector<16xi1>
      %reduce_max3A_111 = arith.constant -2147483648 : i32
      %reduce_max3A_112 = vector.broadcast %reduce_max3A_111 : i32 to vector<16xi32>
      %reduce_max3A_113 = arith.xori %and3A_105, %reduce_max3A_112 : vector<16xi32>
      %reduce_max3A_114 = tpu.scan <max>, %reduce_max3A_113 masked %reduce_max3A_110 : vector<16xi32>, vector<16xi1> -> vector<16xi32>
      %reduce_max3A_115 = arith.xori %reduce_max3A_114, %reduce_max3A_112 : vector<16xi32>
      %reduce_max3A_116 = vector.extract %reduce_max3A_115[15] : i32 from vector<16xi32>
      %iota3A_117 = tpu.iota {dimensions = array<i32: 0>} : vector<16xi32>
      %add3A_118 = arith.constant 16 : i32
      %add3A_119 = vector.broadcast %add3A_118 : i32 to vector<16xi32>
      %add3A_120 = arith.addi %iota3A_117, %add3A_119 : vector<16xi32>
      %while3A_121 = arith.constant 0 : i32
      %while3A_122 = arith.constant 0 : i32
      %while3A_123 = arith.subi %reduce_max3A_116, %while3A_122 : i32
      %while3A_124 = arith.addi %while3A_122, %while3A_123 : i32
      %while3A_125 = arith.constant 1 : i32
      %while3A_126 = arith.divsi %while3A_123, %while3A_125 : i32
      %while3A_127 = arith.muli %while3A_126, %while3A_125 : i32
      %while3A_128 = arith.addi %while3A_122, %while3A_127 : i32
      %while3A_129 = arith.constant 1 : i32
      scf.for %while3A_317 = %while3A_122 to %while3A_128 step %while3A_129  : i32 {
        %lt3A_318 = vector.broadcast %while3A_317 : i32 to vector<16xi32>
        %lt3A_319 = arith.cmpi slt, %lt3A_318, %and3A_105 : vector<16xi32>
        %add3A_320 = vector.broadcast %while3A_317 : i32 to vector<16xi32>
        %add3A_321 = arith.addi %shift_right_logical3A_108, %add3A_320 : vector<16xi32>
        %min3A = arith.constant 1023 : i32
        %min3A_322 = vector.broadcast %min3A : i32 to vector<16xi32>
        %min3A_323 = arith.minsi %add3A_321, %min3A_322 : vector<16xi32>
        %gather3A = tpu.vector_load_idx %arg15[%min3A_323] masked %lt3A_319 : memref<1024xi32, #tpu.memory_space<vmem>>[vector<16xi32>], vector<16xi32>, vector<16xi1>
        %gather3A_324 = tpu.vector_load_idx %arg16[%min3A_323] masked %lt3A_319 : memref<1024xf32, #tpu.memory_space<vmem>>[vector<16xi32>], vector<16xf32>, vector<16xi1>
        tpu.vector_store_idx %arg13[%add3A_120, %gather3A], %gather3A_324 masked %lt3A_319 {add = true} : memref<128x128xf32, #tpu.memory_space<vmem>>[vector<16xi32>, vector<16xi32>], vector<16xf32>, vector<16xi1>
      }
      %while3A_130 = arith.constant 1 : i32
      scf.for %while3A_317 = %while3A_128 to %while3A_124 step %while3A_130  : i32 {
        %lt3A_318 = vector.broadcast %while3A_317 : i32 to vector<16xi32>
        %lt3A_319 = arith.cmpi slt, %lt3A_318, %and3A_105 : vector<16xi32>
        %add3A_320 = vector.broadcast %while3A_317 : i32 to vector<16xi32>
        %add3A_321 = arith.addi %shift_right_logical3A_108, %add3A_320 : vector<16xi32>
        %min3A = arith.constant 1023 : i32
        %min3A_322 = vector.broadcast %min3A : i32 to vector<16xi32>
        %min3A_323 = arith.minsi %add3A_321, %min3A_322 : vector<16xi32>
        %gather3A = tpu.vector_load_idx %arg15[%min3A_323] masked %lt3A_319 : memref<1024xi32, #tpu.memory_space<vmem>>[vector<16xi32>], vector<16xi32>, vector<16xi1>
        %gather3A_324 = tpu.vector_load_idx %arg16[%min3A_323] masked %lt3A_319 : memref<1024xf32, #tpu.memory_space<vmem>>[vector<16xi32>], vector<16xf32>, vector<16xi1>
        tpu.vector_store_idx %arg13[%add3A_120, %gather3A], %gather3A_324 masked %lt3A_319 {add = true} : memref<128x128xf32, #tpu.memory_space<vmem>>[vector<16xi32>, vector<16xi32>], vector<16xf32>, vector<16xi1>
      }
      %get3A_131 = arith.constant 32 : index
      %get3A_132 = tpu.vector_load %arg11[%get3A_131] {strides = array<i32>} : memref<128xi32, #tpu.memory_space<vmem>>, vector<16xi32>,
      %and3A_133 = arith.constant 2047 : i32
      %and3A_134 = vector.broadcast %and3A_133 : i32 to vector<16xi32>
      %and3A_135 = arith.andi %get3A_132, %and3A_134 : vector<16xi32>
      %shift_right_logical3A_136 = arith.constant 11 : i32
      %shift_right_logical3A_137 = vector.broadcast %shift_right_logical3A_136 : i32 to vector<16xi32>
      %shift_right_logical3A_138 = arith.shrui %get3A_132, %shift_right_logical3A_137 : vector<16xi32>
      %reduce_max3A_139 = arith.constant true
      %reduce_max3A_140 = vector.broadcast %reduce_max3A_139 : i1 to vector<16xi1>
      %reduce_max3A_141 = arith.constant -2147483648 : i32
      %reduce_max3A_142 = vector.broadcast %reduce_max3A_141 : i32 to vector<16xi32>
      %reduce_max3A_143 = arith.xori %and3A_135, %reduce_max3A_142 : vector<16xi32>
      %reduce_max3A_144 = tpu.scan <max>, %reduce_max3A_143 masked %reduce_max3A_140 : vector<16xi32>, vector<16xi1> -> vector<16xi32>
      %reduce_max3A_145 = arith.xori %reduce_max3A_144, %reduce_max3A_142 : vector<16xi32>
      %reduce_max3A_146 = vector.extract %reduce_max3A_145[15] : i32 from vector<16xi32>
      %iota3A_147 = tpu.iota {dimensions = array<i32: 0>} : vector<16xi32>
      %add3A_148 = arith.constant 32 : i32
      %add3A_149 = vector.broadcast %add3A_148 : i32 to vector<16xi32>
      %add3A_150 = arith.addi %iota3A_147, %add3A_149 : vector<16xi32>
      %while3A_151 = arith.constant 0 : i32
      %while3A_152 = arith.constant 0 : i32
      %while3A_153 = arith.subi %reduce_max3A_146, %while3A_152 : i32
      %while3A_154 = arith.addi %while3A_152, %while3A_153 : i32
      %while3A_155 = arith.constant 1 : i32
      %while3A_156 = arith.divsi %while3A_153, %while3A_155 : i32
      %while3A_157 = arith.muli %while3A_156, %while3A_155 : i32
      %while3A_158 = arith.addi %while3A_152, %while3A_157 : i32
      %while3A_159 = arith.constant 1 : i32
      scf.for %while3A_317 = %while3A_152 to %while3A_158 step %while3A_159  : i32 {
        %lt3A_318 = vector.broadcast %while3A_317 : i32 to vector<16xi32>
        %lt3A_319 = arith.cmpi slt, %lt3A_318, %and3A_135 : vector<16xi32>
        %add3A_320 = vector.broadcast %while3A_317 : i32 to vector<16xi32>
        %add3A_321 = arith.addi %shift_right_logical3A_138, %add3A_320 : vector<16xi32>
        %min3A = arith.constant 1023 : i32
        %min3A_322 = vector.broadcast %min3A : i32 to vector<16xi32>
        %min3A_323 = arith.minsi %add3A_321, %min3A_322 : vector<16xi32>
        %gather3A = tpu.vector_load_idx %arg15[%min3A_323] masked %lt3A_319 : memref<1024xi32, #tpu.memory_space<vmem>>[vector<16xi32>], vector<16xi32>, vector<16xi1>
        %gather3A_324 = tpu.vector_load_idx %arg16[%min3A_323] masked %lt3A_319 : memref<1024xf32, #tpu.memory_space<vmem>>[vector<16xi32>], vector<16xf32>, vector<16xi1>
        tpu.vector_store_idx %arg13[%add3A_150, %gather3A], %gather3A_324 masked %lt3A_319 {add = true} : memref<128x128xf32, #tpu.memory_space<vmem>>[vector<16xi32>, vector<16xi32>], vector<16xf32>, vector<16xi1>
      }
      %while3A_160 = arith.constant 1 : i32
      scf.for %while3A_317 = %while3A_158 to %while3A_154 step %while3A_160  : i32 {
        %lt3A_318 = vector.broadcast %while3A_317 : i32 to vector<16xi32>
        %lt3A_319 = arith.cmpi slt, %lt3A_318, %and3A_135 : vector<16xi32>
        %add3A_320 = vector.broadcast %while3A_317 : i32 to vector<16xi32>
        %add3A_321 = arith.addi %shift_right_logical3A_138, %add3A_320 : vector<16xi32>
        %min3A = arith.constant 1023 : i32
        %min3A_322 = vector.broadcast %min3A : i32 to vector<16xi32>
        %min3A_323 = arith.minsi %add3A_321, %min3A_322 : vector<16xi32>
        %gather3A = tpu.vector_load_idx %arg15[%min3A_323] masked %lt3A_319 : memref<1024xi32, #tpu.memory_space<vmem>>[vector<16xi32>], vector<16xi32>, vector<16xi1>
        %gather3A_324 = tpu.vector_load_idx %arg16[%min3A_323] masked %lt3A_319 : memref<1024xf32, #tpu.memory_space<vmem>>[vector<16xi32>], vector<16xf32>, vector<16xi1>
        tpu.vector_store_idx %arg13[%add3A_150, %gather3A], %gather3A_324 masked %lt3A_319 {add = true} : memref<128x128xf32, #tpu.memory_space<vmem>>[vector<16xi32>, vector<16xi32>], vector<16xf32>, vector<16xi1>
      }
      %get3A_161 = arith.constant 48 : index
      %get3A_162 = tpu.vector_load %arg11[%get3A_161] {strides = array<i32>} : memref<128xi32, #tpu.memory_space<vmem>>, vector<16xi32>,
      %and3A_163 = arith.constant 2047 : i32
      %and3A_164 = vector.broadcast %and3A_163 : i32 to vector<16xi32>
      %and3A_165 = arith.andi %get3A_162, %and3A_164 : vector<16xi32>
      %shift_right_logical3A_166 = arith.constant 11 : i32
      %shift_right_logical3A_167 = vector.broadcast %shift_right_logical3A_166 : i32 to vector<16xi32>
      %shift_right_logical3A_168 = arith.shrui %get3A_162, %shift_right_logical3A_167 : vector<16xi32>
      %reduce_max3A_169 = arith.constant true
      %reduce_max3A_170 = vector.broadcast %reduce_max3A_169 : i1 to vector<16xi1>
      %reduce_max3A_171 = arith.constant -2147483648 : i32
      %reduce_max3A_172 = vector.broadcast %reduce_max3A_171 : i32 to vector<16xi32>
      %reduce_max3A_173 = arith.xori %and3A_165, %reduce_max3A_172 : vector<16xi32>
      %reduce_max3A_174 = tpu.scan <max>, %reduce_max3A_173 masked %reduce_max3A_170 : vector<16xi32>, vector<16xi1> -> vector<16xi32>
      %reduce_max3A_175 = arith.xori %reduce_max3A_174, %reduce_max3A_172 : vector<16xi32>
      %reduce_max3A_176 = vector.extract %reduce_max3A_175[15] : i32 from vector<16xi32>
      %iota3A_177 = tpu.iota {dimensions = array<i32: 0>} : vector<16xi32>
      %add3A_178 = arith.constant 48 : i32
      %add3A_179 = vector.broadcast %add3A_178 : i32 to vector<16xi32>
      %add3A_180 = arith.addi %iota3A_177, %add3A_179 : vector<16xi32>
      %while3A_181 = arith.constant 0 : i32
      %while3A_182 = arith.constant 0 : i32
      %while3A_183 = arith.subi %reduce_max3A_176, %while3A_182 : i32
      %while3A_184 = arith.addi %while3A_182, %while3A_183 : i32
      %while3A_185 = arith.constant 1 : i32
      %while3A_186 = arith.divsi %while3A_183, %while3A_185 : i32
      %while3A_187 = arith.muli %while3A_186, %while3A_185 : i32
      %while3A_188 = arith.addi %while3A_182, %while3A_187 : i32
      %while3A_189 = arith.constant 1 : i32
      scf.for %while3A_317 = %while3A_182 to %while3A_188 step %while3A_189  : i32 {
        %lt3A_318 = vector.broadcast %while3A_317 : i32 to vector<16xi32>
        %lt3A_319 = arith.cmpi slt, %lt3A_318, %and3A_165 : vector<16xi32>
        %add3A_320 = vector.broadcast %while3A_317 : i32 to vector<16xi32>
        %add3A_321 = arith.addi %shift_right_logical3A_168, %add3A_320 : vector<16xi32>
        %min3A = arith.constant 1023 : i32
        %min3A_322 = vector.broadcast %min3A : i32 to vector<16xi32>
        %min3A_323 = arith.minsi %add3A_321, %min3A_322 : vector<16xi32>
        %gather3A = tpu.vector_load_idx %arg15[%min3A_323] masked %lt3A_319 : memref<1024xi32, #tpu.memory_space<vmem>>[vector<16xi32>], vector<16xi32>, vector<16xi1>
        %gather3A_324 = tpu.vector_load_idx %arg16[%min3A_323] masked %lt3A_319 : memref<1024xf32, #tpu.memory_space<vmem>>[vector<16xi32>], vector<16xf32>, vector<16xi1>
        tpu.vector_store_idx %arg13[%add3A_180, %gather3A], %gather3A_324 masked %lt3A_319 {add = true} : memref<128x128xf32, #tpu.memory_space<vmem>>[vector<16xi32>, vector<16xi32>], vector<16xf32>, vector<16xi1>
      }
      %while3A_190 = arith.constant 1 : i32
      scf.for %while3A_317 = %while3A_188 to %while3A_184 step %while3A_190  : i32 {
        %lt3A_318 = vector.broadcast %while3A_317 : i32 to vector<16xi32>
        %lt3A_319 = arith.cmpi slt, %lt3A_318, %and3A_165 : vector<16xi32>
        %add3A_320 = vector.broadcast %while3A_317 : i32 to vector<16xi32>
        %add3A_321 = arith.addi %shift_right_logical3A_168, %add3A_320 : vector<16xi32>
        %min3A = arith.constant 1023 : i32
        %min3A_322 = vector.broadcast %min3A : i32 to vector<16xi32>
        %min3A_323 = arith.minsi %add3A_321, %min3A_322 : vector<16xi32>
        %gather3A = tpu.vector_load_idx %arg15[%min3A_323] masked %lt3A_319 : memref<1024xi32, #tpu.memory_space<vmem>>[vector<16xi32>], vector<16xi32>, vector<16xi1>
        %gather3A_324 = tpu.vector_load_idx %arg16[%min3A_323] masked %lt3A_319 : memref<1024xf32, #tpu.memory_space<vmem>>[vector<16xi32>], vector<16xf32>, vector<16xi1>
        tpu.vector_store_idx %arg13[%add3A_180, %gather3A], %gather3A_324 masked %lt3A_319 {add = true} : memref<128x128xf32, #tpu.memory_space<vmem>>[vector<16xi32>, vector<16xi32>], vector<16xf32>, vector<16xi1>
      }
      %get3A_191 = arith.constant 64 : index
      %get3A_192 = tpu.vector_load %arg11[%get3A_191] {strides = array<i32>} : memref<128xi32, #tpu.memory_space<vmem>>, vector<16xi32>,
      %and3A_193 = arith.constant 2047 : i32
      %and3A_194 = vector.broadcast %and3A_193 : i32 to vector<16xi32>
      %and3A_195 = arith.andi %get3A_192, %and3A_194 : vector<16xi32>
      %shift_right_logical3A_196 = arith.constant 11 : i32
      %shift_right_logical3A_197 = vector.broadcast %shift_right_logical3A_196 : i32 to vector<16xi32>
      %shift_right_logical3A_198 = arith.shrui %get3A_192, %shift_right_logical3A_197 : vector<16xi32>
      %reduce_max3A_199 = arith.constant true
      %reduce_max3A_200 = vector.broadcast %reduce_max3A_199 : i1 to vector<16xi1>
      %reduce_max3A_201 = arith.constant -2147483648 : i32
      %reduce_max3A_202 = vector.broadcast %reduce_max3A_201 : i32 to vector<16xi32>
      %reduce_max3A_203 = arith.xori %and3A_195, %reduce_max3A_202 : vector<16xi32>
      %reduce_max3A_204 = tpu.scan <max>, %reduce_max3A_203 masked %reduce_max3A_200 : vector<16xi32>, vector<16xi1> -> vector<16xi32>
      %reduce_max3A_205 = arith.xori %reduce_max3A_204, %reduce_max3A_202 : vector<16xi32>
      %reduce_max3A_206 = vector.extract %reduce_max3A_205[15] : i32 from vector<16xi32>
      %iota3A_207 = tpu.iota {dimensions = array<i32: 0>} : vector<16xi32>
      %add3A_208 = arith.constant 64 : i32
      %add3A_209 = vector.broadcast %add3A_208 : i32 to vector<16xi32>
      %add3A_210 = arith.addi %iota3A_207, %add3A_209 : vector<16xi32>
      %while3A_211 = arith.constant 0 : i32
      %while3A_212 = arith.constant 0 : i32
      %while3A_213 = arith.subi %reduce_max3A_206, %while3A_212 : i32
      %while3A_214 = arith.addi %while3A_212, %while3A_213 : i32
      %while3A_215 = arith.constant 1 : i32
      %while3A_216 = arith.divsi %while3A_213, %while3A_215 : i32
      %while3A_217 = arith.muli %while3A_216, %while3A_215 : i32
      %while3A_218 = arith.addi %while3A_212, %while3A_217 : i32
      %while3A_219 = arith.constant 1 : i32
      scf.for %while3A_317 = %while3A_212 to %while3A_218 step %while3A_219  : i32 {
        %lt3A_318 = vector.broadcast %while3A_317 : i32 to vector<16xi32>
        %lt3A_319 = arith.cmpi slt, %lt3A_318, %and3A_195 : vector<16xi32>
        %add3A_320 = vector.broadcast %while3A_317 : i32 to vector<16xi32>
        %add3A_321 = arith.addi %shift_right_logical3A_198, %add3A_320 : vector<16xi32>
        %min3A = arith.constant 1023 : i32
        %min3A_322 = vector.broadcast %min3A : i32 to vector<16xi32>
        %min3A_323 = arith.minsi %add3A_321, %min3A_322 : vector<16xi32>
        %gather3A = tpu.vector_load_idx %arg15[%min3A_323] masked %lt3A_319 : memref<1024xi32, #tpu.memory_space<vmem>>[vector<16xi32>], vector<16xi32>, vector<16xi1>
        %gather3A_324 = tpu.vector_load_idx %arg16[%min3A_323] masked %lt3A_319 : memref<1024xf32, #tpu.memory_space<vmem>>[vector<16xi32>], vector<16xf32>, vector<16xi1>
        tpu.vector_store_idx %arg13[%add3A_210, %gather3A], %gather3A_324 masked %lt3A_319 {add = true} : memref<128x128xf32, #tpu.memory_space<vmem>>[vector<16xi32>, vector<16xi32>], vector<16xf32>, vector<16xi1>
      }
      %while3A_220 = arith.constant 1 : i32
      scf.for %while3A_317 = %while3A_218 to %while3A_214 step %while3A_220  : i32 {
        %lt3A_318 = vector.broadcast %while3A_317 : i32 to vector<16xi32>
        %lt3A_319 = arith.cmpi slt, %lt3A_318, %and3A_195 : vector<16xi32>
        %add3A_320 = vector.broadcast %while3A_317 : i32 to vector<16xi32>
        %add3A_321 = arith.addi %shift_right_logical3A_198, %add3A_320 : vector<16xi32>
        %min3A = arith.constant 1023 : i32
        %min3A_322 = vector.broadcast %min3A : i32 to vector<16xi32>
        %min3A_323 = arith.minsi %add3A_321, %min3A_322 : vector<16xi32>
        %gather3A = tpu.vector_load_idx %arg15[%min3A_323] masked %lt3A_319 : memref<1024xi32, #tpu.memory_space<vmem>>[vector<16xi32>], vector<16xi32>, vector<16xi1>
        %gather3A_324 = tpu.vector_load_idx %arg16[%min3A_323] masked %lt3A_319 : memref<1024xf32, #tpu.memory_space<vmem>>[vector<16xi32>], vector<16xf32>, vector<16xi1>
        tpu.vector_store_idx %arg13[%add3A_210, %gather3A], %gather3A_324 masked %lt3A_319 {add = true} : memref<128x128xf32, #tpu.memory_space<vmem>>[vector<16xi32>, vector<16xi32>], vector<16xf32>, vector<16xi1>
      }
      %get3A_221 = arith.constant 80 : index
      %get3A_222 = tpu.vector_load %arg11[%get3A_221] {strides = array<i32>} : memref<128xi32, #tpu.memory_space<vmem>>, vector<16xi32>,
      %and3A_223 = arith.constant 2047 : i32
      %and3A_224 = vector.broadcast %and3A_223 : i32 to vector<16xi32>
      %and3A_225 = arith.andi %get3A_222, %and3A_224 : vector<16xi32>
      %shift_right_logical3A_226 = arith.constant 11 : i32
      %shift_right_logical3A_227 = vector.broadcast %shift_right_logical3A_226 : i32 to vector<16xi32>
      %shift_right_logical3A_228 = arith.shrui %get3A_222, %shift_right_logical3A_227 : vector<16xi32>
      %reduce_max3A_229 = arith.constant true
      %reduce_max3A_230 = vector.broadcast %reduce_max3A_229 : i1 to vector<16xi1>
      %reduce_max3A_231 = arith.constant -2147483648 : i32
      %reduce_max3A_232 = vector.broadcast %reduce_max3A_231 : i32 to vector<16xi32>
      %reduce_max3A_233 = arith.xori %and3A_225, %reduce_max3A_232 : vector<16xi32>
      %reduce_max3A_234 = tpu.scan <max>, %reduce_max3A_233 masked %reduce_max3A_230 : vector<16xi32>, vector<16xi1> -> vector<16xi32>
      %reduce_max3A_235 = arith.xori %reduce_max3A_234, %reduce_max3A_232 : vector<16xi32>
      %reduce_max3A_236 = vector.extract %reduce_max3A_235[15] : i32 from vector<16xi32>
      %iota3A_237 = tpu.iota {dimensions = array<i32: 0>} : vector<16xi32>
      %add3A_238 = arith.constant 80 : i32
      %add3A_239 = vector.broadcast %add3A_238 : i32 to vector<16xi32>
      %add3A_240 = arith.addi %iota3A_237, %add3A_239 : vector<16xi32>
      %while3A_241 = arith.constant 0 : i32
      %while3A_242 = arith.constant 0 : i32
      %while3A_243 = arith.subi %reduce_max3A_236, %while3A_242 : i32
      %while3A_244 = arith.addi %while3A_242, %while3A_243 : i32
      %while3A_245 = arith.constant 1 : i32
      %while3A_246 = arith.divsi %while3A_243, %while3A_245 : i32
      %while3A_247 = arith.muli %while3A_246, %while3A_245 : i32
      %while3A_248 = arith.addi %while3A_242, %while3A_247 : i32
      %while3A_249 = arith.constant 1 : i32
      scf.for %while3A_317 = %while3A_242 to %while3A_248 step %while3A_249  : i32 {
        %lt3A_318 = vector.broadcast %while3A_317 : i32 to vector<16xi32>
        %lt3A_319 = arith.cmpi slt, %lt3A_318, %and3A_225 : vector<16xi32>
        %add3A_320 = vector.broadcast %while3A_317 : i32 to vector<16xi32>
        %add3A_321 = arith.addi %shift_right_logical3A_228, %add3A_320 : vector<16xi32>
        %min3A = arith.constant 1023 : i32
        %min3A_322 = vector.broadcast %min3A : i32 to vector<16xi32>
        %min3A_323 = arith.minsi %add3A_321, %min3A_322 : vector<16xi32>
        %gather3A = tpu.vector_load_idx %arg15[%min3A_323] masked %lt3A_319 : memref<1024xi32, #tpu.memory_space<vmem>>[vector<16xi32>], vector<16xi32>, vector<16xi1>
        %gather3A_324 = tpu.vector_load_idx %arg16[%min3A_323] masked %lt3A_319 : memref<1024xf32, #tpu.memory_space<vmem>>[vector<16xi32>], vector<16xf32>, vector<16xi1>
        tpu.vector_store_idx %arg13[%add3A_240, %gather3A], %gather3A_324 masked %lt3A_319 {add = true} : memref<128x128xf32, #tpu.memory_space<vmem>>[vector<16xi32>, vector<16xi32>], vector<16xf32>, vector<16xi1>
      }
      %while3A_250 = arith.constant 1 : i32
      scf.for %while3A_317 = %while3A_248 to %while3A_244 step %while3A_250  : i32 {
        %lt3A_318 = vector.broadcast %while3A_317 : i32 to vector<16xi32>
        %lt3A_319 = arith.cmpi slt, %lt3A_318, %and3A_225 : vector<16xi32>
        %add3A_320 = vector.broadcast %while3A_317 : i32 to vector<16xi32>
        %add3A_321 = arith.addi %shift_right_logical3A_228, %add3A_320 : vector<16xi32>
        %min3A = arith.constant 1023 : i32
        %min3A_322 = vector.broadcast %min3A : i32 to vector<16xi32>
        %min3A_323 = arith.minsi %add3A_321, %min3A_322 : vector<16xi32>
        %gather3A = tpu.vector_load_idx %arg15[%min3A_323] masked %lt3A_319 : memref<1024xi32, #tpu.memory_space<vmem>>[vector<16xi32>], vector<16xi32>, vector<16xi1>
        %gather3A_324 = tpu.vector_load_idx %arg16[%min3A_323] masked %lt3A_319 : memref<1024xf32, #tpu.memory_space<vmem>>[vector<16xi32>], vector<16xf32>, vector<16xi1>
        tpu.vector_store_idx %arg13[%add3A_240, %gather3A], %gather3A_324 masked %lt3A_319 {add = true} : memref<128x128xf32, #tpu.memory_space<vmem>>[vector<16xi32>, vector<16xi32>], vector<16xf32>, vector<16xi1>
      }
      %get3A_251 = arith.constant 96 : index
      %get3A_252 = tpu.vector_load %arg11[%get3A_251] {strides = array<i32>} : memref<128xi32, #tpu.memory_space<vmem>>, vector<16xi32>,
      %and3A_253 = arith.constant 2047 : i32
      %and3A_254 = vector.broadcast %and3A_253 : i32 to vector<16xi32>
      %and3A_255 = arith.andi %get3A_252, %and3A_254 : vector<16xi32>
      %shift_right_logical3A_256 = arith.constant 11 : i32
      %shift_right_logical3A_257 = vector.broadcast %shift_right_logical3A_256 : i32 to vector<16xi32>
      %shift_right_logical3A_258 = arith.shrui %get3A_252, %shift_right_logical3A_257 : vector<16xi32>
      %reduce_max3A_259 = arith.constant true
      %reduce_max3A_260 = vector.broadcast %reduce_max3A_259 : i1 to vector<16xi1>
      %reduce_max3A_261 = arith.constant -2147483648 : i32
      %reduce_max3A_262 = vector.broadcast %reduce_max3A_261 : i32 to vector<16xi32>
      %reduce_max3A_263 = arith.xori %and3A_255, %reduce_max3A_262 : vector<16xi32>
      %reduce_max3A_264 = tpu.scan <max>, %reduce_max3A_263 masked %reduce_max3A_260 : vector<16xi32>, vector<16xi1> -> vector<16xi32>
      %reduce_max3A_265 = arith.xori %reduce_max3A_264, %reduce_max3A_262 : vector<16xi32>
      %reduce_max3A_266 = vector.extract %reduce_max3A_265[15] : i32 from vector<16xi32>
      %iota3A_267 = tpu.iota {dimensions = array<i32: 0>} : vector<16xi32>
      %add3A_268 = arith.constant 96 : i32
      %add3A_269 = vector.broadcast %add3A_268 : i32 to vector<16xi32>
      %add3A_270 = arith.addi %iota3A_267, %add3A_269 : vector<16xi32>
      %while3A_271 = arith.constant 0 : i32
      %while3A_272 = arith.constant 0 : i32
      %while3A_273 = arith.subi %reduce_max3A_266, %while3A_272 : i32
      %while3A_274 = arith.addi %while3A_272, %while3A_273 : i32
      %while3A_275 = arith.constant 1 : i32
      %while3A_276 = arith.divsi %while3A_273, %while3A_275 : i32
      %while3A_277 = arith.muli %while3A_276, %while3A_275 : i32
      %while3A_278 = arith.addi %while3A_272, %while3A_277 : i32
      %while3A_279 = arith.constant 1 : i32
      scf.for %while3A_317 = %while3A_272 to %while3A_278 step %while3A_279  : i32 {
        %lt3A_318 = vector.broadcast %while3A_317 : i32 to vector<16xi32>
        %lt3A_319 = arith.cmpi slt, %lt3A_318, %and3A_255 : vector<16xi32>
        %add3A_320 = vector.broadcast %while3A_317 : i32 to vector<16xi32>
        %add3A_321 = arith.addi %shift_right_logical3A_258, %add3A_320 : vector<16xi32>
        %min3A = arith.constant 1023 : i32
        %min3A_322 = vector.broadcast %min3A : i32 to vector<16xi32>
        %min3A_323 = arith.minsi %add3A_321, %min3A_322 : vector<16xi32>
        %gather3A = tpu.vector_load_idx %arg15[%min3A_323] masked %lt3A_319 : memref<1024xi32, #tpu.memory_space<vmem>>[vector<16xi32>], vector<16xi32>, vector<16xi1>
        %gather3A_324 = tpu.vector_load_idx %arg16[%min3A_323] masked %lt3A_319 : memref<1024xf32, #tpu.memory_space<vmem>>[vector<16xi32>], vector<16xf32>, vector<16xi1>
        tpu.vector_store_idx %arg13[%add3A_270, %gather3A], %gather3A_324 masked %lt3A_319 {add = true} : memref<128x128xf32, #tpu.memory_space<vmem>>[vector<16xi32>, vector<16xi32>], vector<16xf32>, vector<16xi1>
      }
      %while3A_280 = arith.constant 1 : i32
      scf.for %while3A_317 = %while3A_278 to %while3A_274 step %while3A_280  : i32 {
        %lt3A_318 = vector.broadcast %while3A_317 : i32 to vector<16xi32>
        %lt3A_319 = arith.cmpi slt, %lt3A_318, %and3A_255 : vector<16xi32>
        %add3A_320 = vector.broadcast %while3A_317 : i32 to vector<16xi32>
        %add3A_321 = arith.addi %shift_right_logical3A_258, %add3A_320 : vector<16xi32>
        %min3A = arith.constant 1023 : i32
        %min3A_322 = vector.broadcast %min3A : i32 to vector<16xi32>
        %min3A_323 = arith.minsi %add3A_321, %min3A_322 : vector<16xi32>
        %gather3A = tpu.vector_load_idx %arg15[%min3A_323] masked %lt3A_319 : memref<1024xi32, #tpu.memory_space<vmem>>[vector<16xi32>], vector<16xi32>, vector<16xi1>
        %gather3A_324 = tpu.vector_load_idx %arg16[%min3A_323] masked %lt3A_319 : memref<1024xf32, #tpu.memory_space<vmem>>[vector<16xi32>], vector<16xf32>, vector<16xi1>
        tpu.vector_store_idx %arg13[%add3A_270, %gather3A], %gather3A_324 masked %lt3A_319 {add = true} : memref<128x128xf32, #tpu.memory_space<vmem>>[vector<16xi32>, vector<16xi32>], vector<16xf32>, vector<16xi1>
      }
      %get3A_281 = arith.constant 112 : index
      %get3A_282 = tpu.vector_load %arg11[%get3A_281] {strides = array<i32>} : memref<128xi32, #tpu.memory_space<vmem>>, vector<16xi32>,
      %and3A_283 = arith.constant 2047 : i32
      %and3A_284 = vector.broadcast %and3A_283 : i32 to vector<16xi32>
      %and3A_285 = arith.andi %get3A_282, %and3A_284 : vector<16xi32>
      %shift_right_logical3A_286 = arith.constant 11 : i32
      %shift_right_logical3A_287 = vector.broadcast %shift_right_logical3A_286 : i32 to vector<16xi32>
      %shift_right_logical3A_288 = arith.shrui %get3A_282, %shift_right_logical3A_287 : vector<16xi32>
      %reduce_max3A_289 = arith.constant true
      %reduce_max3A_290 = vector.broadcast %reduce_max3A_289 : i1 to vector<16xi1>
      %reduce_max3A_291 = arith.constant -2147483648 : i32
      %reduce_max3A_292 = vector.broadcast %reduce_max3A_291 : i32 to vector<16xi32>
      %reduce_max3A_293 = arith.xori %and3A_285, %reduce_max3A_292 : vector<16xi32>
      %reduce_max3A_294 = tpu.scan <max>, %reduce_max3A_293 masked %reduce_max3A_290 : vector<16xi32>, vector<16xi1> -> vector<16xi32>
      %reduce_max3A_295 = arith.xori %reduce_max3A_294, %reduce_max3A_292 : vector<16xi32>
      %reduce_max3A_296 = vector.extract %reduce_max3A_295[15] : i32 from vector<16xi32>
      %iota3A_297 = tpu.iota {dimensions = array<i32: 0>} : vector<16xi32>
      %add3A_298 = arith.constant 112 : i32
      %add3A_299 = vector.broadcast %add3A_298 : i32 to vector<16xi32>
      %add3A_300 = arith.addi %iota3A_297, %add3A_299 : vector<16xi32>
      %while3A_301 = arith.constant 0 : i32
      %while3A_302 = arith.constant 0 : i32
      %while3A_303 = arith.subi %reduce_max3A_296, %while3A_302 : i32
      %while3A_304 = arith.addi %while3A_302, %while3A_303 : i32
      %while3A_305 = arith.constant 1 : i32
      %while3A_306 = arith.divsi %while3A_303, %while3A_305 : i32
      %while3A_307 = arith.muli %while3A_306, %while3A_305 : i32
      %while3A_308 = arith.addi %while3A_302, %while3A_307 : i32
      %while3A_309 = arith.constant 1 : i32
      scf.for %while3A_317 = %while3A_302 to %while3A_308 step %while3A_309  : i32 {
        %lt3A_318 = vector.broadcast %while3A_317 : i32 to vector<16xi32>
        %lt3A_319 = arith.cmpi slt, %lt3A_318, %and3A_285 : vector<16xi32>
        %add3A_320 = vector.broadcast %while3A_317 : i32 to vector<16xi32>
        %add3A_321 = arith.addi %shift_right_logical3A_288, %add3A_320 : vector<16xi32>
        %min3A = arith.constant 1023 : i32
        %min3A_322 = vector.broadcast %min3A : i32 to vector<16xi32>
        %min3A_323 = arith.minsi %add3A_321, %min3A_322 : vector<16xi32>
        %gather3A = tpu.vector_load_idx %arg15[%min3A_323] masked %lt3A_319 : memref<1024xi32, #tpu.memory_space<vmem>>[vector<16xi32>], vector<16xi32>, vector<16xi1>
        %gather3A_324 = tpu.vector_load_idx %arg16[%min3A_323] masked %lt3A_319 : memref<1024xf32, #tpu.memory_space<vmem>>[vector<16xi32>], vector<16xf32>, vector<16xi1>
        tpu.vector_store_idx %arg13[%add3A_300, %gather3A], %gather3A_324 masked %lt3A_319 {add = true} : memref<128x128xf32, #tpu.memory_space<vmem>>[vector<16xi32>, vector<16xi32>], vector<16xf32>, vector<16xi1>
      }
      %while3A_310 = arith.constant 1 : i32
      scf.for %while3A_317 = %while3A_308 to %while3A_304 step %while3A_310  : i32 {
        %lt3A_318 = vector.broadcast %while3A_317 : i32 to vector<16xi32>
        %lt3A_319 = arith.cmpi slt, %lt3A_318, %and3A_285 : vector<16xi32>
        %add3A_320 = vector.broadcast %while3A_317 : i32 to vector<16xi32>
        %add3A_321 = arith.addi %shift_right_logical3A_288, %add3A_320 : vector<16xi32>
        %min3A = arith.constant 1023 : i32
        %min3A_322 = vector.broadcast %min3A : i32 to vector<16xi32>
        %min3A_323 = arith.minsi %add3A_321, %min3A_322 : vector<16xi32>
        %gather3A = tpu.vector_load_idx %arg15[%min3A_323] masked %lt3A_319 : memref<1024xi32, #tpu.memory_space<vmem>>[vector<16xi32>], vector<16xi32>, vector<16xi1>
        %gather3A_324 = tpu.vector_load_idx %arg16[%min3A_323] masked %lt3A_319 : memref<1024xf32, #tpu.memory_space<vmem>>[vector<16xi32>], vector<16xf32>, vector<16xi1>
        tpu.vector_store_idx %arg13[%add3A_300, %gather3A], %gather3A_324 masked %lt3A_319 {add = true} : memref<128x128xf32, #tpu.memory_space<vmem>>[vector<16xi32>, vector<16xi32>], vector<16xf32>, vector<16xi1>
      }
      %add3A_311 = arith.constant 0 : i32
      %add3A_312 = arith.addi %mul3A_2, %add3A_311 : i32
      %dma_start3A_313 = arith.constant 0 : i32
      %dma_start3A_314 = tpu.memref_slice %arg9[%add3A_312, %dma_start3A_313] : memref<204800x128xf32, #tpu.memory_space<hbm>> -> memref<128x128xf32, #tpu.memory_space<hbm>>
      %dma_start3A_315 = arith.constant 0 : i32
      %dma_start3A_316 = tpu.memref_slice %arg9[%add3A_312, %dma_start3A_315] : memref<204800x128xf32, #tpu.memory_space<hbm>> -> memref<128x128xf32, #tpu.memory_space<hbm>>
      tpu.enqueue_dma source(%arg13 : memref<128x128xf32, #tpu.memory_space<vmem>>) target(%dma_start3A_316 : memref<128x128xf32, #tpu.memory_space<hbm>>) target_semaphore(%arg27 : memref<!tpu.dma_semaphore, #tpu.memory_space<semaphore_mem>>)
    } else {
    }
    %scan3A_50 = arith.constant 0 : i32
    %scan3A_51 = arith.constant 1 : i32
    %scan3A_52 = arith.constant 25 : i32
    %scan3A_53 = arith.addi %scan3A_51, %scan3A_52 : i32
    %scan3A_54 = arith.constant 1 : i32
    scf.for %scan3A_63 = %scan3A_51 to %scan3A_53 step %scan3A_54  : i32 {
      %mul3A_64 = arith.constant 2 : i32
      %mul3A_65 = arith.muli %mul3A_64, %scan3A_63 : i32
      %add3A_66 = arith.constant 0 : i32
      %add3A_67 = arith.addi %mul3A_65, %add3A_66 : i32
      %lt3A_68 = arith.constant 50 : i32
      %lt3A_69 = arith.cmpi slt, %add3A_67, %lt3A_68 : i32
      %convert_element_type3A_70 = arith.extui %lt3A_69 : i1 to i32
      %cond3A_71 = arith.constant 0 : i32
      %cond3A_72 = arith.cmpi ne, %convert_element_type3A_70, %cond3A_71 : i32
      scf.if %cond3A_72 {
        %ge3A_100 = arith.constant 2 : i32
        %ge3A_101 = arith.cmpi sge, %add3A_67, %ge3A_100 : i32
        %convert_element_type3A_102 = arith.extui %ge3A_101 : i1 to i32
        %cond3A_103 = arith.constant 0 : i32
        %cond3A_104 = arith.cmpi ne, %convert_element_type3A_102, %cond3A_103 : i32
        scf.if %cond3A_104 {
          %dma_wait3A_116 = arith.constant 0 : i32
          %dma_wait3A_117 = tpu.memref_slice %arg9[%mul3A_2, %dma_wait3A_116] : memref<204800x128xf32, #tpu.memory_space<hbm>> -> memref<128x128xf32, #tpu.memory_space<hbm>>
          %dma_wait3A_118 = arith.constant 0 : i32
          %dma_wait3A_119 = tpu.memref_slice %arg9[%mul3A_2, %dma_wait3A_118] : memref<204800x128xf32, #tpu.memory_space<hbm>> -> memref<128x128xf32, #tpu.memory_space<hbm>>
          tpu.wait_dma2 semaphore(%arg27 : memref<!tpu.dma_semaphore, #tpu.memory_space<semaphore_mem>>) src(%arg13 : memref<128x128xf32, #tpu.memory_space<vmem>>) dst(%dma_wait3A_119 : memref<128x128xf32, #tpu.memory_space<hbm>>)
        } else {
        }
        %dma_start3A_105 = arith.constant 0 : i32
        %dma_start3A_106 = tpu.memref_slice %arg10[%add3A_67, %dma_start3A_105] : memref<50x128xi32, #tpu.memory_space<vmem>> -> memref<1x128xi32, #tpu.memory_space<vmem>>
        %dma_start3A_107 = tpu.memref_squeeze %dma_start3A_106 : memref<1x128xi32, #tpu.memory_space<vmem>> -> memref<128xi32, #tpu.memory_space<vmem>>
        %dma_start3A_108 = arith.constant 0 : i32
        %dma_start3A_109 = arith.constant 0 : i32
        %dma_start3A_110 = tpu.memref_slice %arg3[%dma_start3A_108, %dma_start3A_109] : memref<100000x128xf32, #tpu.memory_space<hbm>> -> memref<100000x128xf32, #tpu.memory_space<hbm>>
        tpu.enqueue_indirect_dma source(%dma_start3A_110 : memref<100000x128xf32, #tpu.memory_space<hbm>>) target(%arg13 : memref<128x128xf32, #tpu.memory_space<vmem>>) offsets(%dma_start3A_107 : memref<128xi32, #tpu.memory_space<vmem>>) semaphore(%arg23 : memref<!tpu.dma_semaphore, #tpu.memory_space<semaphore_mem>>)
        %dma_start3A_111 = arith.constant 0 : i32
        %dma_start3A_112 = tpu.memref_slice %arg10[%add3A_67, %dma_start3A_111] : memref<50x128xi32, #tpu.memory_space<vmem>> -> memref<1x128xi32, #tpu.memory_space<vmem>>
        %dma_start3A_113 = tpu.memref_squeeze %dma_start3A_112 : memref<1x128xi32, #tpu.memory_space<vmem>> -> memref<128xi32, #tpu.memory_space<vmem>>
        %dma_start3A_114 = arith.constant 0 : i32
        %dma_start3A_115 = tpu.memref_slice %arg31[%dma_start3A_114] : memref<102400xi32, #tpu.memory_space<vmem_shared>> -> memref<102400xi32, #tpu.memory_space<vmem_shared>>
        tpu.enqueue_indirect_dma source(%dma_start3A_115 : memref<102400xi32, #tpu.memory_space<vmem_shared>>) target(%arg11 : memref<128xi32, #tpu.memory_space<vmem>>) offsets(%dma_start3A_113 : memref<128xi32, #tpu.memory_space<vmem>>) semaphore(%arg25 : memref<!tpu.dma_semaphore, #tpu.memory_space<semaphore_mem>>)
      } else {
      }
      %sub3A = arith.constant 1 : i32
      %sub3A_73 = arith.subi %add3A_67, %sub3A : i32
      %ge3A = arith.constant 0 : i32
      %ge3A_74 = arith.cmpi sge, %sub3A_73, %ge3A : i32
      %lt3A_75 = arith.constant 50 : i32
      %lt3A_76 = arith.cmpi slt, %sub3A_73, %lt3A_75 : i32
      %and3A_77 = arith.andi %ge3A_74, %lt3A_76 : i1
      %convert_element_type3A_78 = arith.extui %and3A_77 : i1 to i32
      %cond3A_79 = arith.constant 0 : i32
      %cond3A_80 = arith.cmpi ne, %convert_element_type3A_78, %cond3A_79 : i32
      scf.if %cond3A_80 {
        %dma_wait3A_100 = arith.constant 0 : i32
        %dma_wait3A_101 = arith.constant 0 : i32
        %dma_wait3A_102 = tpu.memref_slice %arg10[%dma_wait3A_100, %dma_wait3A_101] : memref<50x128xi32, #tpu.memory_space<vmem>> -> memref<1x128xi32, #tpu.memory_space<vmem>>
        %dma_wait3A_103 = tpu.memref_squeeze %dma_wait3A_102 : memref<1x128xi32, #tpu.memory_space<vmem>> -> memref<128xi32, #tpu.memory_space<vmem>>
        %dma_wait3A_104 = arith.constant 0 : i32
        %dma_wait3A_105 = arith.constant 0 : i32
        %dma_wait3A_106 = tpu.memref_slice %arg3[%dma_wait3A_104, %dma_wait3A_105] : memref<100000x128xf32, #tpu.memory_space<hbm>> -> memref<100000x128xf32, #tpu.memory_space<hbm>>
        tpu.wait_indirect_dma semaphore(%arg24 : memref<!tpu.dma_semaphore, #tpu.memory_space<semaphore_mem>>) src(%dma_wait3A_106 : memref<100000x128xf32, #tpu.memory_space<hbm>>) dst(%arg14 : memref<128x128xf32, #tpu.memory_space<vmem>>)
        %dma_wait3A_107 = arith.constant 0 : i32
        %dma_wait3A_108 = arith.constant 0 : i32
        %dma_wait3A_109 = tpu.memref_slice %arg10[%dma_wait3A_107, %dma_wait3A_108] : memref<50x128xi32, #tpu.memory_space<vmem>> -> memref<1x128xi32, #tpu.memory_space<vmem>>
        %dma_wait3A_110 = tpu.memref_squeeze %dma_wait3A_109 : memref<1x128xi32, #tpu.memory_space<vmem>> -> memref<128xi32, #tpu.memory_space<vmem>>
        %dma_wait3A_111 = arith.constant 0 : i32
        %dma_wait3A_112 = tpu.memref_slice %arg31[%dma_wait3A_111] : memref<102400xi32, #tpu.memory_space<vmem_shared>> -> memref<102400xi32, #tpu.memory_space<vmem_shared>>
        tpu.wait_indirect_dma semaphore(%arg26 : memref<!tpu.dma_semaphore, #tpu.memory_space<semaphore_mem>>) src(%dma_wait3A_112 : memref<102400xi32, #tpu.memory_space<vmem_shared>>) dst(%arg12 : memref<128xi32, #tpu.memory_space<vmem>>)
        %get3A = arith.constant 0 : index
        %get3A_113 = tpu.vector_load %arg12[%get3A] {strides = array<i32>} : memref<128xi32, #tpu.memory_space<vmem>>, vector<16xi32>,
        %and3A_114 = arith.constant 2047 : i32
        %and3A_115 = vector.broadcast %and3A_114 : i32 to vector<16xi32>
        %and3A_116 = arith.andi %get3A_113, %and3A_115 : vector<16xi32>
        %shift_right_logical3A = arith.constant 11 : i32
        %shift_right_logical3A_117 = vector.broadcast %shift_right_logical3A : i32 to vector<16xi32>
        %shift_right_logical3A_118 = arith.shrui %get3A_113, %shift_right_logical3A_117 : vector<16xi32>
        %reduce_max3A = arith.constant true
        %reduce_max3A_119 = vector.broadcast %reduce_max3A : i1 to vector<16xi1>
        %reduce_max3A_120 = arith.constant -2147483648 : i32
        %reduce_max3A_121 = vector.broadcast %reduce_max3A_120 : i32 to vector<16xi32>
        %reduce_max3A_122 = arith.xori %and3A_116, %reduce_max3A_121 : vector<16xi32>
        %reduce_max3A_123 = tpu.scan <max>, %reduce_max3A_122 masked %reduce_max3A_119 : vector<16xi32>, vector<16xi1> -> vector<16xi32>
        %reduce_max3A_124 = arith.xori %reduce_max3A_123, %reduce_max3A_121 : vector<16xi32>
        %reduce_max3A_125 = vector.extract %reduce_max3A_124[15] : i32 from vector<16xi32>
        %iota3A = tpu.iota {dimensions = array<i32: 0>} : vector<16xi32>
        %add3A_126 = arith.constant 0 : i32
        %add3A_127 = vector.broadcast %add3A_126 : i32 to vector<16xi32>
        %add3A_128 = arith.addi %iota3A, %add3A_127 : vector<16xi32>
        %while3A = arith.constant 0 : i32
        %while3A_129 = arith.constant 0 : i32
        %while3A_130 = arith.subi %reduce_max3A_125, %while3A_129 : i32
        %while3A_131 = arith.addi %while3A_129, %while3A_130 : i32
        %while3A_132 = arith.constant 1 : i32
        %while3A_133 = arith.divsi %while3A_130, %while3A_132 : i32
        %while3A_134 = arith.muli %while3A_133, %while3A_132 : i32
        %while3A_135 = arith.addi %while3A_129, %while3A_134 : i32
        %while3A_136 = arith.constant 1 : i32
        scf.for %while3A_355 = %while3A_129 to %while3A_135 step %while3A_136  : i32 {
          %lt3A_356 = vector.broadcast %while3A_355 : i32 to vector<16xi32>
          %lt3A_357 = arith.cmpi slt, %lt3A_356, %and3A_116 : vector<16xi32>
          %add3A_358 = vector.broadcast %while3A_355 : i32 to vector<16xi32>
          %add3A_359 = arith.addi %shift_right_logical3A_118, %add3A_358 : vector<16xi32>
          %min3A = arith.constant 1023 : i32
          %min3A_360 = vector.broadcast %min3A : i32 to vector<16xi32>
          %min3A_361 = arith.minsi %add3A_359, %min3A_360 : vector<16xi32>
          %gather3A = tpu.vector_load_idx %arg15[%min3A_361] masked %lt3A_357 : memref<1024xi32, #tpu.memory_space<vmem>>[vector<16xi32>], vector<16xi32>, vector<16xi1>
          %gather3A_362 = tpu.vector_load_idx %arg16[%min3A_361] masked %lt3A_357 : memref<1024xf32, #tpu.memory_space<vmem>>[vector<16xi32>], vector<16xf32>, vector<16xi1>
          tpu.vector_store_idx %arg14[%add3A_128, %gather3A], %gather3A_362 masked %lt3A_357 {add = true} : memref<128x128xf32, #tpu.memory_space<vmem>>[vector<16xi32>, vector<16xi32>], vector<16xf32>, vector<16xi1>
        }
        %while3A_137 = arith.constant 1 : i32
        scf.for %while3A_355 = %while3A_135 to %while3A_131 step %while3A_137  : i32 {
          %lt3A_356 = vector.broadcast %while3A_355 : i32 to vector<16xi32>
          %lt3A_357 = arith.cmpi slt, %lt3A_356, %and3A_116 : vector<16xi32>
          %add3A_358 = vector.broadcast %while3A_355 : i32 to vector<16xi32>
          %add3A_359 = arith.addi %shift_right_logical3A_118, %add3A_358 : vector<16xi32>
          %min3A = arith.constant 1023 : i32
          %min3A_360 = vector.broadcast %min3A : i32 to vector<16xi32>
          %min3A_361 = arith.minsi %add3A_359, %min3A_360 : vector<16xi32>
          %gather3A = tpu.vector_load_idx %arg15[%min3A_361] masked %lt3A_357 : memref<1024xi32, #tpu.memory_space<vmem>>[vector<16xi32>], vector<16xi32>, vector<16xi1>
          %gather3A_362 = tpu.vector_load_idx %arg16[%min3A_361] masked %lt3A_357 : memref<1024xf32, #tpu.memory_space<vmem>>[vector<16xi32>], vector<16xf32>, vector<16xi1>
          tpu.vector_store_idx %arg14[%add3A_128, %gather3A], %gather3A_362 masked %lt3A_357 {add = true} : memref<128x128xf32, #tpu.memory_space<vmem>>[vector<16xi32>, vector<16xi32>], vector<16xf32>, vector<16xi1>
        }
        %get3A_138 = arith.constant 16 : index
        %get3A_139 = tpu.vector_load %arg12[%get3A_138] {strides = array<i32>} : memref<128xi32, #tpu.memory_space<vmem>>, vector<16xi32>,
        %and3A_140 = arith.constant 2047 : i32
        %and3A_141 = vector.broadcast %and3A_140 : i32 to vector<16xi32>
        %and3A_142 = arith.andi %get3A_139, %and3A_141 : vector<16xi32>
        %shift_right_logical3A_143 = arith.constant 11 : i32
        %shift_right_logical3A_144 = vector.broadcast %shift_right_logical3A_143 : i32 to vector<16xi32>
        %shift_right_logical3A_145 = arith.shrui %get3A_139, %shift_right_logical3A_144 : vector<16xi32>
        %reduce_max3A_146 = arith.constant true
        %reduce_max3A_147 = vector.broadcast %reduce_max3A_146 : i1 to vector<16xi1>
        %reduce_max3A_148 = arith.constant -2147483648 : i32
        %reduce_max3A_149 = vector.broadcast %reduce_max3A_148 : i32 to vector<16xi32>
        %reduce_max3A_150 = arith.xori %and3A_142, %reduce_max3A_149 : vector<16xi32>
        %reduce_max3A_151 = tpu.scan <max>, %reduce_max3A_150 masked %reduce_max3A_147 : vector<16xi32>, vector<16xi1> -> vector<16xi32>
        %reduce_max3A_152 = arith.xori %reduce_max3A_151, %reduce_max3A_149 : vector<16xi32>
        %reduce_max3A_153 = vector.extract %reduce_max3A_152[15] : i32 from vector<16xi32>
        %iota3A_154 = tpu.iota {dimensions = array<i32: 0>} : vector<16xi32>
        %add3A_155 = arith.constant 16 : i32
        %add3A_156 = vector.broadcast %add3A_155 : i32 to vector<16xi32>
        %add3A_157 = arith.addi %iota3A_154, %add3A_156 : vector<16xi32>
        %while3A_158 = arith.constant 0 : i32
        %while3A_159 = arith.constant 0 : i32
        %while3A_160 = arith.subi %reduce_max3A_153, %while3A_159 : i32
        %while3A_161 = arith.addi %while3A_159, %while3A_160 : i32
        %while3A_162 = arith.constant 1 : i32
        %while3A_163 = arith.divsi %while3A_160, %while3A_162 : i32
        %while3A_164 = arith.muli %while3A_163, %while3A_162 : i32
        %while3A_165 = arith.addi %while3A_159, %while3A_164 : i32
        %while3A_166 = arith.constant 1 : i32
        scf.for %while3A_355 = %while3A_159 to %while3A_165 step %while3A_166  : i32 {
          %lt3A_356 = vector.broadcast %while3A_355 : i32 to vector<16xi32>
          %lt3A_357 = arith.cmpi slt, %lt3A_356, %and3A_142 : vector<16xi32>
          %add3A_358 = vector.broadcast %while3A_355 : i32 to vector<16xi32>
          %add3A_359 = arith.addi %shift_right_logical3A_145, %add3A_358 : vector<16xi32>
          %min3A = arith.constant 1023 : i32
          %min3A_360 = vector.broadcast %min3A : i32 to vector<16xi32>
          %min3A_361 = arith.minsi %add3A_359, %min3A_360 : vector<16xi32>
          %gather3A = tpu.vector_load_idx %arg15[%min3A_361] masked %lt3A_357 : memref<1024xi32, #tpu.memory_space<vmem>>[vector<16xi32>], vector<16xi32>, vector<16xi1>
          %gather3A_362 = tpu.vector_load_idx %arg16[%min3A_361] masked %lt3A_357 : memref<1024xf32, #tpu.memory_space<vmem>>[vector<16xi32>], vector<16xf32>, vector<16xi1>
          tpu.vector_store_idx %arg14[%add3A_157, %gather3A], %gather3A_362 masked %lt3A_357 {add = true} : memref<128x128xf32, #tpu.memory_space<vmem>>[vector<16xi32>, vector<16xi32>], vector<16xf32>, vector<16xi1>
        }
        %while3A_167 = arith.constant 1 : i32
        scf.for %while3A_355 = %while3A_165 to %while3A_161 step %while3A_167  : i32 {
          %lt3A_356 = vector.broadcast %while3A_355 : i32 to vector<16xi32>
          %lt3A_357 = arith.cmpi slt, %lt3A_356, %and3A_142 : vector<16xi32>
          %add3A_358 = vector.broadcast %while3A_355 : i32 to vector<16xi32>
          %add3A_359 = arith.addi %shift_right_logical3A_145, %add3A_358 : vector<16xi32>
          %min3A = arith.constant 1023 : i32
          %min3A_360 = vector.broadcast %min3A : i32 to vector<16xi32>
          %min3A_361 = arith.minsi %add3A_359, %min3A_360 : vector<16xi32>
          %gather3A = tpu.vector_load_idx %arg15[%min3A_361] masked %lt3A_357 : memref<1024xi32, #tpu.memory_space<vmem>>[vector<16xi32>], vector<16xi32>, vector<16xi1>
          %gather3A_362 = tpu.vector_load_idx %arg16[%min3A_361] masked %lt3A_357 : memref<1024xf32, #tpu.memory_space<vmem>>[vector<16xi32>], vector<16xf32>, vector<16xi1>
          tpu.vector_store_idx %arg14[%add3A_157, %gather3A], %gather3A_362 masked %lt3A_357 {add = true} : memref<128x128xf32, #tpu.memory_space<vmem>>[vector<16xi32>, vector<16xi32>], vector<16xf32>, vector<16xi1>
        }
        %get3A_168 = arith.constant 32 : index
        %get3A_169 = tpu.vector_load %arg12[%get3A_168] {strides = array<i32>} : memref<128xi32, #tpu.memory_space<vmem>>, vector<16xi32>,
        %and3A_170 = arith.constant 2047 : i32
        %and3A_171 = vector.broadcast %and3A_170 : i32 to vector<16xi32>
        %and3A_172 = arith.andi %get3A_169, %and3A_171 : vector<16xi32>
        %shift_right_logical3A_173 = arith.constant 11 : i32
        %shift_right_logical3A_174 = vector.broadcast %shift_right_logical3A_173 : i32 to vector<16xi32>
        %shift_right_logical3A_175 = arith.shrui %get3A_169, %shift_right_logical3A_174 : vector<16xi32>
        %reduce_max3A_176 = arith.constant true
        %reduce_max3A_177 = vector.broadcast %reduce_max3A_176 : i1 to vector<16xi1>
        %reduce_max3A_178 = arith.constant -2147483648 : i32
        %reduce_max3A_179 = vector.broadcast %reduce_max3A_178 : i32 to vector<16xi32>
        %reduce_max3A_180 = arith.xori %and3A_172, %reduce_max3A_179 : vector<16xi32>
        %reduce_max3A_181 = tpu.scan <max>, %reduce_max3A_180 masked %reduce_max3A_177 : vector<16xi32>, vector<16xi1> -> vector<16xi32>
        %reduce_max3A_182 = arith.xori %reduce_max3A_181, %reduce_max3A_179 : vector<16xi32>
        %reduce_max3A_183 = vector.extract %reduce_max3A_182[15] : i32 from vector<16xi32>
        %iota3A_184 = tpu.iota {dimensions = array<i32: 0>} : vector<16xi32>
        %add3A_185 = arith.constant 32 : i32
        %add3A_186 = vector.broadcast %add3A_185 : i32 to vector<16xi32>
        %add3A_187 = arith.addi %iota3A_184, %add3A_186 : vector<16xi32>
        %while3A_188 = arith.constant 0 : i32
        %while3A_189 = arith.constant 0 : i32
        %while3A_190 = arith.subi %reduce_max3A_183, %while3A_189 : i32
        %while3A_191 = arith.addi %while3A_189, %while3A_190 : i32
        %while3A_192 = arith.constant 1 : i32
        %while3A_193 = arith.divsi %while3A_190, %while3A_192 : i32
        %while3A_194 = arith.muli %while3A_193, %while3A_192 : i32
        %while3A_195 = arith.addi %while3A_189, %while3A_194 : i32
        %while3A_196 = arith.constant 1 : i32
        scf.for %while3A_355 = %while3A_189 to %while3A_195 step %while3A_196  : i32 {
          %lt3A_356 = vector.broadcast %while3A_355 : i32 to vector<16xi32>
          %lt3A_357 = arith.cmpi slt, %lt3A_356, %and3A_172 : vector<16xi32>
          %add3A_358 = vector.broadcast %while3A_355 : i32 to vector<16xi32>
          %add3A_359 = arith.addi %shift_right_logical3A_175, %add3A_358 : vector<16xi32>
          %min3A = arith.constant 1023 : i32
          %min3A_360 = vector.broadcast %min3A : i32 to vector<16xi32>
          %min3A_361 = arith.minsi %add3A_359, %min3A_360 : vector<16xi32>
          %gather3A = tpu.vector_load_idx %arg15[%min3A_361] masked %lt3A_357 : memref<1024xi32, #tpu.memory_space<vmem>>[vector<16xi32>], vector<16xi32>, vector<16xi1>
          %gather3A_362 = tpu.vector_load_idx %arg16[%min3A_361] masked %lt3A_357 : memref<1024xf32, #tpu.memory_space<vmem>>[vector<16xi32>], vector<16xf32>, vector<16xi1>
          tpu.vector_store_idx %arg14[%add3A_187, %gather3A], %gather3A_362 masked %lt3A_357 {add = true} : memref<128x128xf32, #tpu.memory_space<vmem>>[vector<16xi32>, vector<16xi32>], vector<16xf32>, vector<16xi1>
        }
        %while3A_197 = arith.constant 1 : i32
        scf.for %while3A_355 = %while3A_195 to %while3A_191 step %while3A_197  : i32 {
          %lt3A_356 = vector.broadcast %while3A_355 : i32 to vector<16xi32>
          %lt3A_357 = arith.cmpi slt, %lt3A_356, %and3A_172 : vector<16xi32>
          %add3A_358 = vector.broadcast %while3A_355 : i32 to vector<16xi32>
          %add3A_359 = arith.addi %shift_right_logical3A_175, %add3A_358 : vector<16xi32>
          %min3A = arith.constant 1023 : i32
          %min3A_360 = vector.broadcast %min3A : i32 to vector<16xi32>
          %min3A_361 = arith.minsi %add3A_359, %min3A_360 : vector<16xi32>
          %gather3A = tpu.vector_load_idx %arg15[%min3A_361] masked %lt3A_357 : memref<1024xi32, #tpu.memory_space<vmem>>[vector<16xi32>], vector<16xi32>, vector<16xi1>
          %gather3A_362 = tpu.vector_load_idx %arg16[%min3A_361] masked %lt3A_357 : memref<1024xf32, #tpu.memory_space<vmem>>[vector<16xi32>], vector<16xf32>, vector<16xi1>
          tpu.vector_store_idx %arg14[%add3A_187, %gather3A], %gather3A_362 masked %lt3A_357 {add = true} : memref<128x128xf32, #tpu.memory_space<vmem>>[vector<16xi32>, vector<16xi32>], vector<16xf32>, vector<16xi1>
        }
        %get3A_198 = arith.constant 48 : index
        %get3A_199 = tpu.vector_load %arg12[%get3A_198] {strides = array<i32>} : memref<128xi32, #tpu.memory_space<vmem>>, vector<16xi32>,
        %and3A_200 = arith.constant 2047 : i32
        %and3A_201 = vector.broadcast %and3A_200 : i32 to vector<16xi32>
        %and3A_202 = arith.andi %get3A_199, %and3A_201 : vector<16xi32>
        %shift_right_logical3A_203 = arith.constant 11 : i32
        %shift_right_logical3A_204 = vector.broadcast %shift_right_logical3A_203 : i32 to vector<16xi32>
        %shift_right_logical3A_205 = arith.shrui %get3A_199, %shift_right_logical3A_204 : vector<16xi32>
        %reduce_max3A_206 = arith.constant true
        %reduce_max3A_207 = vector.broadcast %reduce_max3A_206 : i1 to vector<16xi1>
        %reduce_max3A_208 = arith.constant -2147483648 : i32
        %reduce_max3A_209 = vector.broadcast %reduce_max3A_208 : i32 to vector<16xi32>
        %reduce_max3A_210 = arith.xori %and3A_202, %reduce_max3A_209 : vector<16xi32>
        %reduce_max3A_211 = tpu.scan <max>, %reduce_max3A_210 masked %reduce_max3A_207 : vector<16xi32>, vector<16xi1> -> vector<16xi32>
        %reduce_max3A_212 = arith.xori %reduce_max3A_211, %reduce_max3A_209 : vector<16xi32>
        %reduce_max3A_213 = vector.extract %reduce_max3A_212[15] : i32 from vector<16xi32>
        %iota3A_214 = tpu.iota {dimensions = array<i32: 0>} : vector<16xi32>
        %add3A_215 = arith.constant 48 : i32
        %add3A_216 = vector.broadcast %add3A_215 : i32 to vector<16xi32>
        %add3A_217 = arith.addi %iota3A_214, %add3A_216 : vector<16xi32>
        %while3A_218 = arith.constant 0 : i32
        %while3A_219 = arith.constant 0 : i32
        %while3A_220 = arith.subi %reduce_max3A_213, %while3A_219 : i32
        %while3A_221 = arith.addi %while3A_219, %while3A_220 : i32
        %while3A_222 = arith.constant 1 : i32
        %while3A_223 = arith.divsi %while3A_220, %while3A_222 : i32
        %while3A_224 = arith.muli %while3A_223, %while3A_222 : i32
        %while3A_225 = arith.addi %while3A_219, %while3A_224 : i32
        %while3A_226 = arith.constant 1 : i32
        scf.for %while3A_355 = %while3A_219 to %while3A_225 step %while3A_226  : i32 {
          %lt3A_356 = vector.broadcast %while3A_355 : i32 to vector<16xi32>
          %lt3A_357 = arith.cmpi slt, %lt3A_356, %and3A_202 : vector<16xi32>
          %add3A_358 = vector.broadcast %while3A_355 : i32 to vector<16xi32>
          %add3A_359 = arith.addi %shift_right_logical3A_205, %add3A_358 : vector<16xi32>
          %min3A = arith.constant 1023 : i32
          %min3A_360 = vector.broadcast %min3A : i32 to vector<16xi32>
          %min3A_361 = arith.minsi %add3A_359, %min3A_360 : vector<16xi32>
          %gather3A = tpu.vector_load_idx %arg15[%min3A_361] masked %lt3A_357 : memref<1024xi32, #tpu.memory_space<vmem>>[vector<16xi32>], vector<16xi32>, vector<16xi1>
          %gather3A_362 = tpu.vector_load_idx %arg16[%min3A_361] masked %lt3A_357 : memref<1024xf32, #tpu.memory_space<vmem>>[vector<16xi32>], vector<16xf32>, vector<16xi1>
          tpu.vector_store_idx %arg14[%add3A_217, %gather3A], %gather3A_362 masked %lt3A_357 {add = true} : memref<128x128xf32, #tpu.memory_space<vmem>>[vector<16xi32>, vector<16xi32>], vector<16xf32>, vector<16xi1>
        }
        %while3A_227 = arith.constant 1 : i32
        scf.for %while3A_355 = %while3A_225 to %while3A_221 step %while3A_227  : i32 {
          %lt3A_356 = vector.broadcast %while3A_355 : i32 to vector<16xi32>
          %lt3A_357 = arith.cmpi slt, %lt3A_356, %and3A_202 : vector<16xi32>
          %add3A_358 = vector.broadcast %while3A_355 : i32 to vector<16xi32>
          %add3A_359 = arith.addi %shift_right_logical3A_205, %add3A_358 : vector<16xi32>
          %min3A = arith.constant 1023 : i32
          %min3A_360 = vector.broadcast %min3A : i32 to vector<16xi32>
          %min3A_361 = arith.minsi %add3A_359, %min3A_360 : vector<16xi32>
          %gather3A = tpu.vector_load_idx %arg15[%min3A_361] masked %lt3A_357 : memref<1024xi32, #tpu.memory_space<vmem>>[vector<16xi32>], vector<16xi32>, vector<16xi1>
          %gather3A_362 = tpu.vector_load_idx %arg16[%min3A_361] masked %lt3A_357 : memref<1024xf32, #tpu.memory_space<vmem>>[vector<16xi32>], vector<16xf32>, vector<16xi1>
          tpu.vector_store_idx %arg14[%add3A_217, %gather3A], %gather3A_362 masked %lt3A_357 {add = true} : memref<128x128xf32, #tpu.memory_space<vmem>>[vector<16xi32>, vector<16xi32>], vector<16xf32>, vector<16xi1>
        }
        %get3A_228 = arith.constant 64 : index
        %get3A_229 = tpu.vector_load %arg12[%get3A_228] {strides = array<i32>} : memref<128xi32, #tpu.memory_space<vmem>>, vector<16xi32>,
        %and3A_230 = arith.constant 2047 : i32
        %and3A_231 = vector.broadcast %and3A_230 : i32 to vector<16xi32>
        %and3A_232 = arith.andi %get3A_229, %and3A_231 : vector<16xi32>
        %shift_right_logical3A_233 = arith.constant 11 : i32
        %shift_right_logical3A_234 = vector.broadcast %shift_right_logical3A_233 : i32 to vector<16xi32>
        %shift_right_logical3A_235 = arith.shrui %get3A_229, %shift_right_logical3A_234 : vector<16xi32>
        %reduce_max3A_236 = arith.constant true
        %reduce_max3A_237 = vector.broadcast %reduce_max3A_236 : i1 to vector<16xi1>
        %reduce_max3A_238 = arith.constant -2147483648 : i32
        %reduce_max3A_239 = vector.broadcast %reduce_max3A_238 : i32 to vector<16xi32>
        %reduce_max3A_240 = arith.xori %and3A_232, %reduce_max3A_239 : vector<16xi32>
        %reduce_max3A_241 = tpu.scan <max>, %reduce_max3A_240 masked %reduce_max3A_237 : vector<16xi32>, vector<16xi1> -> vector<16xi32>
        %reduce_max3A_242 = arith.xori %reduce_max3A_241, %reduce_max3A_239 : vector<16xi32>
        %reduce_max3A_243 = vector.extract %reduce_max3A_242[15] : i32 from vector<16xi32>
        %iota3A_244 = tpu.iota {dimensions = array<i32: 0>} : vector<16xi32>
        %add3A_245 = arith.constant 64 : i32
        %add3A_246 = vector.broadcast %add3A_245 : i32 to vector<16xi32>
        %add3A_247 = arith.addi %iota3A_244, %add3A_246 : vector<16xi32>
        %while3A_248 = arith.constant 0 : i32
        %while3A_249 = arith.constant 0 : i32
        %while3A_250 = arith.subi %reduce_max3A_243, %while3A_249 : i32
        %while3A_251 = arith.addi %while3A_249, %while3A_250 : i32
        %while3A_252 = arith.constant 1 : i32
        %while3A_253 = arith.divsi %while3A_250, %while3A_252 : i32
        %while3A_254 = arith.muli %while3A_253, %while3A_252 : i32
        %while3A_255 = arith.addi %while3A_249, %while3A_254 : i32
        %while3A_256 = arith.constant 1 : i32
        scf.for %while3A_355 = %while3A_249 to %while3A_255 step %while3A_256  : i32 {
          %lt3A_356 = vector.broadcast %while3A_355 : i32 to vector<16xi32>
          %lt3A_357 = arith.cmpi slt, %lt3A_356, %and3A_232 : vector<16xi32>
          %add3A_358 = vector.broadcast %while3A_355 : i32 to vector<16xi32>
          %add3A_359 = arith.addi %shift_right_logical3A_235, %add3A_358 : vector<16xi32>
          %min3A = arith.constant 1023 : i32
          %min3A_360 = vector.broadcast %min3A : i32 to vector<16xi32>
          %min3A_361 = arith.minsi %add3A_359, %min3A_360 : vector<16xi32>
          %gather3A = tpu.vector_load_idx %arg15[%min3A_361] masked %lt3A_357 : memref<1024xi32, #tpu.memory_space<vmem>>[vector<16xi32>], vector<16xi32>, vector<16xi1>
          %gather3A_362 = tpu.vector_load_idx %arg16[%min3A_361] masked %lt3A_357 : memref<1024xf32, #tpu.memory_space<vmem>>[vector<16xi32>], vector<16xf32>, vector<16xi1>
          tpu.vector_store_idx %arg14[%add3A_247, %gather3A], %gather3A_362 masked %lt3A_357 {add = true} : memref<128x128xf32, #tpu.memory_space<vmem>>[vector<16xi32>, vector<16xi32>], vector<16xf32>, vector<16xi1>
        }
        %while3A_257 = arith.constant 1 : i32
        scf.for %while3A_355 = %while3A_255 to %while3A_251 step %while3A_257  : i32 {
          %lt3A_356 = vector.broadcast %while3A_355 : i32 to vector<16xi32>
          %lt3A_357 = arith.cmpi slt, %lt3A_356, %and3A_232 : vector<16xi32>
          %add3A_358 = vector.broadcast %while3A_355 : i32 to vector<16xi32>
          %add3A_359 = arith.addi %shift_right_logical3A_235, %add3A_358 : vector<16xi32>
          %min3A = arith.constant 1023 : i32
          %min3A_360 = vector.broadcast %min3A : i32 to vector<16xi32>
          %min3A_361 = arith.minsi %add3A_359, %min3A_360 : vector<16xi32>
          %gather3A = tpu.vector_load_idx %arg15[%min3A_361] masked %lt3A_357 : memref<1024xi32, #tpu.memory_space<vmem>>[vector<16xi32>], vector<16xi32>, vector<16xi1>
          %gather3A_362 = tpu.vector_load_idx %arg16[%min3A_361] masked %lt3A_357 : memref<1024xf32, #tpu.memory_space<vmem>>[vector<16xi32>], vector<16xf32>, vector<16xi1>
          tpu.vector_store_idx %arg14[%add3A_247, %gather3A], %gather3A_362 masked %lt3A_357 {add = true} : memref<128x128xf32, #tpu.memory_space<vmem>>[vector<16xi32>, vector<16xi32>], vector<16xf32>, vector<16xi1>
        }
        %get3A_258 = arith.constant 80 : index
        %get3A_259 = tpu.vector_load %arg12[%get3A_258] {strides = array<i32>} : memref<128xi32, #tpu.memory_space<vmem>>, vector<16xi32>,
        %and3A_260 = arith.constant 2047 : i32
        %and3A_261 = vector.broadcast %and3A_260 : i32 to vector<16xi32>
        %and3A_262 = arith.andi %get3A_259, %and3A_261 : vector<16xi32>
        %shift_right_logical3A_263 = arith.constant 11 : i32
        %shift_right_logical3A_264 = vector.broadcast %shift_right_logical3A_263 : i32 to vector<16xi32>
        %shift_right_logical3A_265 = arith.shrui %get3A_259, %shift_right_logical3A_264 : vector<16xi32>
        %reduce_max3A_266 = arith.constant true
        %reduce_max3A_267 = vector.broadcast %reduce_max3A_266 : i1 to vector<16xi1>
        %reduce_max3A_268 = arith.constant -2147483648 : i32
        %reduce_max3A_269 = vector.broadcast %reduce_max3A_268 : i32 to vector<16xi32>
        %reduce_max3A_270 = arith.xori %and3A_262, %reduce_max3A_269 : vector<16xi32>
        %reduce_max3A_271 = tpu.scan <max>, %reduce_max3A_270 masked %reduce_max3A_267 : vector<16xi32>, vector<16xi1> -> vector<16xi32>
        %reduce_max3A_272 = arith.xori %reduce_max3A_271, %reduce_max3A_269 : vector<16xi32>
        %reduce_max3A_273 = vector.extract %reduce_max3A_272[15] : i32 from vector<16xi32>
        %iota3A_274 = tpu.iota {dimensions = array<i32: 0>} : vector<16xi32>
        %add3A_275 = arith.constant 80 : i32
        %add3A_276 = vector.broadcast %add3A_275 : i32 to vector<16xi32>
        %add3A_277 = arith.addi %iota3A_274, %add3A_276 : vector<16xi32>
        %while3A_278 = arith.constant 0 : i32
        %while3A_279 = arith.constant 0 : i32
        %while3A_280 = arith.subi %reduce_max3A_273, %while3A_279 : i32
        %while3A_281 = arith.addi %while3A_279, %while3A_280 : i32
        %while3A_282 = arith.constant 1 : i32
        %while3A_283 = arith.divsi %while3A_280, %while3A_282 : i32
        %while3A_284 = arith.muli %while3A_283, %while3A_282 : i32
        %while3A_285 = arith.addi %while3A_279, %while3A_284 : i32
        %while3A_286 = arith.constant 1 : i32
        scf.for %while3A_355 = %while3A_279 to %while3A_285 step %while3A_286  : i32 {
          %lt3A_356 = vector.broadcast %while3A_355 : i32 to vector<16xi32>
          %lt3A_357 = arith.cmpi slt, %lt3A_356, %and3A_262 : vector<16xi32>
          %add3A_358 = vector.broadcast %while3A_355 : i32 to vector<16xi32>
          %add3A_359 = arith.addi %shift_right_logical3A_265, %add3A_358 : vector<16xi32>
          %min3A = arith.constant 1023 : i32
          %min3A_360 = vector.broadcast %min3A : i32 to vector<16xi32>
          %min3A_361 = arith.minsi %add3A_359, %min3A_360 : vector<16xi32>
          %gather3A = tpu.vector_load_idx %arg15[%min3A_361] masked %lt3A_357 : memref<1024xi32, #tpu.memory_space<vmem>>[vector<16xi32>], vector<16xi32>, vector<16xi1>
          %gather3A_362 = tpu.vector_load_idx %arg16[%min3A_361] masked %lt3A_357 : memref<1024xf32, #tpu.memory_space<vmem>>[vector<16xi32>], vector<16xf32>, vector<16xi1>
          tpu.vector_store_idx %arg14[%add3A_277, %gather3A], %gather3A_362 masked %lt3A_357 {add = true} : memref<128x128xf32, #tpu.memory_space<vmem>>[vector<16xi32>, vector<16xi32>], vector<16xf32>, vector<16xi1>
        }
        %while3A_287 = arith.constant 1 : i32
        scf.for %while3A_355 = %while3A_285 to %while3A_281 step %while3A_287  : i32 {
          %lt3A_356 = vector.broadcast %while3A_355 : i32 to vector<16xi32>
          %lt3A_357 = arith.cmpi slt, %lt3A_356, %and3A_262 : vector<16xi32>
          %add3A_358 = vector.broadcast %while3A_355 : i32 to vector<16xi32>
          %add3A_359 = arith.addi %shift_right_logical3A_265, %add3A_358 : vector<16xi32>
          %min3A = arith.constant 1023 : i32
          %min3A_360 = vector.broadcast %min3A : i32 to vector<16xi32>
          %min3A_361 = arith.minsi %add3A_359, %min3A_360 : vector<16xi32>
          %gather3A = tpu.vector_load_idx %arg15[%min3A_361] masked %lt3A_357 : memref<1024xi32, #tpu.memory_space<vmem>>[vector<16xi32>], vector<16xi32>, vector<16xi1>
          %gather3A_362 = tpu.vector_load_idx %arg16[%min3A_361] masked %lt3A_357 : memref<1024xf32, #tpu.memory_space<vmem>>[vector<16xi32>], vector<16xf32>, vector<16xi1>
          tpu.vector_store_idx %arg14[%add3A_277, %gather3A], %gather3A_362 masked %lt3A_357 {add = true} : memref<128x128xf32, #tpu.memory_space<vmem>>[vector<16xi32>, vector<16xi32>], vector<16xf32>, vector<16xi1>
        }
        %get3A_288 = arith.constant 96 : index
        %get3A_289 = tpu.vector_load %arg12[%get3A_288] {strides = array<i32>} : memref<128xi32, #tpu.memory_space<vmem>>, vector<16xi32>,
        %and3A_290 = arith.constant 2047 : i32
        %and3A_291 = vector.broadcast %and3A_290 : i32 to vector<16xi32>
        %and3A_292 = arith.andi %get3A_289, %and3A_291 : vector<16xi32>
        %shift_right_logical3A_293 = arith.constant 11 : i32
        %shift_right_logical3A_294 = vector.broadcast %shift_right_logical3A_293 : i32 to vector<16xi32>
        %shift_right_logical3A_295 = arith.shrui %get3A_289, %shift_right_logical3A_294 : vector<16xi32>
        %reduce_max3A_296 = arith.constant true
        %reduce_max3A_297 = vector.broadcast %reduce_max3A_296 : i1 to vector<16xi1>
        %reduce_max3A_298 = arith.constant -2147483648 : i32
        %reduce_max3A_299 = vector.broadcast %reduce_max3A_298 : i32 to vector<16xi32>
        %reduce_max3A_300 = arith.xori %and3A_292, %reduce_max3A_299 : vector<16xi32>
        %reduce_max3A_301 = tpu.scan <max>, %reduce_max3A_300 masked %reduce_max3A_297 : vector<16xi32>, vector<16xi1> -> vector<16xi32>
        %reduce_max3A_302 = arith.xori %reduce_max3A_301, %reduce_max3A_299 : vector<16xi32>
        %reduce_max3A_303 = vector.extract %reduce_max3A_302[15] : i32 from vector<16xi32>
        %iota3A_304 = tpu.iota {dimensions = array<i32: 0>} : vector<16xi32>
        %add3A_305 = arith.constant 96 : i32
        %add3A_306 = vector.broadcast %add3A_305 : i32 to vector<16xi32>
        %add3A_307 = arith.addi %iota3A_304, %add3A_306 : vector<16xi32>
        %while3A_308 = arith.constant 0 : i32
        %while3A_309 = arith.constant 0 : i32
        %while3A_310 = arith.subi %reduce_max3A_303, %while3A_309 : i32
        %while3A_311 = arith.addi %while3A_309, %while3A_310 : i32
        %while3A_312 = arith.constant 1 : i32
        %while3A_313 = arith.divsi %while3A_310, %while3A_312 : i32
        %while3A_314 = arith.muli %while3A_313, %while3A_312 : i32
        %while3A_315 = arith.addi %while3A_309, %while3A_314 : i32
        %while3A_316 = arith.constant 1 : i32
        scf.for %while3A_355 = %while3A_309 to %while3A_315 step %while3A_316  : i32 {
          %lt3A_356 = vector.broadcast %while3A_355 : i32 to vector<16xi32>
          %lt3A_357 = arith.cmpi slt, %lt3A_356, %and3A_292 : vector<16xi32>
          %add3A_358 = vector.broadcast %while3A_355 : i32 to vector<16xi32>
          %add3A_359 = arith.addi %shift_right_logical3A_295, %add3A_358 : vector<16xi32>
          %min3A = arith.constant 1023 : i32
          %min3A_360 = vector.broadcast %min3A : i32 to vector<16xi32>
          %min3A_361 = arith.minsi %add3A_359, %min3A_360 : vector<16xi32>
          %gather3A = tpu.vector_load_idx %arg15[%min3A_361] masked %lt3A_357 : memref<1024xi32, #tpu.memory_space<vmem>>[vector<16xi32>], vector<16xi32>, vector<16xi1>
          %gather3A_362 = tpu.vector_load_idx %arg16[%min3A_361] masked %lt3A_357 : memref<1024xf32, #tpu.memory_space<vmem>>[vector<16xi32>], vector<16xf32>, vector<16xi1>
          tpu.vector_store_idx %arg14[%add3A_307, %gather3A], %gather3A_362 masked %lt3A_357 {add = true} : memref<128x128xf32, #tpu.memory_space<vmem>>[vector<16xi32>, vector<16xi32>], vector<16xf32>, vector<16xi1>
        }
        %while3A_317 = arith.constant 1 : i32
        scf.for %while3A_355 = %while3A_315 to %while3A_311 step %while3A_317  : i32 {
          %lt3A_356 = vector.broadcast %while3A_355 : i32 to vector<16xi32>
          %lt3A_357 = arith.cmpi slt, %lt3A_356, %and3A_292 : vector<16xi32>
          %add3A_358 = vector.broadcast %while3A_355 : i32 to vector<16xi32>
          %add3A_359 = arith.addi %shift_right_logical3A_295, %add3A_358 : vector<16xi32>
          %min3A = arith.constant 1023 : i32
          %min3A_360 = vector.broadcast %min3A : i32 to vector<16xi32>
          %min3A_361 = arith.minsi %add3A_359, %min3A_360 : vector<16xi32>
          %gather3A = tpu.vector_load_idx %arg15[%min3A_361] masked %lt3A_357 : memref<1024xi32, #tpu.memory_space<vmem>>[vector<16xi32>], vector<16xi32>, vector<16xi1>
          %gather3A_362 = tpu.vector_load_idx %arg16[%min3A_361] masked %lt3A_357 : memref<1024xf32, #tpu.memory_space<vmem>>[vector<16xi32>], vector<16xf32>, vector<16xi1>
          tpu.vector_store_idx %arg14[%add3A_307, %gather3A], %gather3A_362 masked %lt3A_357 {add = true} : memref<128x128xf32, #tpu.memory_space<vmem>>[vector<16xi32>, vector<16xi32>], vector<16xf32>, vector<16xi1>
        }
        %get3A_318 = arith.constant 112 : index
        %get3A_319 = tpu.vector_load %arg12[%get3A_318] {strides = array<i32>} : memref<128xi32, #tpu.memory_space<vmem>>, vector<16xi32>,
        %and3A_320 = arith.constant 2047 : i32
        %and3A_321 = vector.broadcast %and3A_320 : i32 to vector<16xi32>
        %and3A_322 = arith.andi %get3A_319, %and3A_321 : vector<16xi32>
        %shift_right_logical3A_323 = arith.constant 11 : i32
        %shift_right_logical3A_324 = vector.broadcast %shift_right_logical3A_323 : i32 to vector<16xi32>
        %shift_right_logical3A_325 = arith.shrui %get3A_319, %shift_right_logical3A_324 : vector<16xi32>
        %reduce_max3A_326 = arith.constant true
        %reduce_max3A_327 = vector.broadcast %reduce_max3A_326 : i1 to vector<16xi1>
        %reduce_max3A_328 = arith.constant -2147483648 : i32
        %reduce_max3A_329 = vector.broadcast %reduce_max3A_328 : i32 to vector<16xi32>
        %reduce_max3A_330 = arith.xori %and3A_322, %reduce_max3A_329 : vector<16xi32>
        %reduce_max3A_331 = tpu.scan <max>, %reduce_max3A_330 masked %reduce_max3A_327 : vector<16xi32>, vector<16xi1> -> vector<16xi32>
        %reduce_max3A_332 = arith.xori %reduce_max3A_331, %reduce_max3A_329 : vector<16xi32>
        %reduce_max3A_333 = vector.extract %reduce_max3A_332[15] : i32 from vector<16xi32>
        %iota3A_334 = tpu.iota {dimensions = array<i32: 0>} : vector<16xi32>
        %add3A_335 = arith.constant 112 : i32
        %add3A_336 = vector.broadcast %add3A_335 : i32 to vector<16xi32>
        %add3A_337 = arith.addi %iota3A_334, %add3A_336 : vector<16xi32>
        %while3A_338 = arith.constant 0 : i32
        %while3A_339 = arith.constant 0 : i32
        %while3A_340 = arith.subi %reduce_max3A_333, %while3A_339 : i32
        %while3A_341 = arith.addi %while3A_339, %while3A_340 : i32
        %while3A_342 = arith.constant 1 : i32
        %while3A_343 = arith.divsi %while3A_340, %while3A_342 : i32
        %while3A_344 = arith.muli %while3A_343, %while3A_342 : i32
        %while3A_345 = arith.addi %while3A_339, %while3A_344 : i32
        %while3A_346 = arith.constant 1 : i32
        scf.for %while3A_355 = %while3A_339 to %while3A_345 step %while3A_346  : i32 {
          %lt3A_356 = vector.broadcast %while3A_355 : i32 to vector<16xi32>
          %lt3A_357 = arith.cmpi slt, %lt3A_356, %and3A_322 : vector<16xi32>
          %add3A_358 = vector.broadcast %while3A_355 : i32 to vector<16xi32>
          %add3A_359 = arith.addi %shift_right_logical3A_325, %add3A_358 : vector<16xi32>
          %min3A = arith.constant 1023 : i32
          %min3A_360 = vector.broadcast %min3A : i32 to vector<16xi32>
          %min3A_361 = arith.minsi %add3A_359, %min3A_360 : vector<16xi32>
          %gather3A = tpu.vector_load_idx %arg15[%min3A_361] masked %lt3A_357 : memref<1024xi32, #tpu.memory_space<vmem>>[vector<16xi32>], vector<16xi32>, vector<16xi1>
          %gather3A_362 = tpu.vector_load_idx %arg16[%min3A_361] masked %lt3A_357 : memref<1024xf32, #tpu.memory_space<vmem>>[vector<16xi32>], vector<16xf32>, vector<16xi1>
          tpu.vector_store_idx %arg14[%add3A_337, %gather3A], %gather3A_362 masked %lt3A_357 {add = true} : memref<128x128xf32, #tpu.memory_space<vmem>>[vector<16xi32>, vector<16xi32>], vector<16xf32>, vector<16xi1>
        }
        %while3A_347 = arith.constant 1 : i32
        scf.for %while3A_355 = %while3A_345 to %while3A_341 step %while3A_347  : i32 {
          %lt3A_356 = vector.broadcast %while3A_355 : i32 to vector<16xi32>
          %lt3A_357 = arith.cmpi slt, %lt3A_356, %and3A_322 : vector<16xi32>
          %add3A_358 = vector.broadcast %while3A_355 : i32 to vector<16xi32>
          %add3A_359 = arith.addi %shift_right_logical3A_325, %add3A_358 : vector<16xi32>
          %min3A = arith.constant 1023 : i32
          %min3A_360 = vector.broadcast %min3A : i32 to vector<16xi32>
          %min3A_361 = arith.minsi %add3A_359, %min3A_360 : vector<16xi32>
          %gather3A = tpu.vector_load_idx %arg15[%min3A_361] masked %lt3A_357 : memref<1024xi32, #tpu.memory_space<vmem>>[vector<16xi32>], vector<16xi32>, vector<16xi1>
          %gather3A_362 = tpu.vector_load_idx %arg16[%min3A_361] masked %lt3A_357 : memref<1024xf32, #tpu.memory_space<vmem>>[vector<16xi32>], vector<16xf32>, vector<16xi1>
          tpu.vector_store_idx %arg14[%add3A_337, %gather3A], %gather3A_362 masked %lt3A_357 {add = true} : memref<128x128xf32, #tpu.memory_space<vmem>>[vector<16xi32>, vector<16xi32>], vector<16xf32>, vector<16xi1>
        }
        %mul3A_348 = arith.constant 128 : i32
        %mul3A_349 = arith.muli %sub3A_73, %mul3A_348 : i32
        %add3A_350 = arith.addi %mul3A_2, %mul3A_349 : i32
        %dma_start3A_351 = arith.constant 0 : i32
        %dma_start3A_352 = tpu.memref_slice %arg9[%add3A_350, %dma_start3A_351] : memref<204800x128xf32, #tpu.memory_space<hbm>> -> memref<128x128xf32, #tpu.memory_space<hbm>>
        %dma_start3A_353 = arith.constant 0 : i32
        %dma_start3A_354 = tpu.memref_slice %arg9[%add3A_350, %dma_start3A_353] : memref<204800x128xf32, #tpu.memory_space<hbm>> -> memref<128x128xf32, #tpu.memory_space<hbm>>
        tpu.enqueue_dma source(%arg14 : memref<128x128xf32, #tpu.memory_space<vmem>>) target(%dma_start3A_354 : memref<128x128xf32, #tpu.memory_space<hbm>>) target_semaphore(%arg28 : memref<!tpu.dma_semaphore, #tpu.memory_space<semaphore_mem>>)
      } else {
      }
      %mul3A_81 = arith.constant 2 : i32
      %mul3A_82 = arith.muli %mul3A_81, %scan3A_63 : i32
      %add3A_83 = arith.constant 1 : i32
      %add3A_84 = arith.addi %mul3A_82, %add3A_83 : i32
      %lt3A_85 = arith.constant 50 : i32
      %lt3A_86 = arith.cmpi slt, %add3A_84, %lt3A_85 : i32
      %convert_element_type3A_87 = arith.extui %lt3A_86 : i1 to i32
      %cond3A_88 = arith.constant 0 : i32
      %cond3A_89 = arith.cmpi ne, %convert_element_type3A_87, %cond3A_88 : i32
      scf.if %cond3A_89 {
        %ge3A_100 = arith.constant 2 : i32
        %ge3A_101 = arith.cmpi sge, %add3A_84, %ge3A_100 : i32
        %convert_element_type3A_102 = arith.extui %ge3A_101 : i1 to i32
        %cond3A_103 = arith.constant 0 : i32
        %cond3A_104 = arith.cmpi ne, %convert_element_type3A_102, %cond3A_103 : i32
        scf.if %cond3A_104 {
          %dma_wait3A_116 = arith.constant 0 : i32
          %dma_wait3A_117 = tpu.memref_slice %arg9[%mul3A_2, %dma_wait3A_116] : memref<204800x128xf32, #tpu.memory_space<hbm>> -> memref<128x128xf32, #tpu.memory_space<hbm>>
          %dma_wait3A_118 = arith.constant 0 : i32
          %dma_wait3A_119 = tpu.memref_slice %arg9[%mul3A_2, %dma_wait3A_118] : memref<204800x128xf32, #tpu.memory_space<hbm>> -> memref<128x128xf32, #tpu.memory_space<hbm>>
          tpu.wait_dma2 semaphore(%arg28 : memref<!tpu.dma_semaphore, #tpu.memory_space<semaphore_mem>>) src(%arg14 : memref<128x128xf32, #tpu.memory_space<vmem>>) dst(%dma_wait3A_119 : memref<128x128xf32, #tpu.memory_space<hbm>>)
        } else {
        }
        %dma_start3A_105 = arith.constant 0 : i32
        %dma_start3A_106 = tpu.memref_slice %arg10[%add3A_84, %dma_start3A_105] : memref<50x128xi32, #tpu.memory_space<vmem>> -> memref<1x128xi32, #tpu.memory_space<vmem>>
        %dma_start3A_107 = tpu.memref_squeeze %dma_start3A_106 : memref<1x128xi32, #tpu.memory_space<vmem>> -> memref<128xi32, #tpu.memory_space<vmem>>
        %dma_start3A_108 = arith.constant 0 : i32
        %dma_start3A_109 = arith.constant 0 : i32
        %dma_start3A_110 = tpu.memref_slice %arg3[%dma_start3A_108, %dma_start3A_109] : memref<100000x128xf32, #tpu.memory_space<hbm>> -> memref<100000x128xf32, #tpu.memory_space<hbm>>
        tpu.enqueue_indirect_dma source(%dma_start3A_110 : memref<100000x128xf32, #tpu.memory_space<hbm>>) target(%arg14 : memref<128x128xf32, #tpu.memory_space<vmem>>) offsets(%dma_start3A_107 : memref<128xi32, #tpu.memory_space<vmem>>) semaphore(%arg24 : memref<!tpu.dma_semaphore, #tpu.memory_space<semaphore_mem>>)
        %dma_start3A_111 = arith.constant 0 : i32
        %dma_start3A_112 = tpu.memref_slice %arg10[%add3A_84, %dma_start3A_111] : memref<50x128xi32, #tpu.memory_space<vmem>> -> memref<1x128xi32, #tpu.memory_space<vmem>>
        %dma_start3A_113 = tpu.memref_squeeze %dma_start3A_112 : memref<1x128xi32, #tpu.memory_space<vmem>> -> memref<128xi32, #tpu.memory_space<vmem>>
        %dma_start3A_114 = arith.constant 0 : i32
        %dma_start3A_115 = tpu.memref_slice %arg31[%dma_start3A_114] : memref<102400xi32, #tpu.memory_space<vmem_shared>> -> memref<102400xi32, #tpu.memory_space<vmem_shared>>
        tpu.enqueue_indirect_dma source(%dma_start3A_115 : memref<102400xi32, #tpu.memory_space<vmem_shared>>) target(%arg12 : memref<128xi32, #tpu.memory_space<vmem>>) offsets(%dma_start3A_113 : memref<128xi32, #tpu.memory_space<vmem>>) semaphore(%arg26 : memref<!tpu.dma_semaphore, #tpu.memory_space<semaphore_mem>>)
      } else {
      }
      %sub3A_90 = arith.constant 1 : i32
      %sub3A_91 = arith.subi %add3A_84, %sub3A_90 : i32
      %ge3A_92 = arith.constant 0 : i32
      %ge3A_93 = arith.cmpi sge, %sub3A_91, %ge3A_92 : i32
      %lt3A_94 = arith.constant 50 : i32
      %lt3A_95 = arith.cmpi slt, %sub3A_91, %lt3A_94 : i32
      %and3A_96 = arith.andi %ge3A_93, %lt3A_95 : i1
      %convert_element_type3A_97 = arith.extui %and3A_96 : i1 to i32
      %cond3A_98 = arith.constant 0 : i32
      %cond3A_99 = arith.cmpi ne, %convert_element_type3A_97, %cond3A_98 : i32
      scf.if %cond3A_99 {
        %dma_wait3A_100 = arith.constant 0 : i32
        %dma_wait3A_101 = arith.constant 0 : i32
        %dma_wait3A_102 = tpu.memref_slice %arg10[%dma_wait3A_100, %dma_wait3A_101] : memref<50x128xi32, #tpu.memory_space<vmem>> -> memref<1x128xi32, #tpu.memory_space<vmem>>
        %dma_wait3A_103 = tpu.memref_squeeze %dma_wait3A_102 : memref<1x128xi32, #tpu.memory_space<vmem>> -> memref<128xi32, #tpu.memory_space<vmem>>
        %dma_wait3A_104 = arith.constant 0 : i32
        %dma_wait3A_105 = arith.constant 0 : i32
        %dma_wait3A_106 = tpu.memref_slice %arg3[%dma_wait3A_104, %dma_wait3A_105] : memref<100000x128xf32, #tpu.memory_space<hbm>> -> memref<100000x128xf32, #tpu.memory_space<hbm>>
        tpu.wait_indirect_dma semaphore(%arg23 : memref<!tpu.dma_semaphore, #tpu.memory_space<semaphore_mem>>) src(%dma_wait3A_106 : memref<100000x128xf32, #tpu.memory_space<hbm>>) dst(%arg13 : memref<128x128xf32, #tpu.memory_space<vmem>>)
        %dma_wait3A_107 = arith.constant 0 : i32
        %dma_wait3A_108 = arith.constant 0 : i32
        %dma_wait3A_109 = tpu.memref_slice %arg10[%dma_wait3A_107, %dma_wait3A_108] : memref<50x128xi32, #tpu.memory_space<vmem>> -> memref<1x128xi32, #tpu.memory_space<vmem>>
        %dma_wait3A_110 = tpu.memref_squeeze %dma_wait3A_109 : memref<1x128xi32, #tpu.memory_space<vmem>> -> memref<128xi32, #tpu.memory_space<vmem>>
        %dma_wait3A_111 = arith.constant 0 : i32
        %dma_wait3A_112 = tpu.memref_slice %arg31[%dma_wait3A_111] : memref<102400xi32, #tpu.memory_space<vmem_shared>> -> memref<102400xi32, #tpu.memory_space<vmem_shared>>
        tpu.wait_indirect_dma semaphore(%arg25 : memref<!tpu.dma_semaphore, #tpu.memory_space<semaphore_mem>>) src(%dma_wait3A_112 : memref<102400xi32, #tpu.memory_space<vmem_shared>>) dst(%arg11 : memref<128xi32, #tpu.memory_space<vmem>>)
        %get3A = arith.constant 0 : index
        %get3A_113 = tpu.vector_load %arg11[%get3A] {strides = array<i32>} : memref<128xi32, #tpu.memory_space<vmem>>, vector<16xi32>,
        %and3A_114 = arith.constant 2047 : i32
        %and3A_115 = vector.broadcast %and3A_114 : i32 to vector<16xi32>
        %and3A_116 = arith.andi %get3A_113, %and3A_115 : vector<16xi32>
        %shift_right_logical3A = arith.constant 11 : i32
        %shift_right_logical3A_117 = vector.broadcast %shift_right_logical3A : i32 to vector<16xi32>
        %shift_right_logical3A_118 = arith.shrui %get3A_113, %shift_right_logical3A_117 : vector<16xi32>
        %reduce_max3A = arith.constant true
        %reduce_max3A_119 = vector.broadcast %reduce_max3A : i1 to vector<16xi1>
        %reduce_max3A_120 = arith.constant -2147483648 : i32
        %reduce_max3A_121 = vector.broadcast %reduce_max3A_120 : i32 to vector<16xi32>
        %reduce_max3A_122 = arith.xori %and3A_116, %reduce_max3A_121 : vector<16xi32>
        %reduce_max3A_123 = tpu.scan <max>, %reduce_max3A_122 masked %reduce_max3A_119 : vector<16xi32>, vector<16xi1> -> vector<16xi32>
        %reduce_max3A_124 = arith.xori %reduce_max3A_123, %reduce_max3A_121 : vector<16xi32>
        %reduce_max3A_125 = vector.extract %reduce_max3A_124[15] : i32 from vector<16xi32>
        %iota3A = tpu.iota {dimensions = array<i32: 0>} : vector<16xi32>
        %add3A_126 = arith.constant 0 : i32
        %add3A_127 = vector.broadcast %add3A_126 : i32 to vector<16xi32>
        %add3A_128 = arith.addi %iota3A, %add3A_127 : vector<16xi32>
        %while3A = arith.constant 0 : i32
        %while3A_129 = arith.constant 0 : i32
        %while3A_130 = arith.subi %reduce_max3A_125, %while3A_129 : i32
        %while3A_131 = arith.addi %while3A_129, %while3A_130 : i32
        %while3A_132 = arith.constant 1 : i32
        %while3A_133 = arith.divsi %while3A_130, %while3A_132 : i32
        %while3A_134 = arith.muli %while3A_133, %while3A_132 : i32
        %while3A_135 = arith.addi %while3A_129, %while3A_134 : i32
        %while3A_136 = arith.constant 1 : i32
        scf.for %while3A_355 = %while3A_129 to %while3A_135 step %while3A_136  : i32 {
          %lt3A_356 = vector.broadcast %while3A_355 : i32 to vector<16xi32>
          %lt3A_357 = arith.cmpi slt, %lt3A_356, %and3A_116 : vector<16xi32>
          %add3A_358 = vector.broadcast %while3A_355 : i32 to vector<16xi32>
          %add3A_359 = arith.addi %shift_right_logical3A_118, %add3A_358 : vector<16xi32>
          %min3A = arith.constant 1023 : i32
          %min3A_360 = vector.broadcast %min3A : i32 to vector<16xi32>
          %min3A_361 = arith.minsi %add3A_359, %min3A_360 : vector<16xi32>
          %gather3A = tpu.vector_load_idx %arg15[%min3A_361] masked %lt3A_357 : memref<1024xi32, #tpu.memory_space<vmem>>[vector<16xi32>], vector<16xi32>, vector<16xi1>
          %gather3A_362 = tpu.vector_load_idx %arg16[%min3A_361] masked %lt3A_357 : memref<1024xf32, #tpu.memory_space<vmem>>[vector<16xi32>], vector<16xf32>, vector<16xi1>
          tpu.vector_store_idx %arg13[%add3A_128, %gather3A], %gather3A_362 masked %lt3A_357 {add = true} : memref<128x128xf32, #tpu.memory_space<vmem>>[vector<16xi32>, vector<16xi32>], vector<16xf32>, vector<16xi1>
        }
        %while3A_137 = arith.constant 1 : i32
        scf.for %while3A_355 = %while3A_135 to %while3A_131 step %while3A_137  : i32 {
          %lt3A_356 = vector.broadcast %while3A_355 : i32 to vector<16xi32>
          %lt3A_357 = arith.cmpi slt, %lt3A_356, %and3A_116 : vector<16xi32>
          %add3A_358 = vector.broadcast %while3A_355 : i32 to vector<16xi32>
          %add3A_359 = arith.addi %shift_right_logical3A_118, %add3A_358 : vector<16xi32>
          %min3A = arith.constant 1023 : i32
          %min3A_360 = vector.broadcast %min3A : i32 to vector<16xi32>
          %min3A_361 = arith.minsi %add3A_359, %min3A_360 : vector<16xi32>
          %gather3A = tpu.vector_load_idx %arg15[%min3A_361] masked %lt3A_357 : memref<1024xi32, #tpu.memory_space<vmem>>[vector<16xi32>], vector<16xi32>, vector<16xi1>
          %gather3A_362 = tpu.vector_load_idx %arg16[%min3A_361] masked %lt3A_357 : memref<1024xf32, #tpu.memory_space<vmem>>[vector<16xi32>], vector<16xf32>, vector<16xi1>
          tpu.vector_store_idx %arg13[%add3A_128, %gather3A], %gather3A_362 masked %lt3A_357 {add = true} : memref<128x128xf32, #tpu.memory_space<vmem>>[vector<16xi32>, vector<16xi32>], vector<16xf32>, vector<16xi1>
        }
        %get3A_138 = arith.constant 16 : index
        %get3A_139 = tpu.vector_load %arg11[%get3A_138] {strides = array<i32>} : memref<128xi32, #tpu.memory_space<vmem>>, vector<16xi32>,
        %and3A_140 = arith.constant 2047 : i32
        %and3A_141 = vector.broadcast %and3A_140 : i32 to vector<16xi32>
        %and3A_142 = arith.andi %get3A_139, %and3A_141 : vector<16xi32>
        %shift_right_logical3A_143 = arith.constant 11 : i32
        %shift_right_logical3A_144 = vector.broadcast %shift_right_logical3A_143 : i32 to vector<16xi32>
        %shift_right_logical3A_145 = arith.shrui %get3A_139, %shift_right_logical3A_144 : vector<16xi32>
        %reduce_max3A_146 = arith.constant true
        %reduce_max3A_147 = vector.broadcast %reduce_max3A_146 : i1 to vector<16xi1>
        %reduce_max3A_148 = arith.constant -2147483648 : i32
        %reduce_max3A_149 = vector.broadcast %reduce_max3A_148 : i32 to vector<16xi32>
        %reduce_max3A_150 = arith.xori %and3A_142, %reduce_max3A_149 : vector<16xi32>
        %reduce_max3A_151 = tpu.scan <max>, %reduce_max3A_150 masked %reduce_max3A_147 : vector<16xi32>, vector<16xi1> -> vector<16xi32>
        %reduce_max3A_152 = arith.xori %reduce_max3A_151, %reduce_max3A_149 : vector<16xi32>
        %reduce_max3A_153 = vector.extract %reduce_max3A_152[15] : i32 from vector<16xi32>
        %iota3A_154 = tpu.iota {dimensions = array<i32: 0>} : vector<16xi32>
        %add3A_155 = arith.constant 16 : i32
        %add3A_156 = vector.broadcast %add3A_155 : i32 to vector<16xi32>
        %add3A_157 = arith.addi %iota3A_154, %add3A_156 : vector<16xi32>
        %while3A_158 = arith.constant 0 : i32
        %while3A_159 = arith.constant 0 : i32
        %while3A_160 = arith.subi %reduce_max3A_153, %while3A_159 : i32
        %while3A_161 = arith.addi %while3A_159, %while3A_160 : i32
        %while3A_162 = arith.constant 1 : i32
        %while3A_163 = arith.divsi %while3A_160, %while3A_162 : i32
        %while3A_164 = arith.muli %while3A_163, %while3A_162 : i32
        %while3A_165 = arith.addi %while3A_159, %while3A_164 : i32
        %while3A_166 = arith.constant 1 : i32
        scf.for %while3A_355 = %while3A_159 to %while3A_165 step %while3A_166  : i32 {
          %lt3A_356 = vector.broadcast %while3A_355 : i32 to vector<16xi32>
          %lt3A_357 = arith.cmpi slt, %lt3A_356, %and3A_142 : vector<16xi32>
          %add3A_358 = vector.broadcast %while3A_355 : i32 to vector<16xi32>
          %add3A_359 = arith.addi %shift_right_logical3A_145, %add3A_358 : vector<16xi32>
          %min3A = arith.constant 1023 : i32
          %min3A_360 = vector.broadcast %min3A : i32 to vector<16xi32>
          %min3A_361 = arith.minsi %add3A_359, %min3A_360 : vector<16xi32>
          %gather3A = tpu.vector_load_idx %arg15[%min3A_361] masked %lt3A_357 : memref<1024xi32, #tpu.memory_space<vmem>>[vector<16xi32>], vector<16xi32>, vector<16xi1>
          %gather3A_362 = tpu.vector_load_idx %arg16[%min3A_361] masked %lt3A_357 : memref<1024xf32, #tpu.memory_space<vmem>>[vector<16xi32>], vector<16xf32>, vector<16xi1>
          tpu.vector_store_idx %arg13[%add3A_157, %gather3A], %gather3A_362 masked %lt3A_357 {add = true} : memref<128x128xf32, #tpu.memory_space<vmem>>[vector<16xi32>, vector<16xi32>], vector<16xf32>, vector<16xi1>
        }
        %while3A_167 = arith.constant 1 : i32
        scf.for %while3A_355 = %while3A_165 to %while3A_161 step %while3A_167  : i32 {
          %lt3A_356 = vector.broadcast %while3A_355 : i32 to vector<16xi32>
          %lt3A_357 = arith.cmpi slt, %lt3A_356, %and3A_142 : vector<16xi32>
          %add3A_358 = vector.broadcast %while3A_355 : i32 to vector<16xi32>
          %add3A_359 = arith.addi %shift_right_logical3A_145, %add3A_358 : vector<16xi32>
          %min3A = arith.constant 1023 : i32
          %min3A_360 = vector.broadcast %min3A : i32 to vector<16xi32>
          %min3A_361 = arith.minsi %add3A_359, %min3A_360 : vector<16xi32>
          %gather3A = tpu.vector_load_idx %arg15[%min3A_361] masked %lt3A_357 : memref<1024xi32, #tpu.memory_space<vmem>>[vector<16xi32>], vector<16xi32>, vector<16xi1>
          %gather3A_362 = tpu.vector_load_idx %arg16[%min3A_361] masked %lt3A_357 : memref<1024xf32, #tpu.memory_space<vmem>>[vector<16xi32>], vector<16xf32>, vector<16xi1>
          tpu.vector_store_idx %arg13[%add3A_157, %gather3A], %gather3A_362 masked %lt3A_357 {add = true} : memref<128x128xf32, #tpu.memory_space<vmem>>[vector<16xi32>, vector<16xi32>], vector<16xf32>, vector<16xi1>
        }
        %get3A_168 = arith.constant 32 : index
        %get3A_169 = tpu.vector_load %arg11[%get3A_168] {strides = array<i32>} : memref<128xi32, #tpu.memory_space<vmem>>, vector<16xi32>,
        %and3A_170 = arith.constant 2047 : i32
        %and3A_171 = vector.broadcast %and3A_170 : i32 to vector<16xi32>
        %and3A_172 = arith.andi %get3A_169, %and3A_171 : vector<16xi32>
        %shift_right_logical3A_173 = arith.constant 11 : i32
        %shift_right_logical3A_174 = vector.broadcast %shift_right_logical3A_173 : i32 to vector<16xi32>
        %shift_right_logical3A_175 = arith.shrui %get3A_169, %shift_right_logical3A_174 : vector<16xi32>
        %reduce_max3A_176 = arith.constant true
        %reduce_max3A_177 = vector.broadcast %reduce_max3A_176 : i1 to vector<16xi1>
        %reduce_max3A_178 = arith.constant -2147483648 : i32
        %reduce_max3A_179 = vector.broadcast %reduce_max3A_178 : i32 to vector<16xi32>
        %reduce_max3A_180 = arith.xori %and3A_172, %reduce_max3A_179 : vector<16xi32>
        %reduce_max3A_181 = tpu.scan <max>, %reduce_max3A_180 masked %reduce_max3A_177 : vector<16xi32>, vector<16xi1> -> vector<16xi32>
        %reduce_max3A_182 = arith.xori %reduce_max3A_181, %reduce_max3A_179 : vector<16xi32>
        %reduce_max3A_183 = vector.extract %reduce_max3A_182[15] : i32 from vector<16xi32>
        %iota3A_184 = tpu.iota {dimensions = array<i32: 0>} : vector<16xi32>
        %add3A_185 = arith.constant 32 : i32
        %add3A_186 = vector.broadcast %add3A_185 : i32 to vector<16xi32>
        %add3A_187 = arith.addi %iota3A_184, %add3A_186 : vector<16xi32>
        %while3A_188 = arith.constant 0 : i32
        %while3A_189 = arith.constant 0 : i32
        %while3A_190 = arith.subi %reduce_max3A_183, %while3A_189 : i32
        %while3A_191 = arith.addi %while3A_189, %while3A_190 : i32
        %while3A_192 = arith.constant 1 : i32
        %while3A_193 = arith.divsi %while3A_190, %while3A_192 : i32
        %while3A_194 = arith.muli %while3A_193, %while3A_192 : i32
        %while3A_195 = arith.addi %while3A_189, %while3A_194 : i32
        %while3A_196 = arith.constant 1 : i32
        scf.for %while3A_355 = %while3A_189 to %while3A_195 step %while3A_196  : i32 {
          %lt3A_356 = vector.broadcast %while3A_355 : i32 to vector<16xi32>
          %lt3A_357 = arith.cmpi slt, %lt3A_356, %and3A_172 : vector<16xi32>
          %add3A_358 = vector.broadcast %while3A_355 : i32 to vector<16xi32>
          %add3A_359 = arith.addi %shift_right_logical3A_175, %add3A_358 : vector<16xi32>
          %min3A = arith.constant 1023 : i32
          %min3A_360 = vector.broadcast %min3A : i32 to vector<16xi32>
          %min3A_361 = arith.minsi %add3A_359, %min3A_360 : vector<16xi32>
          %gather3A = tpu.vector_load_idx %arg15[%min3A_361] masked %lt3A_357 : memref<1024xi32, #tpu.memory_space<vmem>>[vector<16xi32>], vector<16xi32>, vector<16xi1>
          %gather3A_362 = tpu.vector_load_idx %arg16[%min3A_361] masked %lt3A_357 : memref<1024xf32, #tpu.memory_space<vmem>>[vector<16xi32>], vector<16xf32>, vector<16xi1>
          tpu.vector_store_idx %arg13[%add3A_187, %gather3A], %gather3A_362 masked %lt3A_357 {add = true} : memref<128x128xf32, #tpu.memory_space<vmem>>[vector<16xi32>, vector<16xi32>], vector<16xf32>, vector<16xi1>
        }
        %while3A_197 = arith.constant 1 : i32
        scf.for %while3A_355 = %while3A_195 to %while3A_191 step %while3A_197  : i32 {
          %lt3A_356 = vector.broadcast %while3A_355 : i32 to vector<16xi32>
          %lt3A_357 = arith.cmpi slt, %lt3A_356, %and3A_172 : vector<16xi32>
          %add3A_358 = vector.broadcast %while3A_355 : i32 to vector<16xi32>
          %add3A_359 = arith.addi %shift_right_logical3A_175, %add3A_358 : vector<16xi32>
          %min3A = arith.constant 1023 : i32
          %min3A_360 = vector.broadcast %min3A : i32 to vector<16xi32>
          %min3A_361 = arith.minsi %add3A_359, %min3A_360 : vector<16xi32>
          %gather3A = tpu.vector_load_idx %arg15[%min3A_361] masked %lt3A_357 : memref<1024xi32, #tpu.memory_space<vmem>>[vector<16xi32>], vector<16xi32>, vector<16xi1>
          %gather3A_362 = tpu.vector_load_idx %arg16[%min3A_361] masked %lt3A_357 : memref<1024xf32, #tpu.memory_space<vmem>>[vector<16xi32>], vector<16xf32>, vector<16xi1>
          tpu.vector_store_idx %arg13[%add3A_187, %gather3A], %gather3A_362 masked %lt3A_357 {add = true} : memref<128x128xf32, #tpu.memory_space<vmem>>[vector<16xi32>, vector<16xi32>], vector<16xf32>, vector<16xi1>
        }
        %get3A_198 = arith.constant 48 : index
        %get3A_199 = tpu.vector_load %arg11[%get3A_198] {strides = array<i32>} : memref<128xi32, #tpu.memory_space<vmem>>, vector<16xi32>,
        %and3A_200 = arith.constant 2047 : i32
        %and3A_201 = vector.broadcast %and3A_200 : i32 to vector<16xi32>
        %and3A_202 = arith.andi %get3A_199, %and3A_201 : vector<16xi32>
        %shift_right_logical3A_203 = arith.constant 11 : i32
        %shift_right_logical3A_204 = vector.broadcast %shift_right_logical3A_203 : i32 to vector<16xi32>
        %shift_right_logical3A_205 = arith.shrui %get3A_199, %shift_right_logical3A_204 : vector<16xi32>
        %reduce_max3A_206 = arith.constant true
        %reduce_max3A_207 = vector.broadcast %reduce_max3A_206 : i1 to vector<16xi1>
        %reduce_max3A_208 = arith.constant -2147483648 : i32
        %reduce_max3A_209 = vector.broadcast %reduce_max3A_208 : i32 to vector<16xi32>
        %reduce_max3A_210 = arith.xori %and3A_202, %reduce_max3A_209 : vector<16xi32>
        %reduce_max3A_211 = tpu.scan <max>, %reduce_max3A_210 masked %reduce_max3A_207 : vector<16xi32>, vector<16xi1> -> vector<16xi32>
        %reduce_max3A_212 = arith.xori %reduce_max3A_211, %reduce_max3A_209 : vector<16xi32>
        %reduce_max3A_213 = vector.extract %reduce_max3A_212[15] : i32 from vector<16xi32>
        %iota3A_214 = tpu.iota {dimensions = array<i32: 0>} : vector<16xi32>
        %add3A_215 = arith.constant 48 : i32
        %add3A_216 = vector.broadcast %add3A_215 : i32 to vector<16xi32>
        %add3A_217 = arith.addi %iota3A_214, %add3A_216 : vector<16xi32>
        %while3A_218 = arith.constant 0 : i32
        %while3A_219 = arith.constant 0 : i32
        %while3A_220 = arith.subi %reduce_max3A_213, %while3A_219 : i32
        %while3A_221 = arith.addi %while3A_219, %while3A_220 : i32
        %while3A_222 = arith.constant 1 : i32
        %while3A_223 = arith.divsi %while3A_220, %while3A_222 : i32
        %while3A_224 = arith.muli %while3A_223, %while3A_222 : i32
        %while3A_225 = arith.addi %while3A_219, %while3A_224 : i32
        %while3A_226 = arith.constant 1 : i32
        scf.for %while3A_355 = %while3A_219 to %while3A_225 step %while3A_226  : i32 {
          %lt3A_356 = vector.broadcast %while3A_355 : i32 to vector<16xi32>
          %lt3A_357 = arith.cmpi slt, %lt3A_356, %and3A_202 : vector<16xi32>
          %add3A_358 = vector.broadcast %while3A_355 : i32 to vector<16xi32>
          %add3A_359 = arith.addi %shift_right_logical3A_205, %add3A_358 : vector<16xi32>
          %min3A = arith.constant 1023 : i32
          %min3A_360 = vector.broadcast %min3A : i32 to vector<16xi32>
          %min3A_361 = arith.minsi %add3A_359, %min3A_360 : vector<16xi32>
          %gather3A = tpu.vector_load_idx %arg15[%min3A_361] masked %lt3A_357 : memref<1024xi32, #tpu.memory_space<vmem>>[vector<16xi32>], vector<16xi32>, vector<16xi1>
          %gather3A_362 = tpu.vector_load_idx %arg16[%min3A_361] masked %lt3A_357 : memref<1024xf32, #tpu.memory_space<vmem>>[vector<16xi32>], vector<16xf32>, vector<16xi1>
          tpu.vector_store_idx %arg13[%add3A_217, %gather3A], %gather3A_362 masked %lt3A_357 {add = true} : memref<128x128xf32, #tpu.memory_space<vmem>>[vector<16xi32>, vector<16xi32>], vector<16xf32>, vector<16xi1>
        }
        %while3A_227 = arith.constant 1 : i32
        scf.for %while3A_355 = %while3A_225 to %while3A_221 step %while3A_227  : i32 {
          %lt3A_356 = vector.broadcast %while3A_355 : i32 to vector<16xi32>
          %lt3A_357 = arith.cmpi slt, %lt3A_356, %and3A_202 : vector<16xi32>
          %add3A_358 = vector.broadcast %while3A_355 : i32 to vector<16xi32>
          %add3A_359 = arith.addi %shift_right_logical3A_205, %add3A_358 : vector<16xi32>
          %min3A = arith.constant 1023 : i32
          %min3A_360 = vector.broadcast %min3A : i32 to vector<16xi32>
          %min3A_361 = arith.minsi %add3A_359, %min3A_360 : vector<16xi32>
          %gather3A = tpu.vector_load_idx %arg15[%min3A_361] masked %lt3A_357 : memref<1024xi32, #tpu.memory_space<vmem>>[vector<16xi32>], vector<16xi32>, vector<16xi1>
          %gather3A_362 = tpu.vector_load_idx %arg16[%min3A_361] masked %lt3A_357 : memref<1024xf32, #tpu.memory_space<vmem>>[vector<16xi32>], vector<16xf32>, vector<16xi1>
          tpu.vector_store_idx %arg13[%add3A_217, %gather3A], %gather3A_362 masked %lt3A_357 {add = true} : memref<128x128xf32, #tpu.memory_space<vmem>>[vector<16xi32>, vector<16xi32>], vector<16xf32>, vector<16xi1>
        }
        %get3A_228 = arith.constant 64 : index
        %get3A_229 = tpu.vector_load %arg11[%get3A_228] {strides = array<i32>} : memref<128xi32, #tpu.memory_space<vmem>>, vector<16xi32>,
        %and3A_230 = arith.constant 2047 : i32
        %and3A_231 = vector.broadcast %and3A_230 : i32 to vector<16xi32>
        %and3A_232 = arith.andi %get3A_229, %and3A_231 : vector<16xi32>
        %shift_right_logical3A_233 = arith.constant 11 : i32
        %shift_right_logical3A_234 = vector.broadcast %shift_right_logical3A_233 : i32 to vector<16xi32>
        %shift_right_logical3A_235 = arith.shrui %get3A_229, %shift_right_logical3A_234 : vector<16xi32>
        %reduce_max3A_236 = arith.constant true
        %reduce_max3A_237 = vector.broadcast %reduce_max3A_236 : i1 to vector<16xi1>
        %reduce_max3A_238 = arith.constant -2147483648 : i32
        %reduce_max3A_239 = vector.broadcast %reduce_max3A_238 : i32 to vector<16xi32>
        %reduce_max3A_240 = arith.xori %and3A_232, %reduce_max3A_239 : vector<16xi32>
        %reduce_max3A_241 = tpu.scan <max>, %reduce_max3A_240 masked %reduce_max3A_237 : vector<16xi32>, vector<16xi1> -> vector<16xi32>
        %reduce_max3A_242 = arith.xori %reduce_max3A_241, %reduce_max3A_239 : vector<16xi32>
        %reduce_max3A_243 = vector.extract %reduce_max3A_242[15] : i32 from vector<16xi32>
        %iota3A_244 = tpu.iota {dimensions = array<i32: 0>} : vector<16xi32>
        %add3A_245 = arith.constant 64 : i32
        %add3A_246 = vector.broadcast %add3A_245 : i32 to vector<16xi32>
        %add3A_247 = arith.addi %iota3A_244, %add3A_246 : vector<16xi32>
        %while3A_248 = arith.constant 0 : i32
        %while3A_249 = arith.constant 0 : i32
        %while3A_250 = arith.subi %reduce_max3A_243, %while3A_249 : i32
        %while3A_251 = arith.addi %while3A_249, %while3A_250 : i32
        %while3A_252 = arith.constant 1 : i32
        %while3A_253 = arith.divsi %while3A_250, %while3A_252 : i32
        %while3A_254 = arith.muli %while3A_253, %while3A_252 : i32
        %while3A_255 = arith.addi %while3A_249, %while3A_254 : i32
        %while3A_256 = arith.constant 1 : i32
        scf.for %while3A_355 = %while3A_249 to %while3A_255 step %while3A_256  : i32 {
          %lt3A_356 = vector.broadcast %while3A_355 : i32 to vector<16xi32>
          %lt3A_357 = arith.cmpi slt, %lt3A_356, %and3A_232 : vector<16xi32>
          %add3A_358 = vector.broadcast %while3A_355 : i32 to vector<16xi32>
          %add3A_359 = arith.addi %shift_right_logical3A_235, %add3A_358 : vector<16xi32>
          %min3A = arith.constant 1023 : i32
          %min3A_360 = vector.broadcast %min3A : i32 to vector<16xi32>
          %min3A_361 = arith.minsi %add3A_359, %min3A_360 : vector<16xi32>
          %gather3A = tpu.vector_load_idx %arg15[%min3A_361] masked %lt3A_357 : memref<1024xi32, #tpu.memory_space<vmem>>[vector<16xi32>], vector<16xi32>, vector<16xi1>
          %gather3A_362 = tpu.vector_load_idx %arg16[%min3A_361] masked %lt3A_357 : memref<1024xf32, #tpu.memory_space<vmem>>[vector<16xi32>], vector<16xf32>, vector<16xi1>
          tpu.vector_store_idx %arg13[%add3A_247, %gather3A], %gather3A_362 masked %lt3A_357 {add = true} : memref<128x128xf32, #tpu.memory_space<vmem>>[vector<16xi32>, vector<16xi32>], vector<16xf32>, vector<16xi1>
        }
        %while3A_257 = arith.constant 1 : i32
        scf.for %while3A_355 = %while3A_255 to %while3A_251 step %while3A_257  : i32 {
          %lt3A_356 = vector.broadcast %while3A_355 : i32 to vector<16xi32>
          %lt3A_357 = arith.cmpi slt, %lt3A_356, %and3A_232 : vector<16xi32>
          %add3A_358 = vector.broadcast %while3A_355 : i32 to vector<16xi32>
          %add3A_359 = arith.addi %shift_right_logical3A_235, %add3A_358 : vector<16xi32>
          %min3A = arith.constant 1023 : i32
          %min3A_360 = vector.broadcast %min3A : i32 to vector<16xi32>
          %min3A_361 = arith.minsi %add3A_359, %min3A_360 : vector<16xi32>
          %gather3A = tpu.vector_load_idx %arg15[%min3A_361] masked %lt3A_357 : memref<1024xi32, #tpu.memory_space<vmem>>[vector<16xi32>], vector<16xi32>, vector<16xi1>
          %gather3A_362 = tpu.vector_load_idx %arg16[%min3A_361] masked %lt3A_357 : memref<1024xf32, #tpu.memory_space<vmem>>[vector<16xi32>], vector<16xf32>, vector<16xi1>
          tpu.vector_store_idx %arg13[%add3A_247, %gather3A], %gather3A_362 masked %lt3A_357 {add = true} : memref<128x128xf32, #tpu.memory_space<vmem>>[vector<16xi32>, vector<16xi32>], vector<16xf32>, vector<16xi1>
        }
        %get3A_258 = arith.constant 80 : index
        %get3A_259 = tpu.vector_load %arg11[%get3A_258] {strides = array<i32>} : memref<128xi32, #tpu.memory_space<vmem>>, vector<16xi32>,
        %and3A_260 = arith.constant 2047 : i32
        %and3A_261 = vector.broadcast %and3A_260 : i32 to vector<16xi32>
        %and3A_262 = arith.andi %get3A_259, %and3A_261 : vector<16xi32>
        %shift_right_logical3A_263 = arith.constant 11 : i32
        %shift_right_logical3A_264 = vector.broadcast %shift_right_logical3A_263 : i32 to vector<16xi32>
        %shift_right_logical3A_265 = arith.shrui %get3A_259, %shift_right_logical3A_264 : vector<16xi32>
        %reduce_max3A_266 = arith.constant true
        %reduce_max3A_267 = vector.broadcast %reduce_max3A_266 : i1 to vector<16xi1>
        %reduce_max3A_268 = arith.constant -2147483648 : i32
        %reduce_max3A_269 = vector.broadcast %reduce_max3A_268 : i32 to vector<16xi32>
        %reduce_max3A_270 = arith.xori %and3A_262, %reduce_max3A_269 : vector<16xi32>
        %reduce_max3A_271 = tpu.scan <max>, %reduce_max3A_270 masked %reduce_max3A_267 : vector<16xi32>, vector<16xi1> -> vector<16xi32>
        %reduce_max3A_272 = arith.xori %reduce_max3A_271, %reduce_max3A_269 : vector<16xi32>
        %reduce_max3A_273 = vector.extract %reduce_max3A_272[15] : i32 from vector<16xi32>
        %iota3A_274 = tpu.iota {dimensions = array<i32: 0>} : vector<16xi32>
        %add3A_275 = arith.constant 80 : i32
        %add3A_276 = vector.broadcast %add3A_275 : i32 to vector<16xi32>
        %add3A_277 = arith.addi %iota3A_274, %add3A_276 : vector<16xi32>
        %while3A_278 = arith.constant 0 : i32
        %while3A_279 = arith.constant 0 : i32
        %while3A_280 = arith.subi %reduce_max3A_273, %while3A_279 : i32
        %while3A_281 = arith.addi %while3A_279, %while3A_280 : i32
        %while3A_282 = arith.constant 1 : i32
        %while3A_283 = arith.divsi %while3A_280, %while3A_282 : i32
        %while3A_284 = arith.muli %while3A_283, %while3A_282 : i32
        %while3A_285 = arith.addi %while3A_279, %while3A_284 : i32
        %while3A_286 = arith.constant 1 : i32
        scf.for %while3A_355 = %while3A_279 to %while3A_285 step %while3A_286  : i32 {
          %lt3A_356 = vector.broadcast %while3A_355 : i32 to vector<16xi32>
          %lt3A_357 = arith.cmpi slt, %lt3A_356, %and3A_262 : vector<16xi32>
          %add3A_358 = vector.broadcast %while3A_355 : i32 to vector<16xi32>
          %add3A_359 = arith.addi %shift_right_logical3A_265, %add3A_358 : vector<16xi32>
          %min3A = arith.constant 1023 : i32
          %min3A_360 = vector.broadcast %min3A : i32 to vector<16xi32>
          %min3A_361 = arith.minsi %add3A_359, %min3A_360 : vector<16xi32>
          %gather3A = tpu.vector_load_idx %arg15[%min3A_361] masked %lt3A_357 : memref<1024xi32, #tpu.memory_space<vmem>>[vector<16xi32>], vector<16xi32>, vector<16xi1>
          %gather3A_362 = tpu.vector_load_idx %arg16[%min3A_361] masked %lt3A_357 : memref<1024xf32, #tpu.memory_space<vmem>>[vector<16xi32>], vector<16xf32>, vector<16xi1>
          tpu.vector_store_idx %arg13[%add3A_277, %gather3A], %gather3A_362 masked %lt3A_357 {add = true} : memref<128x128xf32, #tpu.memory_space<vmem>>[vector<16xi32>, vector<16xi32>], vector<16xf32>, vector<16xi1>
        }
        %while3A_287 = arith.constant 1 : i32
        scf.for %while3A_355 = %while3A_285 to %while3A_281 step %while3A_287  : i32 {
          %lt3A_356 = vector.broadcast %while3A_355 : i32 to vector<16xi32>
          %lt3A_357 = arith.cmpi slt, %lt3A_356, %and3A_262 : vector<16xi32>
          %add3A_358 = vector.broadcast %while3A_355 : i32 to vector<16xi32>
          %add3A_359 = arith.addi %shift_right_logical3A_265, %add3A_358 : vector<16xi32>
          %min3A = arith.constant 1023 : i32
          %min3A_360 = vector.broadcast %min3A : i32 to vector<16xi32>
          %min3A_361 = arith.minsi %add3A_359, %min3A_360 : vector<16xi32>
          %gather3A = tpu.vector_load_idx %arg15[%min3A_361] masked %lt3A_357 : memref<1024xi32, #tpu.memory_space<vmem>>[vector<16xi32>], vector<16xi32>, vector<16xi1>
          %gather3A_362 = tpu.vector_load_idx %arg16[%min3A_361] masked %lt3A_357 : memref<1024xf32, #tpu.memory_space<vmem>>[vector<16xi32>], vector<16xf32>, vector<16xi1>
          tpu.vector_store_idx %arg13[%add3A_277, %gather3A], %gather3A_362 masked %lt3A_357 {add = true} : memref<128x128xf32, #tpu.memory_space<vmem>>[vector<16xi32>, vector<16xi32>], vector<16xf32>, vector<16xi1>
        }
        %get3A_288 = arith.constant 96 : index
        %get3A_289 = tpu.vector_load %arg11[%get3A_288] {strides = array<i32>} : memref<128xi32, #tpu.memory_space<vmem>>, vector<16xi32>,
        %and3A_290 = arith.constant 2047 : i32
        %and3A_291 = vector.broadcast %and3A_290 : i32 to vector<16xi32>
        %and3A_292 = arith.andi %get3A_289, %and3A_291 : vector<16xi32>
        %shift_right_logical3A_293 = arith.constant 11 : i32
        %shift_right_logical3A_294 = vector.broadcast %shift_right_logical3A_293 : i32 to vector<16xi32>
        %shift_right_logical3A_295 = arith.shrui %get3A_289, %shift_right_logical3A_294 : vector<16xi32>
        %reduce_max3A_296 = arith.constant true
        %reduce_max3A_297 = vector.broadcast %reduce_max3A_296 : i1 to vector<16xi1>
        %reduce_max3A_298 = arith.constant -2147483648 : i32
        %reduce_max3A_299 = vector.broadcast %reduce_max3A_298 : i32 to vector<16xi32>
        %reduce_max3A_300 = arith.xori %and3A_292, %reduce_max3A_299 : vector<16xi32>
        %reduce_max3A_301 = tpu.scan <max>, %reduce_max3A_300 masked %reduce_max3A_297 : vector<16xi32>, vector<16xi1> -> vector<16xi32>
        %reduce_max3A_302 = arith.xori %reduce_max3A_301, %reduce_max3A_299 : vector<16xi32>
        %reduce_max3A_303 = vector.extract %reduce_max3A_302[15] : i32 from vector<16xi32>
        %iota3A_304 = tpu.iota {dimensions = array<i32: 0>} : vector<16xi32>
        %add3A_305 = arith.constant 96 : i32
        %add3A_306 = vector.broadcast %add3A_305 : i32 to vector<16xi32>
        %add3A_307 = arith.addi %iota3A_304, %add3A_306 : vector<16xi32>
        %while3A_308 = arith.constant 0 : i32
        %while3A_309 = arith.constant 0 : i32
        %while3A_310 = arith.subi %reduce_max3A_303, %while3A_309 : i32
        %while3A_311 = arith.addi %while3A_309, %while3A_310 : i32
        %while3A_312 = arith.constant 1 : i32
        %while3A_313 = arith.divsi %while3A_310, %while3A_312 : i32
        %while3A_314 = arith.muli %while3A_313, %while3A_312 : i32
        %while3A_315 = arith.addi %while3A_309, %while3A_314 : i32
        %while3A_316 = arith.constant 1 : i32
        scf.for %while3A_355 = %while3A_309 to %while3A_315 step %while3A_316  : i32 {
          %lt3A_356 = vector.broadcast %while3A_355 : i32 to vector<16xi32>
          %lt3A_357 = arith.cmpi slt, %lt3A_356, %and3A_292 : vector<16xi32>
          %add3A_358 = vector.broadcast %while3A_355 : i32 to vector<16xi32>
          %add3A_359 = arith.addi %shift_right_logical3A_295, %add3A_358 : vector<16xi32>
          %min3A = arith.constant 1023 : i32
          %min3A_360 = vector.broadcast %min3A : i32 to vector<16xi32>
          %min3A_361 = arith.minsi %add3A_359, %min3A_360 : vector<16xi32>
          %gather3A = tpu.vector_load_idx %arg15[%min3A_361] masked %lt3A_357 : memref<1024xi32, #tpu.memory_space<vmem>>[vector<16xi32>], vector<16xi32>, vector<16xi1>
          %gather3A_362 = tpu.vector_load_idx %arg16[%min3A_361] masked %lt3A_357 : memref<1024xf32, #tpu.memory_space<vmem>>[vector<16xi32>], vector<16xf32>, vector<16xi1>
          tpu.vector_store_idx %arg13[%add3A_307, %gather3A], %gather3A_362 masked %lt3A_357 {add = true} : memref<128x128xf32, #tpu.memory_space<vmem>>[vector<16xi32>, vector<16xi32>], vector<16xf32>, vector<16xi1>
        }
        %while3A_317 = arith.constant 1 : i32
        scf.for %while3A_355 = %while3A_315 to %while3A_311 step %while3A_317  : i32 {
          %lt3A_356 = vector.broadcast %while3A_355 : i32 to vector<16xi32>
          %lt3A_357 = arith.cmpi slt, %lt3A_356, %and3A_292 : vector<16xi32>
          %add3A_358 = vector.broadcast %while3A_355 : i32 to vector<16xi32>
          %add3A_359 = arith.addi %shift_right_logical3A_295, %add3A_358 : vector<16xi32>
          %min3A = arith.constant 1023 : i32
          %min3A_360 = vector.broadcast %min3A : i32 to vector<16xi32>
          %min3A_361 = arith.minsi %add3A_359, %min3A_360 : vector<16xi32>
          %gather3A = tpu.vector_load_idx %arg15[%min3A_361] masked %lt3A_357 : memref<1024xi32, #tpu.memory_space<vmem>>[vector<16xi32>], vector<16xi32>, vector<16xi1>
          %gather3A_362 = tpu.vector_load_idx %arg16[%min3A_361] masked %lt3A_357 : memref<1024xf32, #tpu.memory_space<vmem>>[vector<16xi32>], vector<16xf32>, vector<16xi1>
          tpu.vector_store_idx %arg13[%add3A_307, %gather3A], %gather3A_362 masked %lt3A_357 {add = true} : memref<128x128xf32, #tpu.memory_space<vmem>>[vector<16xi32>, vector<16xi32>], vector<16xf32>, vector<16xi1>
        }
        %get3A_318 = arith.constant 112 : index
        %get3A_319 = tpu.vector_load %arg11[%get3A_318] {strides = array<i32>} : memref<128xi32, #tpu.memory_space<vmem>>, vector<16xi32>,
        %and3A_320 = arith.constant 2047 : i32
        %and3A_321 = vector.broadcast %and3A_320 : i32 to vector<16xi32>
        %and3A_322 = arith.andi %get3A_319, %and3A_321 : vector<16xi32>
        %shift_right_logical3A_323 = arith.constant 11 : i32
        %shift_right_logical3A_324 = vector.broadcast %shift_right_logical3A_323 : i32 to vector<16xi32>
        %shift_right_logical3A_325 = arith.shrui %get3A_319, %shift_right_logical3A_324 : vector<16xi32>
        %reduce_max3A_326 = arith.constant true
        %reduce_max3A_327 = vector.broadcast %reduce_max3A_326 : i1 to vector<16xi1>
        %reduce_max3A_328 = arith.constant -2147483648 : i32
        %reduce_max3A_329 = vector.broadcast %reduce_max3A_328 : i32 to vector<16xi32>
        %reduce_max3A_330 = arith.xori %and3A_322, %reduce_max3A_329 : vector<16xi32>
        %reduce_max3A_331 = tpu.scan <max>, %reduce_max3A_330 masked %reduce_max3A_327 : vector<16xi32>, vector<16xi1> -> vector<16xi32>
        %reduce_max3A_332 = arith.xori %reduce_max3A_331, %reduce_max3A_329 : vector<16xi32>
        %reduce_max3A_333 = vector.extract %reduce_max3A_332[15] : i32 from vector<16xi32>
        %iota3A_334 = tpu.iota {dimensions = array<i32: 0>} : vector<16xi32>
        %add3A_335 = arith.constant 112 : i32
        %add3A_336 = vector.broadcast %add3A_335 : i32 to vector<16xi32>
        %add3A_337 = arith.addi %iota3A_334, %add3A_336 : vector<16xi32>
        %while3A_338 = arith.constant 0 : i32
        %while3A_339 = arith.constant 0 : i32
        %while3A_340 = arith.subi %reduce_max3A_333, %while3A_339 : i32
        %while3A_341 = arith.addi %while3A_339, %while3A_340 : i32
        %while3A_342 = arith.constant 1 : i32
        %while3A_343 = arith.divsi %while3A_340, %while3A_342 : i32
        %while3A_344 = arith.muli %while3A_343, %while3A_342 : i32
        %while3A_345 = arith.addi %while3A_339, %while3A_344 : i32
        %while3A_346 = arith.constant 1 : i32
        scf.for %while3A_355 = %while3A_339 to %while3A_345 step %while3A_346  : i32 {
          %lt3A_356 = vector.broadcast %while3A_355 : i32 to vector<16xi32>
          %lt3A_357 = arith.cmpi slt, %lt3A_356, %and3A_322 : vector<16xi32>
          %add3A_358 = vector.broadcast %while3A_355 : i32 to vector<16xi32>
          %add3A_359 = arith.addi %shift_right_logical3A_325, %add3A_358 : vector<16xi32>
          %min3A = arith.constant 1023 : i32
          %min3A_360 = vector.broadcast %min3A : i32 to vector<16xi32>
          %min3A_361 = arith.minsi %add3A_359, %min3A_360 : vector<16xi32>
          %gather3A = tpu.vector_load_idx %arg15[%min3A_361] masked %lt3A_357 : memref<1024xi32, #tpu.memory_space<vmem>>[vector<16xi32>], vector<16xi32>, vector<16xi1>
          %gather3A_362 = tpu.vector_load_idx %arg16[%min3A_361] masked %lt3A_357 : memref<1024xf32, #tpu.memory_space<vmem>>[vector<16xi32>], vector<16xf32>, vector<16xi1>
          tpu.vector_store_idx %arg13[%add3A_337, %gather3A], %gather3A_362 masked %lt3A_357 {add = true} : memref<128x128xf32, #tpu.memory_space<vmem>>[vector<16xi32>, vector<16xi32>], vector<16xf32>, vector<16xi1>
        }
        %while3A_347 = arith.constant 1 : i32
        scf.for %while3A_355 = %while3A_345 to %while3A_341 step %while3A_347  : i32 {
          %lt3A_356 = vector.broadcast %while3A_355 : i32 to vector<16xi32>
          %lt3A_357 = arith.cmpi slt, %lt3A_356, %and3A_322 : vector<16xi32>
          %add3A_358 = vector.broadcast %while3A_355 : i32 to vector<16xi32>
          %add3A_359 = arith.addi %shift_right_logical3A_325, %add3A_358 : vector<16xi32>
          %min3A = arith.constant 1023 : i32
          %min3A_360 = vector.broadcast %min3A : i32 to vector<16xi32>
          %min3A_361 = arith.minsi %add3A_359, %min3A_360 : vector<16xi32>
          %gather3A = tpu.vector_load_idx %arg15[%min3A_361] masked %lt3A_357 : memref<1024xi32, #tpu.memory_space<vmem>>[vector<16xi32>], vector<16xi32>, vector<16xi1>
          %gather3A_362 = tpu.vector_load_idx %arg16[%min3A_361] masked %lt3A_357 : memref<1024xf32, #tpu.memory_space<vmem>>[vector<16xi32>], vector<16xf32>, vector<16xi1>
          tpu.vector_store_idx %arg13[%add3A_337, %gather3A], %gather3A_362 masked %lt3A_357 {add = true} : memref<128x128xf32, #tpu.memory_space<vmem>>[vector<16xi32>, vector<16xi32>], vector<16xf32>, vector<16xi1>
        }
        %mul3A_348 = arith.constant 128 : i32
        %mul3A_349 = arith.muli %sub3A_91, %mul3A_348 : i32
        %add3A_350 = arith.addi %mul3A_2, %mul3A_349 : i32
        %dma_start3A_351 = arith.constant 0 : i32
        %dma_start3A_352 = tpu.memref_slice %arg9[%add3A_350, %dma_start3A_351] : memref<204800x128xf32, #tpu.memory_space<hbm>> -> memref<128x128xf32, #tpu.memory_space<hbm>>
        %dma_start3A_353 = arith.constant 0 : i32
        %dma_start3A_354 = tpu.memref_slice %arg9[%add3A_350, %dma_start3A_353] : memref<204800x128xf32, #tpu.memory_space<hbm>> -> memref<128x128xf32, #tpu.memory_space<hbm>>
        tpu.enqueue_dma source(%arg13 : memref<128x128xf32, #tpu.memory_space<vmem>>) target(%dma_start3A_354 : memref<128x128xf32, #tpu.memory_space<hbm>>) target_semaphore(%arg27 : memref<!tpu.dma_semaphore, #tpu.memory_space<semaphore_mem>>)
      } else {
      }
    }
    %scan3A_55 = arith.constant 25 : i32
    %dma_wait3A = arith.constant 0 : i32
    %dma_wait3A_56 = tpu.memref_slice %arg9[%mul3A_2, %dma_wait3A] : memref<204800x128xf32, #tpu.memory_space<hbm>> -> memref<128x128xf32, #tpu.memory_space<hbm>>
    %dma_wait3A_57 = arith.constant 0 : i32
    %dma_wait3A_58 = tpu.memref_slice %arg9[%mul3A_2, %dma_wait3A_57] : memref<204800x128xf32, #tpu.memory_space<hbm>> -> memref<128x128xf32, #tpu.memory_space<hbm>>
    tpu.wait_dma2 semaphore(%arg27 : memref<!tpu.dma_semaphore, #tpu.memory_space<semaphore_mem>>) src(%arg13 : memref<128x128xf32, #tpu.memory_space<vmem>>) dst(%dma_wait3A_58 : memref<128x128xf32, #tpu.memory_space<hbm>>)
    %dma_wait3A_59 = arith.constant 0 : i32
    %dma_wait3A_60 = tpu.memref_slice %arg9[%mul3A_2, %dma_wait3A_59] : memref<204800x128xf32, #tpu.memory_space<hbm>> -> memref<128x128xf32, #tpu.memory_space<hbm>>
    %dma_wait3A_61 = arith.constant 0 : i32
    %dma_wait3A_62 = tpu.memref_slice %arg9[%mul3A_2, %dma_wait3A_61] : memref<204800x128xf32, #tpu.memory_space<hbm>> -> memref<128x128xf32, #tpu.memory_space<hbm>>
    tpu.wait_dma2 semaphore(%arg28 : memref<!tpu.dma_semaphore, #tpu.memory_space<semaphore_mem>>) src(%arg14 : memref<128x128xf32, #tpu.memory_space<vmem>>) dst(%dma_wait3A_62 : memref<128x128xf32, #tpu.memory_space<hbm>>)
    return
  }
}

</mosaic_0001>

<sc_bundles>
// kernel: kernel.3.cloned.1.call-start
scs
__scs_entry_jumppad:
0x0: {  	(pc) =	sbr.rel $0x88, $3  }
0x1: {  	(tag) =	ssettag $0x0;
	lr =	simm.s32 $0x1  }
0x2: {  	[smem:$0x3F9C] =	sst lr;
	_ =	strace $0xD0000000  }
0x3: {  	_ = 	snop  }
0x4: {  	_ = 	snop  }
0x5: {  	_ = 	snop  }
0x6: {  	_ = 	snop  }
0x7: {  	_ = 	snop  }
__scs_overlays_trampoline_lowered:
0x8: {  	[smem:$0x3FAB] =	sst s0  }
0x9: {  	[smem:$0x3FAC] =	sst s1  }
0xa: {  	[smem:$0x3FAD] =	sst s2  }
0xb: {  	[smem:$0x3FAE] =	sst s3  }
0xc: {  	[smem:$0x3FAF] =	sst s4  }
0xd: {  	[smem:$0x3FB0] =	sst s5  }
0xe: {  	[smem:$0x3FB1] =	sst s6  }
0xf: {  	[smem:$0x3FB2] =	sst s7  }
0x10: {  	[smem:$0x3FB3] =	sst s8  }
0x11: {  	[smem:$0x3FB4] =	sst s9;
	s0 =	simm.s32 @!p0 $0x0  }
0x12: {  	s1 =	sld [smem:$0x3F9A];
	s0 =	simm.s32 @p0 $0x1  }
0x13: {  	[smem:$0x3FB5] =	sst s0;
	s0 =	simm.s32 @!p1 $0x0  }
0x14: {  	s2 =	sld [smem:$0x3F99];
	s0 =	simm.s32 @p1 $0x1  }
0x15: {  	[smem:$0x3FB6] =	sst s0;
	s0 =	simm.s32 @!p2 $0x0  }
0x16: {  	s3 =	sld [smem:$0x3FDB];
	s0 =	simm.s32 @p2 $0x1  }
0x17: {  	s4 =	simm.s32 $0x1BF5;
	[smem:$0x3FB8] =	sst s0  }
0x18: {  	s0 =	sld [smem:$0x3F9B];
	_ =	swait.ge [sflag:s4], $0x0  }
0x19: {  	s7 =	sld [smem:$0x3F9C]  }
0x1a: {  	s8 =	sadd.s32 $0xFFFFE003, lr  }
0x1b: {  	s9 =	sadd.s32 $0xFFFFFEF7, lr;
	s5 =	simm.s32 $0xFFFFFFFF;
	p2 =	slt.u32 s8, $0xFFFFF086  }
0x1c: {  	p1 =	slt.u32 s9, $0xF7A;
	s5 =	simm.s32 @!p2 $0x0  }
0x1d: {  	s5 =	simm.s32 @p1 $0x1;
	p0 =	seq.s32 s7, s2  }
0x1e: {  	s7 =	smul.u32 @!p0 $0xF7A, s2;
	p2 =	seq.s32 @!p0 s5, $0x0  }
0x1f: {  	s9 =	smul.u32 $0xF7A, s1;
	s8 =	simm.s32 @!p0 $0x1BF5;
	p2 =	por !p2, p0  }
0x20: {  	[sflag:s8] =	ssyncset.s32 @!p0 $0xFFFFF086;
	s6 =	sadd.s32 @!p0 s3, s7;
	s7 =	simm.s32 @!p0 $0x108  }
0x21: {  	s3 =	sadd.s32 s3, s9;
	s6 =	sadd.s32 @!p0 $0x88, s6;
	s7 =	simm.s32 @p2 $0x1082  }
0x22: {  	[simem:s7], [sflag:s8] =	dma.local @!p0 [hbm:s6], $0xF7A  }
0x23: {  	s9 =	sor.u32 $0xD0000000, s2;
	s6 =	simm.s32 $0x108;
	_ =	swait.ge @!p0 [sflag:s8], $0x0  }
0x24: {  	s3 =	sadd.s32 $0x88, s3;
	s6 =	simm.s32 @!p1 $0x1082;
	[sflag:s4] =	ssyncset.s32 $0xFFFFF086  }
0x25: {  	[simem:s6], [sflag:s4] =	dma.local [hbm:s3], $0xF7A  }
0x26: {  	[smem:$0x3F9C] =	sst s1;
	(tag) =	ssettag s2;
	_ =	strace s9  }
0x27: {  	s1 =	sld [smem:$0x3FAC]  }
0x28: {  	s2 =	sld [smem:$0x3FAD]  }
0x29: {  	s4 =	sld [smem:$0x3FAF]  }
0x2a: {  	p0 =	seq.s32 s5, $0x0;
	s5 =	sld [smem:$0x3FB0]  }
0x2b: {  	s6 =	sld [smem:$0x3FB1]  }
0x2c: {  	s7 =	sld [smem:$0x3FB2]  }
0x2d: {  	s3 =	simm.s32 $0x108;
	s8 =	sld [smem:$0x3FB3]  }
0x2e: {  	s3 =	simm.s32 @!p0 $0x1082;
	s9 =	sld [smem:$0x3FB4]  }
0x2f: {  	lr =	sadd.s32 s0, s3;
	s0 =	sld [smem:$0x3FAB]  }
0x30: {  	s3 =	sld [smem:$0x3FAE]  }
0x31: {  	[smem:$0x3FB7] =	sst s10  }
0x32: {  	s10 =	sld [smem:$0x3FB5];
	_ =	sdelay $0x3  }
0x33: {  	p0 =	seq.s32 s10, $0x1;
	s10 =	sld [smem:$0x3FB7];
	_ =	sdelay $0x3  }
0x34: {  	[smem:$0x3FB7] =	sst s10  }
0x35: {  	s10 =	sld [smem:$0x3FB6];
	_ =	sdelay $0x3  }
0x36: {  	p1 =	seq.s32 s10, $0x1;
	s10 =	sld [smem:$0x3FB7];
	_ =	sdelay $0x3  }
0x37: {  	[smem:$0x3FB7] =	sst s10  }
0x38: {  	s10 =	sld [smem:$0x3FB8]  }
0x39: {  	_ = 	snop;
	(pc) =	sbr.ind lr, $3  }
0x3a: {  	_ = 	snop  }
0x3b: {  	_ = 	snop  }
0x3c: {  	p2 =	seq.s32 s10, $0x1;
	s10 =	sld [smem:$0x3FB7]  }
0x3d: {  	_ =	shalt  }
0x3e: {  	_ =	shalt  }
0x3f: {  	_ =	shalt  }
0x40: {  	_ =	shalt  }
0x41: {  	_ =	shalt  }
0x42: {  	_ =	shalt  }
0x43: {  	_ =	shalt  }
0x44: {  	_ =	shalt  }
0x45: {  	_ =	shalt  }
0x46: {  	_ =	shalt  }
0x47: {  	_ =	shalt  }
0x48: {  	_ =	shalt  }
0x49: {  	_ =	shalt  }
0x4a: {  	_ =	shalt  }
0x4b: {  	_ =	shalt  }
0x4c: {  	_ =	shalt  }
0x4d: {  	_ =	shalt  }
0x4e: {  	_ =	shalt  }
0x4f: {  	_ =	shalt  }
0x50: {  	_ =	shalt  }
0x51: {  	_ =	shalt  }
0x52: {  	_ =	shalt  }
0x53: {  	_ =	shalt  }
0x54: {  	_ =	shalt  }
0x55: {  	_ =	shalt  }
0x56: {  	_ =	shalt  }
0x57: {  	_ =	shalt  }
0x58: {  	_ =	shalt  }
0x59: {  	_ =	shalt  }
0x5a: {  	_ =	shalt  }
0x5b: {  	_ =	shalt  }
0x5c: {  	_ =	shalt  }
0x5d: {  	_ =	shalt  }
0x5e: {  	_ =	shalt  }
0x5f: {  	_ =	shalt  }
0x60: {  	_ =	shalt  }
0x61: {  	_ =	shalt  }
0x62: {  	_ =	shalt  }
0x63: {  	_ =	shalt  }
0x64: {  	_ =	shalt  }
0x65: {  	_ =	shalt  }
0x66: {  	_ =	shalt  }
0x67: {  	_ =	shalt  }
0x68: {  	_ =	shalt  }
0x69: {  	_ =	shalt  }
0x6a: {  	_ =	shalt  }
0x6b: {  	_ =	shalt  }
0x6c: {  	_ =	shalt  }
0x6d: {  	_ =	shalt  }
0x6e: {  	_ =	shalt  }
0x6f: {  	_ =	shalt  }
0x70: {  	_ =	shalt  }
0x71: {  	_ =	shalt  }
0x72: {  	_ =	shalt  }
0x73: {  	_ =	shalt  }
0x74: {  	_ =	shalt  }
0x75: {  	_ =	shalt  }
0x76: {  	_ =	shalt  }
0x77: {  	_ =	shalt  }
0x78: {  	_ =	shalt  }
0x79: {  	_ =	shalt  }
0x7a: {  	_ =	shalt  }
0x7b: {  	_ =	shalt  }
0x7c: {  	_ =	shalt  }
0x7d: {  	_ =	shalt  }
0x7e: {  	_ =	shalt  }
0x7f: {  	_ =	shalt  }
0x80: {  	_ =	shalt  }
0x81: {  	_ =	shalt  }
0x82: {  	_ =	shalt  }
0x83: {  	_ =	shalt  }
0x84: {  	_ =	shalt  }
0x85: {  	_ =	shalt  }
0x86: {  	_ =	shalt  }
0x87: {  	_ =	shalt  }
.Lfunc_end0:
.L_simem_size_0:
called_computation_lowered:
.L_overlay_start_0:
0x88: {  	s2 =	sld [smem:$0x3FD9]  }
0x89: {  	s3 =	sld [smem:$0x3FFE];
	_ =	sdelay $0x1  }
0x8a: {  	s1 =	srdreg.scid  }
0x8b: {  	s0 =	sand.u32 $0x1, s1  }
0x8c: {  	s17 =	sshll.u32 s0, $0xA;
	s2 =	sadd.s32 s3, s2  }
0x8d: {  	s2 =	sadd.s32 s2, s17  }
0x8e: {  	[smem:$0x3FC3] =	sst s2  }
0x8f: {  	_ = 	snop  }
0x90: {  	s2 =	sld [smem:$0x3FC8]  }
0x91: {  	s18 =	sld [smem:$0x3FD0];
	(tm) =	ssettm $0x1  }
0x92: {  	s4 =	sld [smem:$0x3FFB];
	_ =	sdelay $0x3  }
0x93: {  	_ =	strace s4  }
0x94: {  	s4 =	sld [smem:$0x3FFC];
	_ =	sdelay $0x3  }
0x95: {  	_ =	strace s4  }
0x96: {  	s4 =	sld [smem:$0x3FFD];
	_ =	sdelay $0x3  }
0x97: {  	_ =	strace s4  }
0x98: {  	_ =	strace $0x8FFFFFFF  }
0x99: {  	s19 =	sld [smem:$0x3FDB];
	_ =	sdelay $0x1  }
0x9a: {  	s5 =	simm.s32 $_scs_section_size  }
0x9b: {  	s6 =	simm.s32 $_size__tile_overlayer_lowered;
	s7 =	simm.s32 $_tile_overlayer_lowered  }
0x9c: {  	s22 =	simm.s32 $0x1BFF;
	s21 =	sshll.u32 s7, $0x1;
	s4 =	sadd.s32 s5, s19  }
0x9d: {  	s8 =	simm.s32 $0x0;
	s20 =	sshll.u32 s6, $0x1;
	s6 =	sadd.s32 s21, s4  }
0x9e: {  	[timem:s8], [sflag:s22] =	dma.local [hbm:s6], s20  }
0x9f: {  	_ =	swait.ge [sflag:s22], s20  }
0xa0: {  	s5 =	ssub.s32 $0x0, s20;
	[sflag:s22] =	ssyncset.done $0x0  }
0xa1: {  	[sflag:s22] =	ssyncadd.s32 s5;
	_ =	sdelay $0x1  }
0xa2: {  	s23 =	simm.s32 $0x1B8B  }
0xa3: {  	_ =	swait.ge [sflag:s23], $0x1  }
0xa4: {  	[sflag:s23] =	ssyncset.done $0x0  }
0xa5: {  	s25 =	simm.s32 $0x1B8E;
	s24 =	sld [smem:$0x3FFE];
	[sflag:s23] =	ssyncadd.s32 $0xFFFFFFFF  }
0xa6: {  	s26 =	simm.s32 $execute0_lowered;
	[smem:$0x3FD2] =	sst s25  }
0xa7: {  	s6 =	sshll.u32 s26, $0x1;
	_ =	strace $0x80000046;
	[dreg:$0x1] =	wrdreg $0xFFFFFFFF  }
0xa8: {  	s28 =	simm.s32 $_size_execute0_lowered;
	s4 =	sadd.s32 s4, s6;
	[dreg:$0x0] =	wrdreg $0x0  }
0xa9: {  	s6 =	sshll.u32 s28, $0x1;
	[dreg:$0x2] =	wrdreg s4  }
0xaa: {  	[dreg:$0x3] =	wrdreg s6  }
0xab: {  	[dreg:$0x4] =	wrdreg $0xC0  }
0xac: {  	_ =	task [dreg:s8], $0x5FFFF  }
0xad: {  	[dreg:$0x1] =	wrdreg $0xFFFFFFFF  }
0xae: {  	[dreg:$0x0] =	wrdreg $0x60  }
0xaf: {  	[dreg:$0x2] =	wrdreg s24  }
0xb0: {  	[dreg:$0x3] =	wrdreg s2  }
0xb1: {  	[dreg:$0x4] =	wrdreg s18  }
0xb2: {  	[dreg:$0x5] =	wrdreg $0xC4800  }
0xb3: {  	[dreg:$0x6] =	wrdreg $0xDD800  }
0xb4: {  	[dreg:$0x7] =	wrdreg $0xDDC00  }
0xb5: {  	[dreg:$0x8] =	wrdreg $0x9  }
0xb6: {  	_ =	task.clear_ibuf [dreg:s8], $0x9FFFF;
	_ =	strace $0x90000046  }
0xb7: {  	s29 =	simm.s32 $0x9;
	_ =	strace $0x80000048  }
0xb8: {  	_ =	swait.ge [sflag:s29], $0x1  }
0xb9: {  	[sflag:s29] =	ssyncadd.s32 $0xFFFFFFFF  }
0xba: {  	_ =	strace $0x90000048  }
0xbb: {  	_ =	sfence  }
0xbc: {  	s30 =	sld [smem:$0x0];
	_ =	sdelay $0x2  }
0xbd: {  	s31 =	sshll.u32 s1, $0xD;
	s1 =	sshrl.u32 s1, $0x2  }
0xbe: {  	s3 =	sand.u32 $0x4000, s31;
	s1 =	sadd.s32 s1, s30  }
0xbf: {  	s0 =	sor.u32 s3, s0;
	s1 =	sshll.u32 s1, $0x11  }
0xc0: {  	s0 =	sor.u32 s1, s0  }
0xc1: {  	s0 =	sadd.s32 $0x8F2B, s0  }
0xc2: {  	[sflag:s0] =	ssyncadd.remote.s32 $0x1  }
0xc3: {  	_ =	sfence.sel $0xFFFF  }
0xc4: {  	[dreg:$0x0] =	wrdreg $0xFFFFFFFF;
	(pc) =	sbr.abs _section_cstart, $3  }
0xc5: {  	[dreg:$0x1] =	wrdreg $0xFFFFFFFF  }
0xc6: {  	_ =	task.clear_ibuf [dreg:s8], $0x2FFFF;
	_ =	strace $0x9FFFFFFF  }
0xc7: {  	(tm) =	ssettm $0x7FFFFFFF  }
tec
execute0_lowered:
.L_overlay_start_1:
0x0: {  	(tag) =	ssettag $0x1  }
0x1: {  	s0 =	rddreg [dreg:$0x0]  }
0x2: {  	s1 =	rddreg [dreg:$0x1]  }
0x3: {  	s2 =	rddreg [dreg:$0x2]  }
0x4: {  	s3 =	rddreg [dreg:$0x3]  }
0x5: {  	s4 =	srdreg.scid;
	s12 =	rddreg [dreg:$0x4]  }
0x6: {  	s11 =	stileid.u32;
	s13 =	rddreg [dreg:$0x5];
	s7 =	simm.s32 $0x0  }
0x7: {  	s28 =	simm.s32 $0xA200;
	s29 =	simm.s32 $0x9A00;
	s30 =	simm.s32 $0x9E00  }
0x8: {  	s31 =	simm.s32 $0x5;
	s4 =	sand.u32 $0x1, s4;
	s5 =	sshll.u32 s11, $0x1  }
0x9: {  	[smem:$0x7FF] =	sst s7;
	s8 =	sadd.s32 $0x200, s0;
	s20 =	sadd.s32 $0x6C00, s0  }
0xa: {  	s21 =	sadd.s32 $0x6A00, s0;
	s9 =	smul.u32 $0x1900, s11;
	s10 =	sadd.s32 $0x6800, s0  }
0xb: {  	s24 =	sshll.u32 s11, $0x4;
	_ =	strace $0x80000047;
	[dreg:$0x7] =	wrdreg s8  }
0xc: {  	s26 =	sshll.u32 s11, $0x7;
	p0 =	sgt.u32 s11, $0x7;
	[dreg:$0x8] =	wrdreg s20  }
0xd: {  	s5 =	sor.u32 s4, s5;
	s4 =	ssub.s32 $0x2, s4;
	[dreg:$0x9] =	wrdreg s21  }
0xe: {  	[dreg:$0xa] =	wrdreg s10;
	s16 =	sadd.s32 s26, s12;
	s17 =	sadd.s32 s26, s13  }
0xf: {  	s21 =	simm.s32 $0x9;
	s26 =	simm.s32 $0x2;
	s6 =	smul.u32 $0x320, s5  }
0x10: {  	s8 =	simm.s32 $0x0;
	s22 =	sshrl.u32 s4, $0x1;
	s25 =	smul.u32 $0x19000, s5  }
0x11: {  	s23 =	sadd.s32 s9, s3;
	s15 =	smul.u32 $0xC8000, s5;
	s5 =	simm.s32 $0x4  }
0x12: {  	v0 =	vlaneseq.u32;
	s4 =	ssub.s32 s4, s22;
	[dreg:$0xc] =	wrdreg s23;
	s22 =	simm.s32 $0x80  }
.Ltmp0:
0x13: {  	v0 =	vmul.u32 $0x80, v0;
	s23 =	simm.s32 $0x1A00;
	s6 =	sadd.s32 s6, s0;
	(pc) =	sbr.rel .LBB2_1-.Ltmp0, $4  }
0x14: {  	s0 =	sadd.s32 s0, s24;
	s18 =	sadd.s32 s2, s25;
	s19 =	sadd.s32 $0xFFFFC000, s15  }
0x15: {  	v2 =	vimm.s32 $0x0;
	v1 =	vmov s9;
	v3 =	vor.u32 $0x800, v0;
	s20 =	smax.u32 s4, $0x1;
	s24 =	simm.s32 $0x5A00;
	s4 =	simm.s32 $0x1980  }
0x16: {  	v4 =	vor.u32 $0x1000, v0;
	v5 =	vor.u32 $0x1800, v0;
	v6 =	vor.u32 $0x2000, v0;
	s25 =	simm.s32 $0x3;
	s6 =	sadd.s32 $0x400, s6;
	[dreg:$0xd] =	wrdreg s0  }
0x17: {  	v7 =	vor.u32 $0x2800, v0;
	v8 =	vor.u32 $0x3000, v0;
	v9 =	vor.u32 $0x3800, v0;
	s0 =	simm.s32 $0x1;
	[dreg:$0xb] =	wrdreg s6;
	s6 =	simm.s32 $0x6  }
.LBB2_104:
0x18: {  	s8 =	sadd.s32 $0x1, s8  }
0x19: {  	_ =	swait.ge [sflag:s31], $0x4000;
	p1 =	sne.s32 s8, s20  }
.Ltmp1:
0x1a: {  	[sflag:s31] =	ssyncset.done $0x0;
	(pc) =	sbr.rel @!p1 .LBB2_105-.Ltmp1, $4  }
0x1b: {  	[sflag:s31] =	ssyncadd.s32 $0xFFFFC000  }
0x1c: {  	_ =	swait.ge [sflag:s6], $0x4000  }
0x1d: {  	[sflag:s6] =	ssyncset.done $0x0  }
0x1e: {  	[sflag:s6] =	ssyncadd.s32 $0xFFFFC000  }
.LBB2_1:
0x1f: {  	s9 =	rddreg [dreg:$0xb]  }
0x20: {  	[tilespmem:s7], [sflag:$0x9] =	stream.linear.gather [hbm4b:s9+s7], $0x1900, $0x38;
	[tilespmem:$0xDE00] =	vst v63  }
0x21: {  	_ =	swait.ge [sflag:s21], $0x1900  }
0x22: {  	[sflag:s21] =	ssyncset.done $0x0  }
0x23: {  	[sflag:s21] =	ssyncadd.s32 $0xFFFFE700  }
0x24: {  	[tilespmem:s23], [sflag:$0x1] =	stream.indirect.gather [hbm4b:s1+s22], $0x80, s7, s22, $0xb8;
	[tilespmem:$0xDE00] =	vst v63  }
0x25: {  	s10 =	simm.s32 $0x0;
	s9 =	simm.s32 $0x40  }
0x26: {  	[tilespmem:s24], [sflag:$0x2] =	stream.indirect.gather [hbm4b:s1+s22], $0x80, s22, s22, $0xb8;
	[tilespmem:$0xDE00] =	vst v63  }
.LBB2_2:
0x27: {  	p1 =	sne.s32 s9, $0x63C0;
	[tilespmem:s10+$0xA200] =	vst v2;
	s10 =	smov.u32 s9;
	s9 =	sadd.s32 $0x40, s9  }
.Ltmp2:
0x28: {  	(pc) =	sbr.rel @p1 .LBB2_2-.Ltmp2, $2  }
0x29: {  	_ =	sdelay $0x2  }
0x2a: {  	s10 =	sshra.s32 s10, $0x2  }
0x2b: {  	[tilespmem:s10+$0xA200] =	vst v2;
	s9 =	simm.s32 $0x0;
	s12 =	rddreg [dreg:$0x7];
	s11 =	simm.s32 $0xBB00  }
0x2c: {  	[tilespmem:s11], [sflag:$0x9] =	stream.linear.gather [hbm4b:s12+s9], $0x400, $0x38;
	[tilespmem:$0xDE00] =	vst v63  }
0x2d: {  	_ =	swait.ge [sflag:s21], $0x400  }
0x2e: {  	[sflag:s21] =	ssyncset.done $0x0  }
0x2f: {  	s14 =	simm.s32 $0xBF00;
	s13 =	rddreg [dreg:$0x8];
	[sflag:s21] =	ssyncadd.s32 $0xFFFFFC00  }
0x30: {  	[tilespmem:s14], [sflag:$0x9] =	stream.linear.gather [hbm4b:s13+s9], $0x400, $0x38;
	[tilespmem:$0xDE00] =	vst v63  }
0x31: {  	_ =	swait.ge [sflag:s21], $0x400  }
0x32: {  	[sflag:s21] =	ssyncset.done $0x0  }
0x33: {  	s10 =	simm.s32 $0x40;
	s9 =	simm.s32 $0x0;
	[sflag:s21] =	ssyncadd.s32 $0xFFFFFC00  }
.LBB2_4:
0x34: {  	p1 =	sne.s32 s10, $0xFC0;
	v10 =	vld [tilespmem:s9+$0xBB00];
	_ =	sdelay $0x4  }
0x35: {  	v11 =	vsub.s32 v10, v1  }
0x36: {  	v10 =	vand.u32 $0x7, v10;
	vm0 =	vlt.u32 v11, $0x1900;
	v11 =	vand.u32 $0xFFFFFFF8, v11  }
0x37: {  	v12 =	vld [tilespmem:s9+$0xBF00];
	v10 =	vor.u32 v10, v11  }
.Ltmp3:
0x38: {  	(pc) =	sbr.rel @p1 .LBB2_4-.Ltmp3, $2  }
0x39: {  	_ =	sdelay $0x2  }
0x3a: {  	s9 =	sshra.s32 s10, $0x2;
	s10 =	sadd.s32 $0x40, s10;
	[tilespmem:v10+s28+$0x0] =	vst.idx.msk vm0, v12  }
0x3b: {  	v10 =	vld [tilespmem:s9+$0xBB00];
	_ =	sdelay $0x4  }
0x3c: {  	v11 =	vsub.s32 v10, v1  }
0x3d: {  	v10 =	vand.u32 $0x7, v10;
	vm0 =	vlt.u32 v11, $0x1900;
	v11 =	vand.u32 $0xFFFFFFF8, v11  }
0x3e: {  	v12 =	vld [tilespmem:s9+$0xBF00];
	v10 =	vor.u32 v10, v11;
	_ =	sdelay $0x4  }
0x3f: {  	s10 =	rddreg [dreg:$0xc];
	[tilespmem:v10+s28+$0x0] =	vst.idx.msk vm0, v12  }
0x40: {  	[spmem:s10] =	stream.linear.scatter [tilespmem:s28], [sflag:$0x9], $0x1900, $0x38;
	[tilespmem:$0xDE00] =	vst v63  }
0x41: {  	_ =	swait.ge [sflag:s21], $0x1900  }
0x42: {  	s9 =	simm.s32 @!p0 $0x0;
	[sflag:s21] =	ssyncset.done $0x0  }
0x43: {  	s10 =	simm.s32 @!p0 $0xC300;
	s11 =	rddreg [dreg:$0xd];
	[sflag:s21] =	ssyncadd.s32 $0xFFFFE700  }
0x44: {  	[tilespmem:s10], [sflag:$0x9] =	stream.linear.gather @!p0 [hbm4b:s11+s9], $0x80, $0x38;
	[tilespmem:$0xDE00] =	vst v63  }
0x45: {  	s9 =	simm.s32 @!p0 $0x9  }
0x46: {  	_ =	swait.ge @!p0 [sflag:s9], $0x80  }
0x47: {  	s12 =	simm.s32 @!p0 $0xC380;
	[sflag:s9] =	ssyncset.done @!p0 $0x0  }
0x48: {  	s11 =	simm.s32 @!p0 $0x80;
	s13 =	rddreg [dreg:$0x9];
	[sflag:s9] =	ssyncadd.s32 @!p0 $0xFFFFFF80  }
0x49: {  	[tilespmem:s12], [sflag:$0x7] =	stream.indirect.gather @!p0 [hbm4b:s13+s11], $0x1, s10, s11, $0xb8;
	[tilespmem:$0xDE00] =	vst v63  }
0x4a: {  	s14 =	rddreg [dreg:$0xa];
	s13 =	simm.s32 @!p0 $0xC400  }
0x4b: {  	[tilespmem:s13], [sflag:$0x8] =	stream.indirect.gather @!p0 [hbm4b:s14+s11], $0x1, s10, s11, $0xb8;
	[tilespmem:$0xDE00] =	vst v63  }
0x4c: {  	s10 =	simm.s32 @!p0 $0x7  }
0x4d: {  	_ =	swait.ge @!p0 [sflag:s10], $0x80  }
0x4e: {  	[sflag:s10] =	ssyncset.done @!p0 $0x0  }
0x4f: {  	[sflag:s10] =	ssyncadd.s32 @!p0 $0xFFFFFF80;
	s10 =	simm.s32 @!p0 $0x8  }
0x50: {  	_ =	swait.ge @!p0 [sflag:s10], $0x80  }
0x51: {  	[sflag:s10] =	ssyncset.done @!p0 $0x0  }
0x52: {  	[sflag:s10] =	ssyncadd.s32 @!p0 $0xFFFFFF80  }
0x53: {  	[spmem:s16] =	stream.linear.scatter @!p0 [tilespmem:s12], [sflag:$0x9], $0x80, $0x38;
	[tilespmem:$0xDE00] =	vst v63  }
0x54: {  	_ =	swait.ge @!p0 [sflag:s9], $0x80  }
0x55: {  	[sflag:s9] =	ssyncset.done @!p0 $0x0  }
0x56: {  	[sflag:s9] =	ssyncadd.s32 @!p0 $0xFFFFFF80  }
0x57: {  	[spmem:s17] =	stream.linear.scatter @!p0 [tilespmem:s13], [sflag:$0x9], $0x80, $0x38;
	[tilespmem:$0xDE00] =	vst v63  }
0x58: {  	_ =	swait.ge @!p0 [sflag:s9], $0x80  }
0x59: {  	[sflag:s9] =	ssyncset.done @!p0 $0x0  }
0x5a: {  	[sflag:s9] =	ssyncadd.s32 @!p0 $0xFFFFFF80  }
0x5b: {  	[bflag:$0x0] =	sbarrier.arrive $0xFFFF  }
0x5c: {  	s11 =	rddreg [dreg:$0x4]  }
0x5d: {  	[tilespmem:s29], [sflag:$0x9] =	stream.linear.gather [spmem:s11], $0x400, $0x38;
	[tilespmem:$0xDE00] =	vst v63  }
0x5e: {  	_ =	swait.ge [sflag:s21], $0x400  }
0x5f: {  	[sflag:s21] =	ssyncset.done $0x0  }
0x60: {  	[sflag:s21] =	ssyncadd.s32 $0xFFFFFC00  }
0x61: {  	s12 =	rddreg [dreg:$0x5]  }
0x62: {  	[tilespmem:s30], [sflag:$0x9] =	stream.linear.gather [spmem:s12], $0x400, $0x38;
	[tilespmem:$0xDE00] =	vst v63  }
0x63: {  	_ =	swait.ge [sflag:s21], $0x400  }
0x64: {  	[sflag:s21] =	ssyncset.done $0x0  }
0x65: {  	s10 =	simm.s32 $0x0;
	s13 =	simm.s32 $0x1900;
	[sflag:s21] =	ssyncadd.s32 $0xFFFFFC00  }
0x66: {  	[tilespmem:s13], [sflag:$0x3] =	stream.indirect.gather [spmem:s3], $0x1, s10, s22, $0xb8;
	[tilespmem:$0xDE00] =	vst v63  }
0x67: {  	_ = 	snop  }
0x68: {  	[tilespmem:s4], [sflag:$0x4] =	stream.indirect.gather [spmem:s3], $0x1, s22, s22, $0xb8;
	[tilespmem:$0xDE00] =	vst v63  }
0x69: {  	_ =	swait.ge [sflag:s0], $0x4000  }
0x6a: {  	[sflag:s0] =	ssyncset.done $0x0  }
0x6b: {  	[sflag:s0] =	ssyncadd.s32 $0xFFFFC000  }
0x6c: {  	_ =	swait.ge [sflag:s25], $0x80  }
0x6d: {  	[sflag:s25] =	ssyncset.done $0x0  }
0x6e: {  	[sflag:s25] =	ssyncadd.s32 $0xFFFFFF80  }
0x6f: {  	v11 =	vld [tilespmem:$0x1900];
	_ =	sdelay $0x4  }
0x70: {  	v10 =	vand.u32 $0x7FF, v11  }
0x71: {  	v63 =	vor.u32 $0x80000000, v10  }
0x72: {  	(xrf0) =	vmax.scan.msk.u32 $0xffff, v63;
	_ =	sdelay $0x5  }
0x73: {  	v12, _, _ =	vpop (xrf0)  }
0x74: {  	(v2sf) =	vpush v12, $0xF;
	_ =	sdelay $0xe  }
0x75: {  	s14 =	spop (v2sf)  }
0x76: {  	s9 =	sxor.u32 $0x80000000, s14  }
0x77: {  	p1 =	slt.s32 s9, $0x1  }
.Ltmp4:
0x78: {  	_ = 	snop;
	(pc) =	sbr.rel @p1 .LBB2_9-.Ltmp4, $1  }
0x79: {  	_ =	sdelay $0x3  }
0x7a: {  	v11 =	vshrl.u32 v11, $0xB  }
0x7b: {  	v12 =	vmov s10;
	v13 =	vadd.s32 s10, v11  }
0x7c: {  	vm1 =	vlt.u32 v12, v10;
	vm0 =	vlt.s32 v13, $0x3FF  }
0x7d: {  	p1 =	sne.s32 s9, $0x1;
	v12 =	vnsel vm0, $0x3FF, v13  }
.Ltmp5:
0x7e: {  	_ = 	snop;
	(pc) =	sbr.rel @!p1 .LBB2_8-.Ltmp5, $3  }
0x7f: {  	_ =	sdelay $0x1  }
0x80: {  	vm0 =	vmmov vm1  }
0x81: {  	s10 =	simm.s32 $0x1;
	v13 =	vld.idx.msk [tilespmem:v12+s29+$0x0], vm1  }
.LBB2_7:
0x82: {  	_ =	sdelay $0x3  }
0x83: {  	v14 =	vmov s10;
	v15 =	vadd.s32 s10, v11;
	s10 =	sadd.s32 $0x1, s10;
	v16 =	vld.idx.msk [tilespmem:v12+s30+$0x0], vm0  }
0x84: {  	vm1 =	vlt.u32 v14, v10;
	vm2 =	vlt.s32 v15, $0x3FF;
	p1 =	sne.s32 s9, s10;
	v13 =	vadd.s32 v0, v13  }
0x85: {  	v12 =	vnsel vm2, $0x3FF, v15  }
.Ltmp6:
0x86: {  	(pc) =	sbr.rel @p1 .LBB2_7-.Ltmp6, $3  }
0x87: {  	_ =	sdelay $0x1  }
0x88: {  	[tilespmem:v13+s23+$0x0] =	vst.idx.add.f32.msk vm0, v16;
	vm0 =	vmmov vm1  }
0x89: {  	v13 =	vld.idx.msk [tilespmem:v12+s29+$0x0], vm1  }
.LBB2_8:
0x8a: {  	_ =	sdelay $0x4  }
0x8b: {  	v10 =	vld.idx.msk [tilespmem:v12+s30+$0x0], vm0;
	v11 =	vadd.s32 v0, v13;
	_ =	sdelay $0x4  }
0x8c: {  	[tilespmem:v11+s23+$0x0] =	vst.idx.add.f32.msk vm0, v10  }
.LBB2_9:
0x8d: {  	v11 =	vld [tilespmem:$0x1910];
	_ =	sdelay $0x4  }
0x8e: {  	v10 =	vand.u32 $0x7FF, v11  }
0x8f: {  	v12 =	vor.u32 $0x80000000, v10  }
0x90: {  	(xrf0) =	vmax.scan.msk.u32 $0xffff, v12;
	_ =	sdelay $0x5  }
0x91: {  	v12, _, _ =	vpop (xrf0)  }
0x92: {  	(v2sf) =	vpush v12, $0xF;
	_ =	sdelay $0xe  }
0x93: {  	s9 =	spop (v2sf)  }
0x94: {  	s9 =	sxor.u32 $0x80000000, s9  }
0x95: {  	p1 =	slt.s32 s9, $0x1  }
.Ltmp7:
0x96: {  	_ = 	snop;
	(pc) =	sbr.rel @p1 .LBB2_13-.Ltmp7, $1  }
0x97: {  	_ =	sdelay $0x3  }
0x98: {  	v11 =	vshrl.u32 v11, $0xB;
	s10 =	simm.s32 $0x0  }
0x99: {  	v12 =	vmov s10;
	v13 =	vadd.s32 s10, v11  }
0x9a: {  	vm1 =	vlt.u32 v12, v10;
	vm0 =	vlt.s32 v13, $0x3FF  }
0x9b: {  	p1 =	sne.s32 s9, $0x1;
	v12 =	vnsel vm0, $0x3FF, v13  }
.Ltmp8:
0x9c: {  	_ = 	snop;
	(pc) =	sbr.rel @!p1 .LBB2_12-.Ltmp8, $3  }
0x9d: {  	_ =	sdelay $0x1  }
0x9e: {  	vm0 =	vmmov vm1  }
0x9f: {  	s10 =	simm.s32 $0x1;
	v13 =	vld.idx.msk [tilespmem:v12+s29+$0x0], vm1  }
.LBB2_11:
0xa0: {  	_ =	sdelay $0x3  }
0xa1: {  	v14 =	vmov s10;
	v15 =	vadd.s32 s10, v11;
	s10 =	sadd.s32 $0x1, s10;
	v16 =	vld.idx.msk [tilespmem:v12+s30+$0x0], vm0  }
0xa2: {  	vm1 =	vlt.u32 v14, v10;
	vm2 =	vlt.s32 v15, $0x3FF;
	p1 =	sne.s32 s9, s10;
	v13 =	vadd.s32 v3, v13  }
0xa3: {  	v12 =	vnsel vm2, $0x3FF, v15  }
.Ltmp9:
0xa4: {  	(pc) =	sbr.rel @p1 .LBB2_11-.Ltmp9, $3  }
0xa5: {  	_ =	sdelay $0x1  }
0xa6: {  	[tilespmem:v13+s23+$0x0] =	vst.idx.add.f32.msk vm0, v16;
	vm0 =	vmmov vm1  }
0xa7: {  	v13 =	vld.idx.msk [tilespmem:v12+s29+$0x0], vm1  }
.LBB2_12:
0xa8: {  	_ =	sdelay $0x4  }
0xa9: {  	v10 =	vld.idx.msk [tilespmem:v12+s30+$0x0], vm0;
	v11 =	vadd.s32 v3, v13;
	_ =	sdelay $0x4  }
0xaa: {  	[tilespmem:v11+s23+$0x0] =	vst.idx.add.f32.msk vm0, v10  }
.LBB2_13:
0xab: {  	v11 =	vld [tilespmem:$0x1920];
	_ =	sdelay $0x4  }
0xac: {  	v10 =	vand.u32 $0x7FF, v11  }
0xad: {  	v12 =	vor.u32 $0x80000000, v10  }
0xae: {  	(xrf0) =	vmax.scan.msk.u32 $0xffff, v12;
	_ =	sdelay $0x5  }
0xaf: {  	v12, _, _ =	vpop (xrf0)  }
0xb0: {  	(v2sf) =	vpush v12, $0xF;
	_ =	sdelay $0xe  }
0xb1: {  	s9 =	spop (v2sf)  }
0xb2: {  	s9 =	sxor.u32 $0x80000000, s9  }
0xb3: {  	p1 =	slt.s32 s9, $0x1  }
.Ltmp10:
0xb4: {  	_ = 	snop;
	(pc) =	sbr.rel @p1 .LBB2_17-.Ltmp10, $1  }
0xb5: {  	_ =	sdelay $0x3  }
0xb6: {  	v11 =	vshrl.u32 v11, $0xB;
	s10 =	simm.s32 $0x0  }
0xb7: {  	v12 =	vmov s10;
	v13 =	vadd.s32 s10, v11  }
0xb8: {  	vm1 =	vlt.u32 v12, v10;
	vm0 =	vlt.s32 v13, $0x3FF  }
0xb9: {  	p1 =	sne.s32 s9, $0x1;
	v12 =	vnsel vm0, $0x3FF, v13  }
.Ltmp11:
0xba: {  	_ = 	snop;
	(pc) =	sbr.rel @!p1 .LBB2_16-.Ltmp11, $3  }
0xbb: {  	_ =	sdelay $0x1  }
0xbc: {  	vm0 =	vmmov vm1  }
0xbd: {  	s10 =	simm.s32 $0x1;
	v13 =	vld.idx.msk [tilespmem:v12+s29+$0x0], vm1  }
.LBB2_15:
0xbe: {  	_ =	sdelay $0x3  }
0xbf: {  	v14 =	vmov s10;
	v15 =	vadd.s32 s10, v11;
	s10 =	sadd.s32 $0x1, s10;
	v16 =	vld.idx.msk [tilespmem:v12+s30+$0x0], vm0  }
0xc0: {  	vm1 =	vlt.u32 v14, v10;
	vm2 =	vlt.s32 v15, $0x3FF;
	p1 =	sne.s32 s9, s10;
	v13 =	vadd.s32 v4, v13  }
0xc1: {  	v12 =	vnsel vm2, $0x3FF, v15  }
.Ltmp12:
0xc2: {  	(pc) =	sbr.rel @p1 .LBB2_15-.Ltmp12, $3  }
0xc3: {  	_ =	sdelay $0x1  }
0xc4: {  	[tilespmem:v13+s23+$0x0] =	vst.idx.add.f32.msk vm0, v16;
	vm0 =	vmmov vm1  }
0xc5: {  	v13 =	vld.idx.msk [tilespmem:v12+s29+$0x0], vm1  }
.LBB2_16:
0xc6: {  	_ =	sdelay $0x4  }
0xc7: {  	v10 =	vld.idx.msk [tilespmem:v12+s30+$0x0], vm0;
	v11 =	vadd.s32 v4, v13;
	_ =	sdelay $0x4  }
0xc8: {  	[tilespmem:v11+s23+$0x0] =	vst.idx.add.f32.msk vm0, v10  }
.LBB2_17:
0xc9: {  	v11 =	vld [tilespmem:$0x1930];
	_ =	sdelay $0x4  }
0xca: {  	v10 =	vand.u32 $0x7FF, v11  }
0xcb: {  	v12 =	vor.u32 $0x80000000, v10  }
0xcc: {  	(xrf0) =	vmax.scan.msk.u32 $0xffff, v12;
	_ =	sdelay $0x5  }
0xcd: {  	v12, _, _ =	vpop (xrf0)  }
0xce: {  	(v2sf) =	vpush v12, $0xF;
	_ =	sdelay $0xe  }
0xcf: {  	s9 =	spop (v2sf)  }
0xd0: {  	s9 =	sxor.u32 $0x80000000, s9  }
0xd1: {  	p1 =	slt.s32 s9, $0x1  }
.Ltmp13:
0xd2: {  	_ = 	snop;
	(pc) =	sbr.rel @p1 .LBB2_21-.Ltmp13, $1  }
0xd3: {  	_ =	sdelay $0x3  }
0xd4: {  	v11 =	vshrl.u32 v11, $0xB;
	s10 =	simm.s32 $0x0  }
0xd5: {  	v12 =	vmov s10;
	v13 =	vadd.s32 s10, v11  }
0xd6: {  	vm1 =	vlt.u32 v12, v10;
	vm0 =	vlt.s32 v13, $0x3FF  }
0xd7: {  	p1 =	sne.s32 s9, $0x1;
	v12 =	vnsel vm0, $0x3FF, v13  }
.Ltmp14:
0xd8: {  	_ = 	snop;
	(pc) =	sbr.rel @!p1 .LBB2_20-.Ltmp14, $3  }
0xd9: {  	_ =	sdelay $0x1  }
0xda: {  	vm0 =	vmmov vm1  }
0xdb: {  	s10 =	simm.s32 $0x1;
	v13 =	vld.idx.msk [tilespmem:v12+s29+$0x0], vm1  }
.LBB2_19:
0xdc: {  	_ =	sdelay $0x3  }
0xdd: {  	v14 =	vmov s10;
	v15 =	vadd.s32 s10, v11;
	s10 =	sadd.s32 $0x1, s10;
	v16 =	vld.idx.msk [tilespmem:v12+s30+$0x0], vm0  }
0xde: {  	vm1 =	vlt.u32 v14, v10;
	vm2 =	vlt.s32 v15, $0x3FF;
	p1 =	sne.s32 s9, s10;
	v13 =	vadd.s32 v5, v13  }
0xdf: {  	v12 =	vnsel vm2, $0x3FF, v15  }
.Ltmp15:
0xe0: {  	(pc) =	sbr.rel @p1 .LBB2_19-.Ltmp15, $3  }
0xe1: {  	_ =	sdelay $0x1  }
0xe2: {  	[tilespmem:v13+s23+$0x0] =	vst.idx.add.f32.msk vm0, v16;
	vm0 =	vmmov vm1  }
0xe3: {  	v13 =	vld.idx.msk [tilespmem:v12+s29+$0x0], vm1  }
.LBB2_20:
0xe4: {  	_ =	sdelay $0x4  }
0xe5: {  	v10 =	vld.idx.msk [tilespmem:v12+s30+$0x0], vm0;
	v11 =	vadd.s32 v5, v13;
	_ =	sdelay $0x4  }
0xe6: {  	[tilespmem:v11+s23+$0x0] =	vst.idx.add.f32.msk vm0, v10  }
.LBB2_21:
0xe7: {  	v11 =	vld [tilespmem:$0x1940];
	_ =	sdelay $0x4  }
0xe8: {  	v10 =	vand.u32 $0x7FF, v11  }
0xe9: {  	v12 =	vor.u32 $0x80000000, v10  }
0xea: {  	(xrf0) =	vmax.scan.msk.u32 $0xffff, v12;
	_ =	sdelay $0x5  }
0xeb: {  	v12, _, _ =	vpop (xrf0)  }
0xec: {  	(v2sf) =	vpush v12, $0xF;
	_ =	sdelay $0xe  }
0xed: {  	s9 =	spop (v2sf)  }
0xee: {  	s9 =	sxor.u32 $0x80000000, s9  }
0xef: {  	p1 =	slt.s32 s9, $0x1  }
.Ltmp16:
0xf0: {  	_ = 	snop;
	(pc) =	sbr.rel @p1 .LBB2_25-.Ltmp16, $1  }
0xf1: {  	_ =	sdelay $0x3  }
0xf2: {  	v11 =	vshrl.u32 v11, $0xB;
	s10 =	simm.s32 $0x0  }
0xf3: {  	v12 =	vmov s10;
	v13 =	vadd.s32 s10, v11  }
0xf4: {  	vm1 =	vlt.u32 v12, v10;
	vm0 =	vlt.s32 v13, $0x3FF  }
0xf5: {  	p1 =	sne.s32 s9, $0x1;
	v12 =	vnsel vm0, $0x3FF, v13  }
.Ltmp17:
0xf6: {  	_ = 	snop;
	(pc) =	sbr.rel @!p1 .LBB2_24-.Ltmp17, $3  }
0xf7: {  	_ =	sdelay $0x1  }
0xf8: {  	vm0 =	vmmov vm1  }
0xf9: {  	s10 =	simm.s32 $0x1;
	v13 =	vld.idx.msk [tilespmem:v12+s29+$0x0], vm1  }
.LBB2_23:
0xfa: {  	_ =	sdelay $0x3  }
0xfb: {  	v14 =	vmov s10;
	v15 =	vadd.s32 s10, v11;
	s10 =	sadd.s32 $0x1, s10;
	v16 =	vld.idx.msk [tilespmem:v12+s30+$0x0], vm0  }
0xfc: {  	vm1 =	vlt.u32 v14, v10;
	vm2 =	vlt.s32 v15, $0x3FF;
	p1 =	sne.s32 s9, s10;
	v13 =	vadd.s32 v6, v13  }
0xfd: {  	v12 =	vnsel vm2, $0x3FF, v15  }
.Ltmp18:
0xfe: {  	(pc) =	sbr.rel @p1 .LBB2_23-.Ltmp18, $3  }
0xff: {  	_ =	sdelay $0x1  }
0x100: {  	[tilespmem:v13+s23+$0x0] =	vst.idx.add.f32.msk vm0, v16;
	vm0 =	vmmov vm1  }
0x101: {  	v13 =	vld.idx.msk [tilespmem:v12+s29+$0x0], vm1  }
.LBB2_24:
0x102: {  	_ =	sdelay $0x4  }
0x103: {  	v10 =	vld.idx.msk [tilespmem:v12+s30+$0x0], vm0;
	v11 =	vadd.s32 v6, v13;
	_ =	sdelay $0x4  }
0x104: {  	[tilespmem:v11+s23+$0x0] =	vst.idx.add.f32.msk vm0, v10  }
.LBB2_25:
0x105: {  	v11 =	vld [tilespmem:$0x1950];
	_ =	sdelay $0x4  }
0x106: {  	v10 =	vand.u32 $0x7FF, v11  }
0x107: {  	v12 =	vor.u32 $0x80000000, v10  }
0x108: {  	(xrf0) =	vmax.scan.msk.u32 $0xffff, v12;
	_ =	sdelay $0x5  }
0x109: {  	v12, _, _ =	vpop (xrf0)  }
0x10a: {  	(v2sf) =	vpush v12, $0xF;
	_ =	sdelay $0xe  }
0x10b: {  	s9 =	spop (v2sf)  }
0x10c: {  	s9 =	sxor.u32 $0x80000000, s9  }
0x10d: {  	p1 =	slt.s32 s9, $0x1  }
.Ltmp19:
0x10e: {  	_ = 	snop;
	(pc) =	sbr.rel @p1 .LBB2_29-.Ltmp19, $1  }
0x10f: {  	_ =	sdelay $0x3  }
0x110: {  	v11 =	vshrl.u32 v11, $0xB;
	s10 =	simm.s32 $0x0  }
0x111: {  	v12 =	vmov s10;
	v13 =	vadd.s32 s10, v11  }
0x112: {  	vm1 =	vlt.u32 v12, v10;
	vm0 =	vlt.s32 v13, $0x3FF  }
0x113: {  	p1 =	sne.s32 s9, $0x1;
	v12 =	vnsel vm0, $0x3FF, v13  }
.Ltmp20:
0x114: {  	_ = 	snop;
	(pc) =	sbr.rel @!p1 .LBB2_28-.Ltmp20, $3  }
0x115: {  	_ =	sdelay $0x1  }
0x116: {  	vm0 =	vmmov vm1  }
0x117: {  	s10 =	simm.s32 $0x1;
	v13 =	vld.idx.msk [tilespmem:v12+s29+$0x0], vm1  }
.LBB2_27:
0x118: {  	_ =	sdelay $0x3  }
0x119: {  	v14 =	vmov s10;
	v15 =	vadd.s32 s10, v11;
	s10 =	sadd.s32 $0x1, s10;
	v16 =	vld.idx.msk [tilespmem:v12+s30+$0x0], vm0  }
0x11a: {  	vm1 =	vlt.u32 v14, v10;
	vm2 =	vlt.s32 v15, $0x3FF;
	p1 =	sne.s32 s9, s10;
	v13 =	vadd.s32 v7, v13  }
0x11b: {  	v12 =	vnsel vm2, $0x3FF, v15  }
.Ltmp21:
0x11c: {  	(pc) =	sbr.rel @p1 .LBB2_27-.Ltmp21, $3  }
0x11d: {  	_ =	sdelay $0x1  }
0x11e: {  	[tilespmem:v13+s23+$0x0] =	vst.idx.add.f32.msk vm0, v16;
	vm0 =	vmmov vm1  }
0x11f: {  	v13 =	vld.idx.msk [tilespmem:v12+s29+$0x0], vm1  }
.LBB2_28:
0x120: {  	_ =	sdelay $0x4  }
0x121: {  	v10 =	vld.idx.msk [tilespmem:v12+s30+$0x0], vm0;
	v11 =	vadd.s32 v7, v13;
	_ =	sdelay $0x4  }
0x122: {  	[tilespmem:v11+s23+$0x0] =	vst.idx.add.f32.msk vm0, v10  }
.LBB2_29:
0x123: {  	v11 =	vld [tilespmem:$0x1960];
	_ =	sdelay $0x4  }
0x124: {  	v10 =	vand.u32 $0x7FF, v11  }
0x125: {  	v12 =	vor.u32 $0x80000000, v10  }
0x126: {  	(xrf0) =	vmax.scan.msk.u32 $0xffff, v12;
	_ =	sdelay $0x5  }
0x127: {  	v12, _, _ =	vpop (xrf0)  }
0x128: {  	(v2sf) =	vpush v12, $0xF;
	_ =	sdelay $0xe  }
0x129: {  	s9 =	spop (v2sf)  }
0x12a: {  	s9 =	sxor.u32 $0x80000000, s9  }
0x12b: {  	p1 =	slt.s32 s9, $0x1  }
.Ltmp22:
0x12c: {  	_ = 	snop;
	(pc) =	sbr.rel @p1 .LBB2_33-.Ltmp22, $1  }
0x12d: {  	_ =	sdelay $0x3  }
0x12e: {  	v11 =	vshrl.u32 v11, $0xB;
	s10 =	simm.s32 $0x0  }
0x12f: {  	v12 =	vmov s10;
	v13 =	vadd.s32 s10, v11  }
0x130: {  	vm1 =	vlt.u32 v12, v10;
	vm0 =	vlt.s32 v13, $0x3FF  }
0x131: {  	p1 =	sne.s32 s9, $0x1;
	v12 =	vnsel vm0, $0x3FF, v13  }
.Ltmp23:
0x132: {  	_ = 	snop;
	(pc) =	sbr.rel @!p1 .LBB2_32-.Ltmp23, $3  }
0x133: {  	_ =	sdelay $0x1  }
0x134: {  	vm0 =	vmmov vm1  }
0x135: {  	s10 =	simm.s32 $0x1;
	v13 =	vld.idx.msk [tilespmem:v12+s29+$0x0], vm1  }
.LBB2_31:
0x136: {  	_ =	sdelay $0x3  }
0x137: {  	v14 =	vmov s10;
	v15 =	vadd.s32 s10, v11;
	s10 =	sadd.s32 $0x1, s10;
	v16 =	vld.idx.msk [tilespmem:v12+s30+$0x0], vm0  }
0x138: {  	vm1 =	vlt.u32 v14, v10;
	vm2 =	vlt.s32 v15, $0x3FF;
	p1 =	sne.s32 s9, s10;
	v13 =	vadd.s32 v8, v13  }
0x139: {  	v12 =	vnsel vm2, $0x3FF, v15  }
.Ltmp24:
0x13a: {  	(pc) =	sbr.rel @p1 .LBB2_31-.Ltmp24, $3  }
0x13b: {  	_ =	sdelay $0x1  }
0x13c: {  	[tilespmem:v13+s23+$0x0] =	vst.idx.add.f32.msk vm0, v16;
	vm0 =	vmmov vm1  }
0x13d: {  	v13 =	vld.idx.msk [tilespmem:v12+s29+$0x0], vm1  }
.LBB2_32:
0x13e: {  	_ =	sdelay $0x4  }
0x13f: {  	v10 =	vld.idx.msk [tilespmem:v12+s30+$0x0], vm0;
	v11 =	vadd.s32 v8, v13;
	_ =	sdelay $0x4  }
0x140: {  	[tilespmem:v11+s23+$0x0] =	vst.idx.add.f32.msk vm0, v10  }
.LBB2_33:
0x141: {  	v11 =	vld [tilespmem:$0x1970];
	_ =	sdelay $0x4  }
0x142: {  	v10 =	vand.u32 $0x7FF, v11  }
0x143: {  	v12 =	vor.u32 $0x80000000, v10  }
0x144: {  	(xrf0) =	vmax.scan.msk.u32 $0xffff, v12;
	_ =	sdelay $0x5  }
0x145: {  	v12, _, _ =	vpop (xrf0)  }
0x146: {  	(v2sf) =	vpush v12, $0xF;
	_ =	sdelay $0xe  }
0x147: {  	s9 =	spop (v2sf)  }
0x148: {  	s9 =	sxor.u32 $0x80000000, s9  }
0x149: {  	p1 =	slt.s32 s9, $0x1  }
.Ltmp25:
0x14a: {  	_ = 	snop;
	(pc) =	sbr.rel @p1 .LBB2_37-.Ltmp25, $1  }
0x14b: {  	_ =	sdelay $0x3  }
0x14c: {  	v11 =	vshrl.u32 v11, $0xB;
	s10 =	simm.s32 $0x0  }
0x14d: {  	v12 =	vmov s10;
	v13 =	vadd.s32 s10, v11  }
0x14e: {  	vm1 =	vlt.u32 v12, v10;
	vm0 =	vlt.s32 v13, $0x3FF  }
0x14f: {  	p1 =	sne.s32 s9, $0x1;
	v12 =	vnsel vm0, $0x3FF, v13  }
.Ltmp26:
0x150: {  	_ = 	snop;
	(pc) =	sbr.rel @!p1 .LBB2_36-.Ltmp26, $3  }
0x151: {  	_ =	sdelay $0x1  }
0x152: {  	vm0 =	vmmov vm1  }
0x153: {  	s10 =	simm.s32 $0x1;
	v13 =	vld.idx.msk [tilespmem:v12+s29+$0x0], vm1  }
.LBB2_35:
0x154: {  	_ =	sdelay $0x3  }
0x155: {  	v14 =	vmov s10;
	v15 =	vadd.s32 s10, v11;
	s10 =	sadd.s32 $0x1, s10;
	v16 =	vld.idx.msk [tilespmem:v12+s30+$0x0], vm0  }
0x156: {  	vm1 =	vlt.u32 v14, v10;
	vm2 =	vlt.s32 v15, $0x3FF;
	p1 =	sne.s32 s9, s10;
	v13 =	vadd.s32 v9, v13  }
0x157: {  	v12 =	vnsel vm2, $0x3FF, v15  }
.Ltmp27:
0x158: {  	(pc) =	sbr.rel @p1 .LBB2_35-.Ltmp27, $3  }
0x159: {  	_ =	sdelay $0x1  }
0x15a: {  	[tilespmem:v13+s23+$0x0] =	vst.idx.add.f32.msk vm0, v16;
	vm0 =	vmmov vm1  }
0x15b: {  	v13 =	vld.idx.msk [tilespmem:v12+s29+$0x0], vm1  }
.LBB2_36:
0x15c: {  	_ =	sdelay $0x4  }
0x15d: {  	v10 =	vld.idx.msk [tilespmem:v12+s30+$0x0], vm0;
	v11 =	vadd.s32 v9, v13;
	_ =	sdelay $0x4  }
0x15e: {  	[tilespmem:v11+s23+$0x0] =	vst.idx.add.f32.msk vm0, v10  }
.LBB2_37:
.Ltmp28:
0x15f: {  	(pc) =	sbr.rel .LBB2_38-.Ltmp28, $3  }
0x160: {  	_ =	sdelay $0x1  }
0x161: {  	[hbm4b:s18+s7] =	stream.linear.scatter [tilespmem:s23], [sflag:$0x5], $0x4000, $0x38;
	[tilespmem:$0xDE00] =	vst v63  }
0x162: {  	s9 =	simm.s32 $0x1  }
.LBB2_102:
0x163: {  	_ =	sdelay $0x4  }
0x164: {  	v10 =	vld.idx.msk [tilespmem:v12+s30+$0x0], vm0;
	v11 =	vadd.s32 v9, v13;
	_ =	sdelay $0x4  }
0x165: {  	[tilespmem:v11+s23+$0x0] =	vst.idx.add.f32.msk vm0, v10  }
.LBB2_103:
0x166: {  	s10 =	sadd.s32 s15, s10  }
0x167: {  	s10 =	sshrl.u32 s10, $0x3  }
0x168: {  	s9 =	sadd.s32 $0x1, s9;
	s10 =	sadd.s32 s2, s10  }
0x169: {  	[hbm4b:s10+s7] =	stream.linear.scatter [tilespmem:s23], [sflag:$0x5], $0x4000, $0x38;
	[tilespmem:$0xDE00] =	vst v63  }
.LBB2_38:
0x16a: {  	p1 =	seq.s32 s9, $0x19  }
0x16b: {  	s10 =	simm.s32 @!p1 $0x5  }
0x16c: {  	_ =	swait.ge @!p1 [sflag:s10], $0x4000  }
0x16d: {  	[sflag:s10] =	ssyncset.done @!p1 $0x0  }
0x16e: {  	[sflag:s10] =	ssyncadd.s32 @!p1 $0xFFFFC000;
	s10 =	sshll.u32 @!p1 s9, $0x8  }
0x16f: {  	s11 =	simm.s32 @!p1 $0x80;
	s12 =	simm.s32 @!p1 $0x1A00;
	s10 =	sand.u32 @!p1 $0x3FFFFF00, s10  }
0x170: {  	[tilespmem:s12], [sflag:$0x1] =	stream.indirect.gather @!p1 [hbm4b:s1+s11], $0x80, s10, s11, $0xb8;
	[tilespmem:$0xDE00] =	vst v63  }
0x171: {  	s12 =	simm.s32 @!p1 $0x1900  }
0x172: {  	[tilespmem:s12], [sflag:$0x3] =	stream.indirect.gather @!p1 [spmem:s3], $0x1, s10, s11, $0xb8;
	[tilespmem:$0xDE00] =	vst v63  }
0x173: {  	_ =	swait.ge [sflag:s26], $0x4000  }
0x174: {  	[sflag:s26] =	ssyncset.done $0x0  }
0x175: {  	[sflag:s26] =	ssyncadd.s32 $0xFFFFC000  }
0x176: {  	_ =	swait.ge [sflag:s5], $0x80  }
0x177: {  	[sflag:s5] =	ssyncset.done $0x0  }
0x178: {  	[sflag:s5] =	ssyncadd.s32 $0xFFFFFF80  }
0x179: {  	v11 =	vld [tilespmem:$0x1980];
	_ =	sdelay $0x4  }
0x17a: {  	v10 =	vand.u32 $0x7FF, v11  }
0x17b: {  	v12 =	vor.u32 $0x80000000, v10  }
0x17c: {  	(xrf0) =	vmax.scan.msk.u32 $0xffff, v12;
	_ =	sdelay $0x5  }
0x17d: {  	v12, _, _ =	vpop (xrf0)  }
0x17e: {  	(v2sf) =	vpush v12, $0xF;
	_ =	sdelay $0xe  }
0x17f: {  	s14 =	spop (v2sf)  }
0x180: {  	s10 =	sxor.u32 $0x80000000, s14  }
0x181: {  	p2 =	slt.s32 s10, $0x1  }
.Ltmp29:
0x182: {  	_ = 	snop;
	(pc) =	sbr.rel @p2 .LBB2_42-.Ltmp29, $1  }
0x183: {  	_ =	sdelay $0x3  }
0x184: {  	v11 =	vshrl.u32 v11, $0xB;
	s11 =	simm.s32 $0x0  }
0x185: {  	v12 =	vmov s11;
	v13 =	vadd.s32 s11, v11  }
0x186: {  	vm1 =	vlt.u32 v12, v10;
	vm0 =	vlt.s32 v13, $0x3FF  }
0x187: {  	p2 =	sne.s32 s10, $0x1;
	v12 =	vnsel vm0, $0x3FF, v13  }
.Ltmp30:
0x188: {  	_ = 	snop;
	(pc) =	sbr.rel @!p2 .LBB2_41-.Ltmp30, $3  }
0x189: {  	_ =	sdelay $0x1  }
0x18a: {  	vm0 =	vmmov vm1  }
0x18b: {  	s11 =	simm.s32 $0x1;
	v13 =	vld.idx.msk [tilespmem:v12+s29+$0x0], vm1  }
.LBB2_40:
0x18c: {  	_ =	sdelay $0x3  }
0x18d: {  	v14 =	vmov s11;
	v15 =	vadd.s32 s11, v11;
	s11 =	sadd.s32 $0x1, s11;
	v16 =	vld.idx.msk [tilespmem:v12+s30+$0x0], vm0  }
0x18e: {  	vm1 =	vlt.u32 v14, v10;
	vm2 =	vlt.s32 v15, $0x3FF;
	p2 =	sne.s32 s10, s11;
	v13 =	vadd.s32 v0, v13  }
0x18f: {  	v12 =	vnsel vm2, $0x3FF, v15  }
.Ltmp31:
0x190: {  	(pc) =	sbr.rel @p2 .LBB2_40-.Ltmp31, $3  }
0x191: {  	_ =	sdelay $0x1  }
0x192: {  	[tilespmem:v13+s24+$0x0] =	vst.idx.add.f32.msk vm0, v16;
	vm0 =	vmmov vm1  }
0x193: {  	v13 =	vld.idx.msk [tilespmem:v12+s29+$0x0], vm1  }
.LBB2_41:
0x194: {  	_ =	sdelay $0x4  }
0x195: {  	v10 =	vld.idx.msk [tilespmem:v12+s30+$0x0], vm0;
	v11 =	vadd.s32 v0, v13;
	_ =	sdelay $0x4  }
0x196: {  	[tilespmem:v11+s24+$0x0] =	vst.idx.add.f32.msk vm0, v10  }
.LBB2_42:
0x197: {  	v11 =	vld [tilespmem:$0x1990];
	_ =	sdelay $0x4  }
0x198: {  	v10 =	vand.u32 $0x7FF, v11  }
0x199: {  	v12 =	vor.u32 $0x80000000, v10  }
0x19a: {  	(xrf0) =	vmax.scan.msk.u32 $0xffff, v12;
	_ =	sdelay $0x5  }
0x19b: {  	v12, _, _ =	vpop (xrf0)  }
0x19c: {  	(v2sf) =	vpush v12, $0xF;
	_ =	sdelay $0xe  }
0x19d: {  	s10 =	spop (v2sf)  }
0x19e: {  	s10 =	sxor.u32 $0x80000000, s10  }
0x19f: {  	p2 =	slt.s32 s10, $0x1  }
.Ltmp32:
0x1a0: {  	_ = 	snop;
	(pc) =	sbr.rel @p2 .LBB2_46-.Ltmp32, $1  }
0x1a1: {  	_ =	sdelay $0x3  }
0x1a2: {  	v11 =	vshrl.u32 v11, $0xB;
	s11 =	simm.s32 $0x0  }
0x1a3: {  	v12 =	vmov s11;
	v13 =	vadd.s32 s11, v11  }
0x1a4: {  	vm1 =	vlt.u32 v12, v10;
	vm0 =	vlt.s32 v13, $0x3FF  }
0x1a5: {  	p2 =	sne.s32 s10, $0x1;
	v12 =	vnsel vm0, $0x3FF, v13  }
.Ltmp33:
0x1a6: {  	_ = 	snop;
	(pc) =	sbr.rel @!p2 .LBB2_45-.Ltmp33, $3  }
0x1a7: {  	_ =	sdelay $0x1  }
0x1a8: {  	vm0 =	vmmov vm1  }
0x1a9: {  	s11 =	simm.s32 $0x1;
	v13 =	vld.idx.msk [tilespmem:v12+s29+$0x0], vm1  }
.LBB2_44:
0x1aa: {  	_ =	sdelay $0x3  }
0x1ab: {  	v14 =	vmov s11;
	v15 =	vadd.s32 s11, v11;
	s11 =	sadd.s32 $0x1, s11;
	v16 =	vld.idx.msk [tilespmem:v12+s30+$0x0], vm0  }
0x1ac: {  	vm1 =	vlt.u32 v14, v10;
	vm2 =	vlt.s32 v15, $0x3FF;
	p2 =	sne.s32 s10, s11;
	v13 =	vadd.s32 v3, v13  }
0x1ad: {  	v12 =	vnsel vm2, $0x3FF, v15  }
.Ltmp34:
0x1ae: {  	(pc) =	sbr.rel @p2 .LBB2_44-.Ltmp34, $3  }
0x1af: {  	_ =	sdelay $0x1  }
0x1b0: {  	[tilespmem:v13+s24+$0x0] =	vst.idx.add.f32.msk vm0, v16;
	vm0 =	vmmov vm1  }
0x1b1: {  	v13 =	vld.idx.msk [tilespmem:v12+s29+$0x0], vm1  }
.LBB2_45:
0x1b2: {  	_ =	sdelay $0x4  }
0x1b3: {  	v10 =	vld.idx.msk [tilespmem:v12+s30+$0x0], vm0;
	v11 =	vadd.s32 v3, v13;
	_ =	sdelay $0x4  }
0x1b4: {  	[tilespmem:v11+s24+$0x0] =	vst.idx.add.f32.msk vm0, v10  }
.LBB2_46:
0x1b5: {  	v11 =	vld [tilespmem:$0x19A0];
	_ =	sdelay $0x4  }
0x1b6: {  	v10 =	vand.u32 $0x7FF, v11  }
0x1b7: {  	v12 =	vor.u32 $0x80000000, v10  }
0x1b8: {  	(xrf0) =	vmax.scan.msk.u32 $0xffff, v12;
	_ =	sdelay $0x5  }
0x1b9: {  	v12, _, _ =	vpop (xrf0)  }
0x1ba: {  	(v2sf) =	vpush v12, $0xF;
	_ =	sdelay $0xe  }
0x1bb: {  	s10 =	spop (v2sf)  }
0x1bc: {  	s10 =	sxor.u32 $0x80000000, s10  }
0x1bd: {  	p2 =	slt.s32 s10, $0x1  }
.Ltmp35:
0x1be: {  	_ = 	snop;
	(pc) =	sbr.rel @p2 .LBB2_50-.Ltmp35, $1  }
0x1bf: {  	_ =	sdelay $0x3  }
0x1c0: {  	v11 =	vshrl.u32 v11, $0xB;
	s11 =	simm.s32 $0x0  }
0x1c1: {  	v12 =	vmov s11;
	v13 =	vadd.s32 s11, v11  }
0x1c2: {  	vm1 =	vlt.u32 v12, v10;
	vm0 =	vlt.s32 v13, $0x3FF  }
0x1c3: {  	p2 =	sne.s32 s10, $0x1;
	v12 =	vnsel vm0, $0x3FF, v13  }
.Ltmp36:
0x1c4: {  	_ = 	snop;
	(pc) =	sbr.rel @!p2 .LBB2_49-.Ltmp36, $3  }
0x1c5: {  	_ =	sdelay $0x1  }
0x1c6: {  	vm0 =	vmmov vm1  }
0x1c7: {  	s11 =	simm.s32 $0x1;
	v13 =	vld.idx.msk [tilespmem:v12+s29+$0x0], vm1  }
.LBB2_48:
0x1c8: {  	_ =	sdelay $0x3  }
0x1c9: {  	v14 =	vmov s11;
	v15 =	vadd.s32 s11, v11;
	s11 =	sadd.s32 $0x1, s11;
	v16 =	vld.idx.msk [tilespmem:v12+s30+$0x0], vm0  }
0x1ca: {  	vm1 =	vlt.u32 v14, v10;
	vm2 =	vlt.s32 v15, $0x3FF;
	p2 =	sne.s32 s10, s11;
	v13 =	vadd.s32 v4, v13  }
0x1cb: {  	v12 =	vnsel vm2, $0x3FF, v15  }
.Ltmp37:
0x1cc: {  	(pc) =	sbr.rel @p2 .LBB2_48-.Ltmp37, $3  }
0x1cd: {  	_ =	sdelay $0x1  }
0x1ce: {  	[tilespmem:v13+s24+$0x0] =	vst.idx.add.f32.msk vm0, v16;
	vm0 =	vmmov vm1  }
0x1cf: {  	v13 =	vld.idx.msk [tilespmem:v12+s29+$0x0], vm1  }
.LBB2_49:
0x1d0: {  	_ =	sdelay $0x4  }
0x1d1: {  	v10 =	vld.idx.msk [tilespmem:v12+s30+$0x0], vm0;
	v11 =	vadd.s32 v4, v13;
	_ =	sdelay $0x4  }
0x1d2: {  	[tilespmem:v11+s24+$0x0] =	vst.idx.add.f32.msk vm0, v10  }
.LBB2_50:
0x1d3: {  	v11 =	vld [tilespmem:$0x19B0];
	_ =	sdelay $0x4  }
0x1d4: {  	v10 =	vand.u32 $0x7FF, v11  }
0x1d5: {  	v12 =	vor.u32 $0x80000000, v10  }
0x1d6: {  	(xrf0) =	vmax.scan.msk.u32 $0xffff, v12;
	_ =	sdelay $0x5  }
0x1d7: {  	v12, _, _ =	vpop (xrf0)  }
0x1d8: {  	(v2sf) =	vpush v12, $0xF;
	_ =	sdelay $0xe  }
0x1d9: {  	s10 =	spop (v2sf)  }
0x1da: {  	s10 =	sxor.u32 $0x80000000, s10  }
0x1db: {  	p2 =	slt.s32 s10, $0x1  }
.Ltmp38:
0x1dc: {  	_ = 	snop;
	(pc) =	sbr.rel @p2 .LBB2_54-.Ltmp38, $1  }
0x1dd: {  	_ =	sdelay $0x3  }
0x1de: {  	v11 =	vshrl.u32 v11, $0xB;
	s11 =	simm.s32 $0x0  }
0x1df: {  	v12 =	vmov s11;
	v13 =	vadd.s32 s11, v11  }
0x1e0: {  	vm1 =	vlt.u32 v12, v10;
	vm0 =	vlt.s32 v13, $0x3FF  }
0x1e1: {  	p2 =	sne.s32 s10, $0x1;
	v12 =	vnsel vm0, $0x3FF, v13  }
.Ltmp39:
0x1e2: {  	_ = 	snop;
	(pc) =	sbr.rel @!p2 .LBB2_53-.Ltmp39, $3  }
0x1e3: {  	_ =	sdelay $0x1  }
0x1e4: {  	vm0 =	vmmov vm1  }
0x1e5: {  	s11 =	simm.s32 $0x1;
	v13 =	vld.idx.msk [tilespmem:v12+s29+$0x0], vm1  }
.LBB2_52:
0x1e6: {  	_ =	sdelay $0x3  }
0x1e7: {  	v14 =	vmov s11;
	v15 =	vadd.s32 s11, v11;
	s11 =	sadd.s32 $0x1, s11;
	v16 =	vld.idx.msk [tilespmem:v12+s30+$0x0], vm0  }
0x1e8: {  	vm1 =	vlt.u32 v14, v10;
	vm2 =	vlt.s32 v15, $0x3FF;
	p2 =	sne.s32 s10, s11;
	v13 =	vadd.s32 v5, v13  }
0x1e9: {  	v12 =	vnsel vm2, $0x3FF, v15  }
.Ltmp40:
0x1ea: {  	(pc) =	sbr.rel @p2 .LBB2_52-.Ltmp40, $3  }
0x1eb: {  	_ =	sdelay $0x1  }
0x1ec: {  	[tilespmem:v13+s24+$0x0] =	vst.idx.add.f32.msk vm0, v16;
	vm0 =	vmmov vm1  }
0x1ed: {  	v13 =	vld.idx.msk [tilespmem:v12+s29+$0x0], vm1  }
.LBB2_53:
0x1ee: {  	_ =	sdelay $0x4  }
0x1ef: {  	v10 =	vld.idx.msk [tilespmem:v12+s30+$0x0], vm0;
	v11 =	vadd.s32 v5, v13;
	_ =	sdelay $0x4  }
0x1f0: {  	[tilespmem:v11+s24+$0x0] =	vst.idx.add.f32.msk vm0, v10  }
.LBB2_54:
0x1f1: {  	v11 =	vld [tilespmem:$0x19C0];
	_ =	sdelay $0x4  }
0x1f2: {  	v10 =	vand.u32 $0x7FF, v11  }
0x1f3: {  	v12 =	vor.u32 $0x80000000, v10  }
0x1f4: {  	(xrf0) =	vmax.scan.msk.u32 $0xffff, v12;
	_ =	sdelay $0x5  }
0x1f5: {  	v12, _, _ =	vpop (xrf0)  }
0x1f6: {  	(v2sf) =	vpush v12, $0xF;
	_ =	sdelay $0xe  }
0x1f7: {  	s10 =	spop (v2sf)  }
0x1f8: {  	s10 =	sxor.u32 $0x80000000, s10  }
0x1f9: {  	p2 =	slt.s32 s10, $0x1  }
.Ltmp41:
0x1fa: {  	_ = 	snop;
	(pc) =	sbr.rel @p2 .LBB2_58-.Ltmp41, $1  }
0x1fb: {  	_ =	sdelay $0x3  }
0x1fc: {  	v11 =	vshrl.u32 v11, $0xB;
	s11 =	simm.s32 $0x0  }
0x1fd: {  	v12 =	vmov s11;
	v13 =	vadd.s32 s11, v11  }
0x1fe: {  	vm1 =	vlt.u32 v12, v10;
	vm0 =	vlt.s32 v13, $0x3FF  }
0x1ff: {  	p2 =	sne.s32 s10, $0x1;
	v12 =	vnsel vm0, $0x3FF, v13  }
.Ltmp42:
0x200: {  	_ = 	snop;
	(pc) =	sbr.rel @!p2 .LBB2_57-.Ltmp42, $3  }
0x201: {  	_ =	sdelay $0x1  }
0x202: {  	vm0 =	vmmov vm1  }
0x203: {  	s11 =	simm.s32 $0x1;
	v13 =	vld.idx.msk [tilespmem:v12+s29+$0x0], vm1  }
.LBB2_56:
0x204: {  	_ =	sdelay $0x3  }
0x205: {  	v14 =	vmov s11;
	v15 =	vadd.s32 s11, v11;
	s11 =	sadd.s32 $0x1, s11;
	v16 =	vld.idx.msk [tilespmem:v12+s30+$0x0], vm0  }
0x206: {  	vm1 =	vlt.u32 v14, v10;
	vm2 =	vlt.s32 v15, $0x3FF;
	p2 =	sne.s32 s10, s11;
	v13 =	vadd.s32 v6, v13  }
0x207: {  	v12 =	vnsel vm2, $0x3FF, v15  }
.Ltmp43:
0x208: {  	(pc) =	sbr.rel @p2 .LBB2_56-.Ltmp43, $3  }
0x209: {  	_ =	sdelay $0x1  }
0x20a: {  	[tilespmem:v13+s24+$0x0] =	vst.idx.add.f32.msk vm0, v16;
	vm0 =	vmmov vm1  }
0x20b: {  	v13 =	vld.idx.msk [tilespmem:v12+s29+$0x0], vm1  }
.LBB2_57:
0x20c: {  	_ =	sdelay $0x4  }
0x20d: {  	v10 =	vld.idx.msk [tilespmem:v12+s30+$0x0], vm0;
	v11 =	vadd.s32 v6, v13;
	_ =	sdelay $0x4  }
0x20e: {  	[tilespmem:v11+s24+$0x0] =	vst.idx.add.f32.msk vm0, v10  }
.LBB2_58:
0x20f: {  	v11 =	vld [tilespmem:$0x19D0];
	_ =	sdelay $0x4  }
0x210: {  	v10 =	vand.u32 $0x7FF, v11  }
0x211: {  	v12 =	vor.u32 $0x80000000, v10  }
0x212: {  	(xrf0) =	vmax.scan.msk.u32 $0xffff, v12;
	_ =	sdelay $0x5  }
0x213: {  	v12, _, _ =	vpop (xrf0)  }
0x214: {  	(v2sf) =	vpush v12, $0xF;
	_ =	sdelay $0xe  }
0x215: {  	s10 =	spop (v2sf)  }
0x216: {  	s10 =	sxor.u32 $0x80000000, s10  }
0x217: {  	p2 =	slt.s32 s10, $0x1  }
.Ltmp44:
0x218: {  	_ = 	snop;
	(pc) =	sbr.rel @p2 .LBB2_62-.Ltmp44, $1  }
0x219: {  	_ =	sdelay $0x3  }
0x21a: {  	v11 =	vshrl.u32 v11, $0xB;
	s11 =	simm.s32 $0x0  }
0x21b: {  	v12 =	vmov s11;
	v13 =	vadd.s32 s11, v11  }
0x21c: {  	vm1 =	vlt.u32 v12, v10;
	vm0 =	vlt.s32 v13, $0x3FF  }
0x21d: {  	p2 =	sne.s32 s10, $0x1;
	v12 =	vnsel vm0, $0x3FF, v13  }
.Ltmp45:
0x21e: {  	_ = 	snop;
	(pc) =	sbr.rel @!p2 .LBB2_61-.Ltmp45, $3  }
0x21f: {  	_ =	sdelay $0x1  }
0x220: {  	vm0 =	vmmov vm1  }
0x221: {  	s11 =	simm.s32 $0x1;
	v13 =	vld.idx.msk [tilespmem:v12+s29+$0x0], vm1  }
.LBB2_60:
0x222: {  	_ =	sdelay $0x3  }
0x223: {  	v14 =	vmov s11;
	v15 =	vadd.s32 s11, v11;
	s11 =	sadd.s32 $0x1, s11;
	v16 =	vld.idx.msk [tilespmem:v12+s30+$0x0], vm0  }
0x224: {  	vm1 =	vlt.u32 v14, v10;
	vm2 =	vlt.s32 v15, $0x3FF;
	p2 =	sne.s32 s10, s11;
	v13 =	vadd.s32 v7, v13  }
0x225: {  	v12 =	vnsel vm2, $0x3FF, v15  }
.Ltmp46:
0x226: {  	(pc) =	sbr.rel @p2 .LBB2_60-.Ltmp46, $3  }
0x227: {  	_ =	sdelay $0x1  }
0x228: {  	[tilespmem:v13+s24+$0x0] =	vst.idx.add.f32.msk vm0, v16;
	vm0 =	vmmov vm1  }
0x229: {  	v13 =	vld.idx.msk [tilespmem:v12+s29+$0x0], vm1  }
.LBB2_61:
0x22a: {  	_ =	sdelay $0x4  }
0x22b: {  	v10 =	vld.idx.msk [tilespmem:v12+s30+$0x0], vm0;
	v11 =	vadd.s32 v7, v13;
	_ =	sdelay $0x4  }
0x22c: {  	[tilespmem:v11+s24+$0x0] =	vst.idx.add.f32.msk vm0, v10  }
.LBB2_62:
0x22d: {  	v11 =	vld [tilespmem:$0x19E0];
	_ =	sdelay $0x4  }
0x22e: {  	v10 =	vand.u32 $0x7FF, v11  }
0x22f: {  	v12 =	vor.u32 $0x80000000, v10  }
0x230: {  	(xrf0) =	vmax.scan.msk.u32 $0xffff, v12;
	_ =	sdelay $0x5  }
0x231: {  	v12, _, _ =	vpop (xrf0)  }
0x232: {  	(v2sf) =	vpush v12, $0xF;
	_ =	sdelay $0xe  }
0x233: {  	s10 =	spop (v2sf)  }
0x234: {  	s10 =	sxor.u32 $0x80000000, s10  }
0x235: {  	p2 =	slt.s32 s10, $0x1  }
.Ltmp47:
0x236: {  	_ = 	snop;
	(pc) =	sbr.rel @p2 .LBB2_66-.Ltmp47, $1  }
0x237: {  	_ =	sdelay $0x3  }
0x238: {  	v11 =	vshrl.u32 v11, $0xB;
	s11 =	simm.s32 $0x0  }
0x239: {  	v12 =	vmov s11;
	v13 =	vadd.s32 s11, v11  }
0x23a: {  	vm1 =	vlt.u32 v12, v10;
	vm0 =	vlt.s32 v13, $0x3FF  }
0x23b: {  	p2 =	sne.s32 s10, $0x1;
	v12 =	vnsel vm0, $0x3FF, v13  }
.Ltmp48:
0x23c: {  	_ = 	snop;
	(pc) =	sbr.rel @!p2 .LBB2_65-.Ltmp48, $3  }
0x23d: {  	_ =	sdelay $0x1  }
0x23e: {  	vm0 =	vmmov vm1  }
0x23f: {  	s11 =	simm.s32 $0x1;
	v13 =	vld.idx.msk [tilespmem:v12+s29+$0x0], vm1  }
.LBB2_64:
0x240: {  	_ =	sdelay $0x3  }
0x241: {  	v14 =	vmov s11;
	v15 =	vadd.s32 s11, v11;
	s11 =	sadd.s32 $0x1, s11;
	v16 =	vld.idx.msk [tilespmem:v12+s30+$0x0], vm0  }
0x242: {  	vm1 =	vlt.u32 v14, v10;
	vm2 =	vlt.s32 v15, $0x3FF;
	p2 =	sne.s32 s10, s11;
	v13 =	vadd.s32 v8, v13  }
0x243: {  	v12 =	vnsel vm2, $0x3FF, v15  }
.Ltmp49:
0x244: {  	(pc) =	sbr.rel @p2 .LBB2_64-.Ltmp49, $3  }
0x245: {  	_ =	sdelay $0x1  }
0x246: {  	[tilespmem:v13+s24+$0x0] =	vst.idx.add.f32.msk vm0, v16;
	vm0 =	vmmov vm1  }
0x247: {  	v13 =	vld.idx.msk [tilespmem:v12+s29+$0x0], vm1  }
.LBB2_65:
0x248: {  	_ =	sdelay $0x4  }
0x249: {  	v10 =	vld.idx.msk [tilespmem:v12+s30+$0x0], vm0;
	v11 =	vadd.s32 v8, v13;
	_ =	sdelay $0x4  }
0x24a: {  	[tilespmem:v11+s24+$0x0] =	vst.idx.add.f32.msk vm0, v10  }
.LBB2_66:
0x24b: {  	v11 =	vld [tilespmem:$0x19F0];
	_ =	sdelay $0x4  }
0x24c: {  	v10 =	vand.u32 $0x7FF, v11  }
0x24d: {  	v12 =	vor.u32 $0x80000000, v10  }
0x24e: {  	(xrf0) =	vmax.scan.msk.u32 $0xffff, v12;
	_ =	sdelay $0x5  }
0x24f: {  	v12, _, _ =	vpop (xrf0)  }
0x250: {  	(v2sf) =	vpush v12, $0xF;
	_ =	sdelay $0xe  }
0x251: {  	s10 =	spop (v2sf)  }
0x252: {  	s10 =	sxor.u32 $0x80000000, s10  }
0x253: {  	p2 =	slt.s32 s10, $0x1  }
.Ltmp50:
0x254: {  	_ = 	snop;
	(pc) =	sbr.rel @p2 .LBB2_70-.Ltmp50, $1  }
0x255: {  	_ =	sdelay $0x3  }
0x256: {  	v11 =	vshrl.u32 v11, $0xB;
	s11 =	simm.s32 $0x0  }
0x257: {  	v12 =	vmov s11;
	v13 =	vadd.s32 s11, v11  }
0x258: {  	vm1 =	vlt.u32 v12, v10;
	vm0 =	vlt.s32 v13, $0x3FF  }
0x259: {  	p2 =	sne.s32 s10, $0x1;
	v12 =	vnsel vm0, $0x3FF, v13  }
.Ltmp51:
0x25a: {  	_ = 	snop;
	(pc) =	sbr.rel @!p2 .LBB2_69-.Ltmp51, $3  }
0x25b: {  	_ =	sdelay $0x1  }
0x25c: {  	vm0 =	vmmov vm1  }
0x25d: {  	s11 =	simm.s32 $0x1;
	v13 =	vld.idx.msk [tilespmem:v12+s29+$0x0], vm1  }
.LBB2_68:
0x25e: {  	_ =	sdelay $0x3  }
0x25f: {  	v14 =	vmov s11;
	v15 =	vadd.s32 s11, v11;
	s11 =	sadd.s32 $0x1, s11;
	v16 =	vld.idx.msk [tilespmem:v12+s30+$0x0], vm0  }
0x260: {  	vm1 =	vlt.u32 v14, v10;
	vm2 =	vlt.s32 v15, $0x3FF;
	p2 =	sne.s32 s10, s11;
	v13 =	vadd.s32 v9, v13  }
0x261: {  	v12 =	vnsel vm2, $0x3FF, v15  }
.Ltmp52:
0x262: {  	(pc) =	sbr.rel @p2 .LBB2_68-.Ltmp52, $3  }
0x263: {  	_ =	sdelay $0x1  }
0x264: {  	[tilespmem:v13+s24+$0x0] =	vst.idx.add.f32.msk vm0, v16;
	vm0 =	vmmov vm1  }
0x265: {  	v13 =	vld.idx.msk [tilespmem:v12+s29+$0x0], vm1  }
.LBB2_69:
0x266: {  	_ =	sdelay $0x4  }
0x267: {  	v10 =	vld.idx.msk [tilespmem:v12+s30+$0x0], vm0;
	v11 =	vadd.s32 v9, v13;
	_ =	sdelay $0x4  }
0x268: {  	[tilespmem:v11+s24+$0x0] =	vst.idx.add.f32.msk vm0, v10  }
.LBB2_70:
.Ltmp53:
0x269: {  	s10 =	sshll.u32 s9, $0xF;
	(pc) =	sbr.rel @p1 .LBB2_104-.Ltmp53, $4  }
0x26a: {  	s11 =	sadd.s32 s19, s10  }
0x26b: {  	s11 =	sshrl.u32 s11, $0x3  }
0x26c: {  	s11 =	sadd.s32 s2, s11  }
0x26d: {  	[hbm4b:s11+s7] =	stream.linear.scatter [tilespmem:s24], [sflag:$0x6], $0x4000, $0x38;
	[tilespmem:$0xDE00] =	vst v63  }
0x26e: {  	_ =	swait.ge [sflag:s6], $0x4000;
	s11 =	sshll.u32 s9, $0x8  }
0x26f: {  	[sflag:s6] =	ssyncset.done $0x0;
	s11 =	sand.u32 $0x3FFFFF00, s11  }
0x270: {  	[sflag:s6] =	ssyncadd.s32 $0xFFFFC000;
	s11 =	sor.u32 $0x80, s11  }
0x271: {  	[tilespmem:s24], [sflag:$0x2] =	stream.indirect.gather [hbm4b:s1+s22], $0x80, s11, s22, $0xb8;
	[tilespmem:$0xDE00] =	vst v63  }
0x272: {  	_ = 	snop  }
0x273: {  	[tilespmem:s4], [sflag:$0x4] =	stream.indirect.gather [spmem:s3], $0x1, s11, s22, $0xb8;
	[tilespmem:$0xDE00] =	vst v63  }
0x274: {  	_ =	swait.ge [sflag:s0], $0x4000  }
0x275: {  	[sflag:s0] =	ssyncset.done $0x0  }
0x276: {  	[sflag:s0] =	ssyncadd.s32 $0xFFFFC000  }
0x277: {  	_ =	swait.ge [sflag:s25], $0x80  }
0x278: {  	[sflag:s25] =	ssyncset.done $0x0  }
0x279: {  	[sflag:s25] =	ssyncadd.s32 $0xFFFFFF80  }
0x27a: {  	v11 =	vld [tilespmem:$0x1900];
	_ =	sdelay $0x4  }
0x27b: {  	v10 =	vand.u32 $0x7FF, v11  }
0x27c: {  	v12 =	vor.u32 $0x80000000, v10  }
0x27d: {  	(xrf0) =	vmax.scan.msk.u32 $0xffff, v12;
	_ =	sdelay $0x5  }
0x27e: {  	v12, _, _ =	vpop (xrf0)  }
0x27f: {  	(v2sf) =	vpush v12, $0xF;
	_ =	sdelay $0xe  }
0x280: {  	s14 =	spop (v2sf)  }
0x281: {  	s11 =	sxor.u32 $0x80000000, s14  }
0x282: {  	p1 =	slt.s32 s11, $0x1  }
.Ltmp54:
0x283: {  	_ = 	snop;
	(pc) =	sbr.rel @p1 .LBB2_75-.Ltmp54, $1  }
0x284: {  	_ =	sdelay $0x3  }
0x285: {  	v11 =	vshrl.u32 v11, $0xB;
	s12 =	simm.s32 $0x0  }
0x286: {  	v12 =	vmov s12;
	v13 =	vadd.s32 s12, v11  }
0x287: {  	vm1 =	vlt.u32 v12, v10;
	vm0 =	vlt.s32 v13, $0x3FF  }
0x288: {  	p1 =	sne.s32 s11, $0x1;
	v12 =	vnsel vm0, $0x3FF, v13  }
.Ltmp55:
0x289: {  	_ = 	snop;
	(pc) =	sbr.rel @!p1 .LBB2_74-.Ltmp55, $3  }
0x28a: {  	_ =	sdelay $0x1  }
0x28b: {  	vm0 =	vmmov vm1  }
0x28c: {  	s12 =	simm.s32 $0x1;
	v13 =	vld.idx.msk [tilespmem:v12+s29+$0x0], vm1  }
.LBB2_73:
0x28d: {  	_ =	sdelay $0x3  }
0x28e: {  	v14 =	vmov s12;
	v15 =	vadd.s32 s12, v11;
	s12 =	sadd.s32 $0x1, s12;
	v16 =	vld.idx.msk [tilespmem:v12+s30+$0x0], vm0  }
0x28f: {  	vm1 =	vlt.u32 v14, v10;
	vm2 =	vlt.s32 v15, $0x3FF;
	p1 =	sne.s32 s11, s12;
	v13 =	vadd.s32 v0, v13  }
0x290: {  	v12 =	vnsel vm2, $0x3FF, v15  }
.Ltmp56:
0x291: {  	(pc) =	sbr.rel @p1 .LBB2_73-.Ltmp56, $3  }
0x292: {  	_ =	sdelay $0x1  }
0x293: {  	[tilespmem:v13+s23+$0x0] =	vst.idx.add.f32.msk vm0, v16;
	vm0 =	vmmov vm1  }
0x294: {  	v13 =	vld.idx.msk [tilespmem:v12+s29+$0x0], vm1  }
.LBB2_74:
0x295: {  	_ =	sdelay $0x4  }
0x296: {  	v10 =	vld.idx.msk [tilespmem:v12+s30+$0x0], vm0;
	v11 =	vadd.s32 v0, v13;
	_ =	sdelay $0x4  }
0x297: {  	[tilespmem:v11+s23+$0x0] =	vst.idx.add.f32.msk vm0, v10  }
.LBB2_75:
0x298: {  	v11 =	vld [tilespmem:$0x1910];
	_ =	sdelay $0x4  }
0x299: {  	v10 =	vand.u32 $0x7FF, v11  }
0x29a: {  	v12 =	vor.u32 $0x80000000, v10  }
0x29b: {  	(xrf0) =	vmax.scan.msk.u32 $0xffff, v12;
	_ =	sdelay $0x5  }
0x29c: {  	v12, _, _ =	vpop (xrf0)  }
0x29d: {  	(v2sf) =	vpush v12, $0xF;
	_ =	sdelay $0xe  }
0x29e: {  	s11 =	spop (v2sf)  }
0x29f: {  	s11 =	sxor.u32 $0x80000000, s11  }
0x2a0: {  	p1 =	slt.s32 s11, $0x1  }
.Ltmp57:
0x2a1: {  	_ = 	snop;
	(pc) =	sbr.rel @p1 .LBB2_79-.Ltmp57, $1  }
0x2a2: {  	_ =	sdelay $0x3  }
0x2a3: {  	v11 =	vshrl.u32 v11, $0xB;
	s12 =	simm.s32 $0x0  }
0x2a4: {  	v12 =	vmov s12;
	v13 =	vadd.s32 s12, v11  }
0x2a5: {  	vm1 =	vlt.u32 v12, v10;
	vm0 =	vlt.s32 v13, $0x3FF  }
0x2a6: {  	p1 =	sne.s32 s11, $0x1;
	v12 =	vnsel vm0, $0x3FF, v13  }
.Ltmp58:
0x2a7: {  	_ = 	snop;
	(pc) =	sbr.rel @!p1 .LBB2_78-.Ltmp58, $3  }
0x2a8: {  	_ =	sdelay $0x1  }
0x2a9: {  	vm0 =	vmmov vm1  }
0x2aa: {  	s12 =	simm.s32 $0x1;
	v13 =	vld.idx.msk [tilespmem:v12+s29+$0x0], vm1  }
.LBB2_77:
0x2ab: {  	_ =	sdelay $0x3  }
0x2ac: {  	v14 =	vmov s12;
	v15 =	vadd.s32 s12, v11;
	s12 =	sadd.s32 $0x1, s12;
	v16 =	vld.idx.msk [tilespmem:v12+s30+$0x0], vm0  }
0x2ad: {  	vm1 =	vlt.u32 v14, v10;
	vm2 =	vlt.s32 v15, $0x3FF;
	p1 =	sne.s32 s11, s12;
	v13 =	vadd.s32 v3, v13  }
0x2ae: {  	v12 =	vnsel vm2, $0x3FF, v15  }
.Ltmp59:
0x2af: {  	(pc) =	sbr.rel @p1 .LBB2_77-.Ltmp59, $3  }
0x2b0: {  	_ =	sdelay $0x1  }
0x2b1: {  	[tilespmem:v13+s23+$0x0] =	vst.idx.add.f32.msk vm0, v16;
	vm0 =	vmmov vm1  }
0x2b2: {  	v13 =	vld.idx.msk [tilespmem:v12+s29+$0x0], vm1  }
.LBB2_78:
0x2b3: {  	_ =	sdelay $0x4  }
0x2b4: {  	v10 =	vld.idx.msk [tilespmem:v12+s30+$0x0], vm0;
	v11 =	vadd.s32 v3, v13;
	_ =	sdelay $0x4  }
0x2b5: {  	[tilespmem:v11+s23+$0x0] =	vst.idx.add.f32.msk vm0, v10  }
.LBB2_79:
0x2b6: {  	v11 =	vld [tilespmem:$0x1920];
	_ =	sdelay $0x4  }
0x2b7: {  	v10 =	vand.u32 $0x7FF, v11  }
0x2b8: {  	v12 =	vor.u32 $0x80000000, v10  }
0x2b9: {  	(xrf0) =	vmax.scan.msk.u32 $0xffff, v12;
	_ =	sdelay $0x5  }
0x2ba: {  	v12, _, _ =	vpop (xrf0)  }
0x2bb: {  	(v2sf) =	vpush v12, $0xF;
	_ =	sdelay $0xe  }
0x2bc: {  	s11 =	spop (v2sf)  }
0x2bd: {  	s11 =	sxor.u32 $0x80000000, s11  }
0x2be: {  	p1 =	slt.s32 s11, $0x1  }
.Ltmp60:
0x2bf: {  	_ = 	snop;
	(pc) =	sbr.rel @p1 .LBB2_83-.Ltmp60, $1  }
0x2c0: {  	_ =	sdelay $0x3  }
0x2c1: {  	v11 =	vshrl.u32 v11, $0xB;
	s12 =	simm.s32 $0x0  }
0x2c2: {  	v12 =	vmov s12;
	v13 =	vadd.s32 s12, v11  }
0x2c3: {  	vm1 =	vlt.u32 v12, v10;
	vm0 =	vlt.s32 v13, $0x3FF  }
0x2c4: {  	p1 =	sne.s32 s11, $0x1;
	v12 =	vnsel vm0, $0x3FF, v13  }
.Ltmp61:
0x2c5: {  	_ = 	snop;
	(pc) =	sbr.rel @!p1 .LBB2_82-.Ltmp61, $3  }
0x2c6: {  	_ =	sdelay $0x1  }
0x2c7: {  	vm0 =	vmmov vm1  }
0x2c8: {  	s12 =	simm.s32 $0x1;
	v13 =	vld.idx.msk [tilespmem:v12+s29+$0x0], vm1  }
.LBB2_81:
0x2c9: {  	_ =	sdelay $0x3  }
0x2ca: {  	v14 =	vmov s12;
	v15 =	vadd.s32 s12, v11;
	s12 =	sadd.s32 $0x1, s12;
	v16 =	vld.idx.msk [tilespmem:v12+s30+$0x0], vm0  }
0x2cb: {  	vm1 =	vlt.u32 v14, v10;
	vm2 =	vlt.s32 v15, $0x3FF;
	p1 =	sne.s32 s11, s12;
	v13 =	vadd.s32 v4, v13  }
0x2cc: {  	v12 =	vnsel vm2, $0x3FF, v15  }
.Ltmp62:
0x2cd: {  	(pc) =	sbr.rel @p1 .LBB2_81-.Ltmp62, $3  }
0x2ce: {  	_ =	sdelay $0x1  }
0x2cf: {  	[tilespmem:v13+s23+$0x0] =	vst.idx.add.f32.msk vm0, v16;
	vm0 =	vmmov vm1  }
0x2d0: {  	v13 =	vld.idx.msk [tilespmem:v12+s29+$0x0], vm1  }
.LBB2_82:
0x2d1: {  	_ =	sdelay $0x4  }
0x2d2: {  	v10 =	vld.idx.msk [tilespmem:v12+s30+$0x0], vm0;
	v11 =	vadd.s32 v4, v13;
	_ =	sdelay $0x4  }
0x2d3: {  	[tilespmem:v11+s23+$0x0] =	vst.idx.add.f32.msk vm0, v10  }
.LBB2_83:
0x2d4: {  	v11 =	vld [tilespmem:$0x1930];
	_ =	sdelay $0x4  }
0x2d5: {  	v10 =	vand.u32 $0x7FF, v11  }
0x2d6: {  	v12 =	vor.u32 $0x80000000, v10  }
0x2d7: {  	(xrf0) =	vmax.scan.msk.u32 $0xffff, v12;
	_ =	sdelay $0x5  }
0x2d8: {  	v12, _, _ =	vpop (xrf0)  }
0x2d9: {  	(v2sf) =	vpush v12, $0xF;
	_ =	sdelay $0xe  }
0x2da: {  	s11 =	spop (v2sf)  }
0x2db: {  	s11 =	sxor.u32 $0x80000000, s11  }
0x2dc: {  	p1 =	slt.s32 s11, $0x1  }
.Ltmp63:
0x2dd: {  	_ = 	snop;
	(pc) =	sbr.rel @p1 .LBB2_87-.Ltmp63, $1  }
0x2de: {  	_ =	sdelay $0x3  }
0x2df: {  	v11 =	vshrl.u32 v11, $0xB;
	s12 =	simm.s32 $0x0  }
0x2e0: {  	v12 =	vmov s12;
	v13 =	vadd.s32 s12, v11  }
0x2e1: {  	vm1 =	vlt.u32 v12, v10;
	vm0 =	vlt.s32 v13, $0x3FF  }
0x2e2: {  	p1 =	sne.s32 s11, $0x1;
	v12 =	vnsel vm0, $0x3FF, v13  }
.Ltmp64:
0x2e3: {  	_ = 	snop;
	(pc) =	sbr.rel @!p1 .LBB2_86-.Ltmp64, $3  }
0x2e4: {  	_ =	sdelay $0x1  }
0x2e5: {  	vm0 =	vmmov vm1  }
0x2e6: {  	s12 =	simm.s32 $0x1;
	v13 =	vld.idx.msk [tilespmem:v12+s29+$0x0], vm1  }
.LBB2_85:
0x2e7: {  	_ =	sdelay $0x3  }
0x2e8: {  	v14 =	vmov s12;
	v15 =	vadd.s32 s12, v11;
	s12 =	sadd.s32 $0x1, s12;
	v16 =	vld.idx.msk [tilespmem:v12+s30+$0x0], vm0  }
0x2e9: {  	vm1 =	vlt.u32 v14, v10;
	vm2 =	vlt.s32 v15, $0x3FF;
	p1 =	sne.s32 s11, s12;
	v13 =	vadd.s32 v5, v13  }
0x2ea: {  	v12 =	vnsel vm2, $0x3FF, v15  }
.Ltmp65:
0x2eb: {  	(pc) =	sbr.rel @p1 .LBB2_85-.Ltmp65, $3  }
0x2ec: {  	_ =	sdelay $0x1  }
0x2ed: {  	[tilespmem:v13+s23+$0x0] =	vst.idx.add.f32.msk vm0, v16;
	vm0 =	vmmov vm1  }
0x2ee: {  	v13 =	vld.idx.msk [tilespmem:v12+s29+$0x0], vm1  }
.LBB2_86:
0x2ef: {  	_ =	sdelay $0x4  }
0x2f0: {  	v10 =	vld.idx.msk [tilespmem:v12+s30+$0x0], vm0;
	v11 =	vadd.s32 v5, v13;
	_ =	sdelay $0x4  }
0x2f1: {  	[tilespmem:v11+s23+$0x0] =	vst.idx.add.f32.msk vm0, v10  }
.LBB2_87:
0x2f2: {  	v11 =	vld [tilespmem:$0x1940];
	_ =	sdelay $0x4  }
0x2f3: {  	v10 =	vand.u32 $0x7FF, v11  }
0x2f4: {  	v12 =	vor.u32 $0x80000000, v10  }
0x2f5: {  	(xrf0) =	vmax.scan.msk.u32 $0xffff, v12;
	_ =	sdelay $0x5  }
0x2f6: {  	v12, _, _ =	vpop (xrf0)  }
0x2f7: {  	(v2sf) =	vpush v12, $0xF;
	_ =	sdelay $0xe  }
0x2f8: {  	s11 =	spop (v2sf)  }
0x2f9: {  	s11 =	sxor.u32 $0x80000000, s11  }
0x2fa: {  	p1 =	slt.s32 s11, $0x1  }
.Ltmp66:
0x2fb: {  	_ = 	snop;
	(pc) =	sbr.rel @p1 .LBB2_91-.Ltmp66, $1  }
0x2fc: {  	_ =	sdelay $0x3  }
0x2fd: {  	v11 =	vshrl.u32 v11, $0xB;
	s12 =	simm.s32 $0x0  }
0x2fe: {  	v12 =	vmov s12;
	v13 =	vadd.s32 s12, v11  }
0x2ff: {  	vm1 =	vlt.u32 v12, v10;
	vm0 =	vlt.s32 v13, $0x3FF  }
0x300: {  	p1 =	sne.s32 s11, $0x1;
	v12 =	vnsel vm0, $0x3FF, v13  }
.Ltmp67:
0x301: {  	_ = 	snop;
	(pc) =	sbr.rel @!p1 .LBB2_90-.Ltmp67, $3  }
0x302: {  	_ =	sdelay $0x1  }
0x303: {  	vm0 =	vmmov vm1  }
0x304: {  	s12 =	simm.s32 $0x1;
	v13 =	vld.idx.msk [tilespmem:v12+s29+$0x0], vm1  }
.LBB2_89:
0x305: {  	_ =	sdelay $0x3  }
0x306: {  	v14 =	vmov s12;
	v15 =	vadd.s32 s12, v11;
	s12 =	sadd.s32 $0x1, s12;
	v16 =	vld.idx.msk [tilespmem:v12+s30+$0x0], vm0  }
0x307: {  	vm1 =	vlt.u32 v14, v10;
	vm2 =	vlt.s32 v15, $0x3FF;
	p1 =	sne.s32 s11, s12;
	v13 =	vadd.s32 v6, v13  }
0x308: {  	v12 =	vnsel vm2, $0x3FF, v15  }
.Ltmp68:
0x309: {  	(pc) =	sbr.rel @p1 .LBB2_89-.Ltmp68, $3  }
0x30a: {  	_ =	sdelay $0x1  }
0x30b: {  	[tilespmem:v13+s23+$0x0] =	vst.idx.add.f32.msk vm0, v16;
	vm0 =	vmmov vm1  }
0x30c: {  	v13 =	vld.idx.msk [tilespmem:v12+s29+$0x0], vm1  }
.LBB2_90:
0x30d: {  	_ =	sdelay $0x4  }
0x30e: {  	v10 =	vld.idx.msk [tilespmem:v12+s30+$0x0], vm0;
	v11 =	vadd.s32 v6, v13;
	_ =	sdelay $0x4  }
0x30f: {  	[tilespmem:v11+s23+$0x0] =	vst.idx.add.f32.msk vm0, v10  }
.LBB2_91:
0x310: {  	v11 =	vld [tilespmem:$0x1950];
	_ =	sdelay $0x4  }
0x311: {  	v10 =	vand.u32 $0x7FF, v11  }
0x312: {  	v12 =	vor.u32 $0x80000000, v10  }
0x313: {  	(xrf0) =	vmax.scan.msk.u32 $0xffff, v12;
	_ =	sdelay $0x5  }
0x314: {  	v12, _, _ =	vpop (xrf0)  }
0x315: {  	(v2sf) =	vpush v12, $0xF;
	_ =	sdelay $0xe  }
0x316: {  	s11 =	spop (v2sf)  }
0x317: {  	s11 =	sxor.u32 $0x80000000, s11  }
0x318: {  	p1 =	slt.s32 s11, $0x1  }
.Ltmp69:
0x319: {  	_ = 	snop;
	(pc) =	sbr.rel @p1 .LBB2_95-.Ltmp69, $1  }
0x31a: {  	_ =	sdelay $0x3  }
0x31b: {  	v11 =	vshrl.u32 v11, $0xB;
	s12 =	simm.s32 $0x0  }
0x31c: {  	v12 =	vmov s12;
	v13 =	vadd.s32 s12, v11  }
0x31d: {  	vm1 =	vlt.u32 v12, v10;
	vm0 =	vlt.s32 v13, $0x3FF  }
0x31e: {  	p1 =	sne.s32 s11, $0x1;
	v12 =	vnsel vm0, $0x3FF, v13  }
.Ltmp70:
0x31f: {  	_ = 	snop;
	(pc) =	sbr.rel @!p1 .LBB2_94-.Ltmp70, $3  }
0x320: {  	_ =	sdelay $0x1  }
0x321: {  	vm0 =	vmmov vm1  }
0x322: {  	s12 =	simm.s32 $0x1;
	v13 =	vld.idx.msk [tilespmem:v12+s29+$0x0], vm1  }
.LBB2_93:
0x323: {  	_ =	sdelay $0x3  }
0x324: {  	v14 =	vmov s12;
	v15 =	vadd.s32 s12, v11;
	s12 =	sadd.s32 $0x1, s12;
	v16 =	vld.idx.msk [tilespmem:v12+s30+$0x0], vm0  }
0x325: {  	vm1 =	vlt.u32 v14, v10;
	vm2 =	vlt.s32 v15, $0x3FF;
	p1 =	sne.s32 s11, s12;
	v13 =	vadd.s32 v7, v13  }
0x326: {  	v12 =	vnsel vm2, $0x3FF, v15  }
.Ltmp71:
0x327: {  	(pc) =	sbr.rel @p1 .LBB2_93-.Ltmp71, $3  }
0x328: {  	_ =	sdelay $0x1  }
0x329: {  	[tilespmem:v13+s23+$0x0] =	vst.idx.add.f32.msk vm0, v16;
	vm0 =	vmmov vm1  }
0x32a: {  	v13 =	vld.idx.msk [tilespmem:v12+s29+$0x0], vm1  }
.LBB2_94:
0x32b: {  	_ =	sdelay $0x4  }
0x32c: {  	v10 =	vld.idx.msk [tilespmem:v12+s30+$0x0], vm0;
	v11 =	vadd.s32 v7, v13;
	_ =	sdelay $0x4  }
0x32d: {  	[tilespmem:v11+s23+$0x0] =	vst.idx.add.f32.msk vm0, v10  }
.LBB2_95:
0x32e: {  	v11 =	vld [tilespmem:$0x1960];
	_ =	sdelay $0x4  }
0x32f: {  	v10 =	vand.u32 $0x7FF, v11  }
0x330: {  	v12 =	vor.u32 $0x80000000, v10  }
0x331: {  	(xrf0) =	vmax.scan.msk.u32 $0xffff, v12;
	_ =	sdelay $0x5  }
0x332: {  	v12, _, _ =	vpop (xrf0)  }
0x333: {  	(v2sf) =	vpush v12, $0xF;
	_ =	sdelay $0xe  }
0x334: {  	s11 =	spop (v2sf)  }
0x335: {  	s11 =	sxor.u32 $0x80000000, s11  }
0x336: {  	p1 =	slt.s32 s11, $0x1  }
.Ltmp72:
0x337: {  	_ = 	snop;
	(pc) =	sbr.rel @p1 .LBB2_99-.Ltmp72, $1  }
0x338: {  	_ =	sdelay $0x3  }
0x339: {  	v11 =	vshrl.u32 v11, $0xB;
	s12 =	simm.s32 $0x0  }
0x33a: {  	v12 =	vmov s12;
	v13 =	vadd.s32 s12, v11  }
0x33b: {  	vm1 =	vlt.u32 v12, v10;
	vm0 =	vlt.s32 v13, $0x3FF  }
0x33c: {  	p1 =	sne.s32 s11, $0x1;
	v12 =	vnsel vm0, $0x3FF, v13  }
.Ltmp73:
0x33d: {  	_ = 	snop;
	(pc) =	sbr.rel @!p1 .LBB2_98-.Ltmp73, $3  }
0x33e: {  	_ =	sdelay $0x1  }
0x33f: {  	vm0 =	vmmov vm1  }
0x340: {  	s12 =	simm.s32 $0x1;
	v13 =	vld.idx.msk [tilespmem:v12+s29+$0x0], vm1  }
.LBB2_97:
0x341: {  	_ =	sdelay $0x3  }
0x342: {  	v14 =	vmov s12;
	v15 =	vadd.s32 s12, v11;
	s12 =	sadd.s32 $0x1, s12;
	v16 =	vld.idx.msk [tilespmem:v12+s30+$0x0], vm0  }
0x343: {  	vm1 =	vlt.u32 v14, v10;
	vm2 =	vlt.s32 v15, $0x3FF;
	p1 =	sne.s32 s11, s12;
	v13 =	vadd.s32 v8, v13  }
0x344: {  	v12 =	vnsel vm2, $0x3FF, v15  }
.Ltmp74:
0x345: {  	(pc) =	sbr.rel @p1 .LBB2_97-.Ltmp74, $3  }
0x346: {  	_ =	sdelay $0x1  }
0x347: {  	[tilespmem:v13+s23+$0x0] =	vst.idx.add.f32.msk vm0, v16;
	vm0 =	vmmov vm1  }
0x348: {  	v13 =	vld.idx.msk [tilespmem:v12+s29+$0x0], vm1  }
.LBB2_98:
0x349: {  	_ =	sdelay $0x4  }
0x34a: {  	v10 =	vld.idx.msk [tilespmem:v12+s30+$0x0], vm0;
	v11 =	vadd.s32 v8, v13;
	_ =	sdelay $0x4  }
0x34b: {  	[tilespmem:v11+s23+$0x0] =	vst.idx.add.f32.msk vm0, v10  }
.LBB2_99:
0x34c: {  	v11 =	vld [tilespmem:$0x1970];
	_ =	sdelay $0x4  }
0x34d: {  	v10 =	vand.u32 $0x7FF, v11  }
0x34e: {  	v12 =	vor.u32 $0x80000000, v10  }
0x34f: {  	(xrf0) =	vmax.scan.msk.u32 $0xffff, v12;
	_ =	sdelay $0x5  }
0x350: {  	v12, _, _ =	vpop (xrf0)  }
0x351: {  	(v2sf) =	vpush v12, $0xF;
	_ =	sdelay $0xe  }
0x352: {  	s11 =	spop (v2sf)  }
0x353: {  	s11 =	sxor.u32 $0x80000000, s11  }
0x354: {  	p1 =	slt.s32 s11, $0x1  }
.Ltmp75:
0x355: {  	_ = 	snop;
	(pc) =	sbr.rel @p1 .LBB2_103-.Ltmp75, $1  }
0x356: {  	_ =	sdelay $0x3  }
0x357: {  	v11 =	vshrl.u32 v11, $0xB;
	s12 =	simm.s32 $0x0  }
0x358: {  	v12 =	vmov s12;
	v13 =	vadd.s32 s12, v11  }
0x359: {  	vm1 =	vlt.u32 v12, v10;
	vm0 =	vlt.s32 v13, $0x3FF  }
0x35a: {  	v12 =	vnsel vm0, $0x3FF, v13;
	_ =	sdelay $0x2  }
0x35b: {  	p1 =	sne.s32 s11, $0x1;
	vm0 =	vmmov vm1  }
.Ltmp76:
0x35c: {  	_ = 	snop;
	(pc) =	sbr.rel @!p1 .LBB2_102-.Ltmp76, $2  }
0x35d: {  	v13 =	vld.idx.msk [tilespmem:v12+s29+$0x0], vm1;
	_ =	sdelay $0x2  }
0x35e: {  	s12 =	simm.s32 $0x1  }
.LBB2_101:
0x35f: {  	v14 =	vmov s12;
	v15 =	vadd.s32 s12, v11;
	s12 =	sadd.s32 $0x1, s12;
	v16 =	vld.idx.msk [tilespmem:v12+s30+$0x0], vm0  }
0x360: {  	v13 =	vadd.s32 v9, v13;
	vm1 =	vlt.u32 v14, v10;
	vm2 =	vlt.s32 v15, $0x3FF;
	p1 =	sne.s32 s11, s12  }
0x361: {  	v12 =	vnsel vm2, $0x3FF, v15  }
.Ltmp77:
0x362: {  	(pc) =	sbr.rel @p1 .LBB2_101-.Ltmp77, $3  }
0x363: {  	_ =	sdelay $0x1  }
0x364: {  	[tilespmem:v13+s23+$0x0] =	vst.idx.add.f32.msk vm0, v16;
	vm0 =	vmmov vm1  }
0x365: {  	v13 =	vld.idx.msk [tilespmem:v12+s29+$0x0], vm1  }
.Ltmp78:
0x366: {  	_ = 	snop;
	(pc) =	sbr.rel .LBB2_102-.Ltmp78, $1  }
0x367: {  	_ =	sdelay $0x3  }
.LBB2_105:
0x368: {  	_ =	sfence.sel $0x180000  }
0x369: {  	[bflag:$0x0] =	sbarrier.arrive $0xFFFF  }
0x36a: {  	_ =	strace $0x90000047  }
0x36b: {  	s0 =	stileid.u32;
	[bflag:$0x2] =	sbarrier.arrive $0xFFFF  }
0x36c: {  	p0 =	sne.s32 s0, $0x0;
	s0 =	rddreg [dreg:$0x6]  }
0x36d: {  	s0 =	sadd.s32 @!p0 $0x100000, s0  }
0x36e: {  	[sflag:s0] =	ssyncadd.tile.s32 @!p0 $0x1;
	_ =	shalt  }
.Lfunc_end2:
_tile_overlayer_lowered:
.L_overlay_start_2:
0x36f: {  	(tag) =	ssettag $0x2  }
0x370: {  	s0 =	rddreg [dreg:$0x0];
	s2 =	stileid.u32  }
0x371: {  	s1 =	rddreg [dreg:$0x1];
	p0 =	sne.s32 s2, $0x0  }
0x372: {  	s3 =	rddreg [dreg:$0x2];
	[bflag:$0x3] =	sbarrier.arrive $0xFFFF;
	s2 =	simm.s32 @!p0 $0x1C09  }
0x373: {  	[timem:s3], [sflag:s2] =	dma.local @!p0 [hbm:s0], s1  }
0x374: {  	s0 =	simm.s32 @!p0 $0x9  }
0x375: {  	_ =	swait.ge @!p0 [sflag:s0], s1  }
0x376: {  	s1 =	ssub.s32 @!p0 $0x0, s1;
	[sflag:s0] =	ssyncset.done @!p0 $0x0  }
0x377: {  	[sflag:s0] =	ssyncadd.s32 @!p0 s1  }
0x378: {  	[bflag:$0x3] =	sbarrier.arrive $0xFFFF  }
0x379: {  	_ =	shalt  }

</sc_bundles>
